<compile_context>
chip_gen: v7x
topology: tpu7x:2x2x1
jax: 0.10.2.dev20260603
libtpu: 0.0.44.dev20260713+nightly
codegen_flags: <defaults>
</compile_context>

<pallas_src>
import numpy as np
import jax
import jax.numpy as jnp
from jax import lax
from jax.experimental import pallas as pl
from jax.experimental.pallas import tpu as pltpu
from jax.experimental.pallas import tpu_sc as plsc

BATCH = 4096
ED = 32
BLK = 512
NBLK = BATCH // BLK
NPART = 50
NTAG = 20
EPS = 1e-5
NWORK = 32
NELEM = float(BATCH * ED)

_R_BIG = BATCH // NWORK
_R_PART = BATCH * NPART // NWORK
_R_TAG = BATCH * NTAG // NWORK
_CH = 1280

_FEATS = ['uid', 'gender', 'level', 'constellation', 'birthyear', 'region',
          'price', 'pid', 'owner', 'planner', 'maxprice', 'minprice',
          'participant_num', 'participants', 'project_tagid']
NF = len(_FEATS)

_SMALL = {'gender': 3, 'level': 10, 'constellation': 12, 'birthyear': 100,
          'price': 1000, 'country': 200, 'province': 40, 'city': 1000,
          'maxprice': 1000, 'minprice': 1000, 'participant_num': 500}



def _dotx(a, b, a_exact_bf16=False):
    f32 = jnp.float32
    bf = jnp.bfloat16
    bh = b.astype(bf)
    bm = (b - bh.astype(f32)).astype(bf)
    ah = a.astype(bf)
    out = (jnp.dot(ah, bh, preferred_element_type=f32) +
           jnp.dot(ah, bm, preferred_element_type=f32))
    if not a_exact_bf16:
        am = (a - ah.astype(f32)).astype(bf)
        out = out + jnp.dot(am, bh, preferred_element_type=f32)
    return out

def _sc_gather_body(t_uid, t_pid, t_own, t_plan, t_parts, t_tag,
                    i_uid, i_pid, i_own, i_plan, i_parts, i_tag,
                    o_uid, o_pid, o_own, o_plan, o_parts, o_tag,
                    idx128, idxp, idxt, r128, rows_a, rows_b,
                    sga, sgb, soa, sob):
    wid = lax.axis_index("s") * 2 + lax.axis_index("c")

    for tab, ih, oh in ((t_uid, i_uid, o_uid), (t_pid, i_pid, o_pid),
                        (t_own, i_own, o_own), (t_plan, i_plan, o_plan)):
        base = wid * _R_BIG
        pltpu.sync_copy(ih.at[pl.ds(base, _R_BIG)], idx128)
        pltpu.async_copy(tab.at[idx128], r128, sga).wait()
        pltpu.sync_copy(r128, oh.at[pl.ds(base, _R_BIG)])

    pltpu.sync_copy(i_parts.at[pl.ds(wid * _R_PART, _R_PART)], idxp)
    pltpu.sync_copy(i_tag.at[pl.ds(wid * _R_TAG, _R_TAG)], idxt)
    chunks = ([(t_parts, o_parts, idxp, k, wid * _R_PART)
               for k in range(_R_PART // _CH)] +
              [(t_tag, o_tag, idxt, k, wid * _R_TAG)
               for k in range(_R_TAG // _CH)])
    bufs = (rows_a, rows_b)
    gsem = (sga, sgb)
    osem = (soa, sob)
    gops = [None, None]
    oops = [None, None]
    for j, (tab, out, idxv, k, gbase) in enumerate(chunks):
        b = j % 2
        if j >= 2:
            oops[b].wait()
        gops[b] = pltpu.async_copy(
            tab.at[idxv.at[pl.ds(k * _CH, _CH)]], bufs[b], gsem[b])
        if j >= 1:
            pb = (j - 1) % 2
            _, pout, _, pk, pgbase = chunks[j - 1]
            gops[pb].wait()
            oops[pb] = pltpu.async_copy(
                bufs[pb], pout.at[pl.ds(pgbase + pk * _CH, _CH)], osem[pb])
    jlast = len(chunks) - 1
    gops[jlast % 2].wait()
    _, lout, _, lk, lgbase = chunks[jlast]
    pltpu.sync_copy(bufs[jlast % 2], lout.at[pl.ds(lgbase + lk * _CH, _CH)])
    oops[(jlast - 1) % 2].wait()


def _sc_gather(t_uid, t_pid, t_own, t_plan, t_parts, t_tag,
               i_uid, i_pid, i_own, i_plan, i_parts, i_tag):
    f32 = jnp.float32
    out_type = [
        jax.ShapeDtypeStruct((BATCH, 32), f32),
        jax.ShapeDtypeStruct((BATCH, 32), f32),
        jax.ShapeDtypeStruct((BATCH, 32), f32),
        jax.ShapeDtypeStruct((BATCH, 32), f32),
        jax.ShapeDtypeStruct((BATCH * NPART, 32), f32),
        jax.ShapeDtypeStruct((BATCH * NTAG, 32), f32),
    ]
    mesh = plsc.VectorSubcoreMesh(core_axis_name="c", subcore_axis_name="s")
    kern = pl.kernel(
        _sc_gather_body,
        out_type=out_type,
        mesh=mesh,
        compiler_params=pltpu.CompilerParams(use_tc_tiling_on_sc=False),
        scratch_types=[
            pltpu.VMEM((_R_BIG,), jnp.int32),
            pltpu.VMEM((_R_PART,), jnp.int32),
            pltpu.VMEM((_R_TAG,), jnp.int32),
            pltpu.VMEM((_R_BIG, 32), f32),
            pltpu.VMEM((_CH, 32), f32),
            pltpu.VMEM((_CH, 32), f32),
            pltpu.SemaphoreType.DMA,
            pltpu.SemaphoreType.DMA,
            pltpu.SemaphoreType.DMA,
            pltpu.SemaphoreType.DMA,
        ],
    )
    return kern(t_uid, t_pid, t_own, t_plan, t_parts, t_tag,
                i_uid, i_pid, i_own, i_plan, i_parts, i_tag)


_SM_ORDER = ['gender', 'level', 'constellation', 'birthyear', 'price',
             'country', 'province', 'city', 'maxprice', 'minprice',
             'participant_num']
_W_ORDER = ['uid', 'gender', 'level', 'constellation', 'birthyear', 'price',
            'country', 'province', 'city', 'region', 'pid', 'owner',
            'planner', 'maxprice', 'minprice', 'participant_num']


def _tc_a_body(*refs):
    f32 = jnp.float32
    uid_e, pid_e, own_e, plan_e, parts_e, tag_e = refs[:6]
    nsm = len(_SM_ORDER)
    idx = dict(zip(_SM_ORDER, refs[6:6 + nsm]))
    tab = dict(zip(_SM_ORDER, refs[6 + nsm:6 + 2 * nsm]))
    w = refs[6 + 2 * nsm:-2]
    y_ref, st_ref = refs[-2], refs[-1]
    wi = {n: j for j, n in enumerate(_W_ORDER)}
    wi['participants'] = len(_W_ORDER)
    wi['project_tagid'] = len(_W_ORDER) + 1

    def lin(x, name):
        j = wi[name]
        return _dotx(x, w[2 * j][...]) + w[2 * j + 1][...]

    def onehot(name):
        i_ref = idx[name]
        vocab = _SMALL[name]
        iota = lax.broadcasted_iota(jnp.int32, (BLK, vocab), 1)
        return (iota == i_ref[...]).astype(f32)

    def small(name, relu=True):
        t = lin(tab[name][...], name)
        if relu:
            t = jnp.maximum(t, 0.0)
        return _dotx(onehot(name), t, a_exact_bf16=True)

    y_uid = jnp.maximum(lin(uid_e[...], 'uid'), 0.0)
    y_gen = small('gender')
    y_lev = small('level')
    y_con = small('constellation')
    y_by = small('birthyear')
    y_pr = small('price')
    reg = jnp.concatenate([small('country', relu=False),
                           small('province', relu=False),
                           small('city', relu=False)], axis=1)
    y_reg = jnp.maximum(lin(reg, 'region'), 0.0)
    y_pid = jnp.maximum(lin(pid_e[...], 'pid'), 0.0)
    y_own = jnp.maximum(lin(own_e[...], 'owner'), 0.0)
    y_plan = jnp.maximum(lin(plan_e[...], 'planner'), 0.0)
    y_maxp = small('maxprice')
    y_minp = small('minprice')
    y_pnum = small('participant_num')
    px = parts_e[...]
    psum = px[:, 0:32]
    for j in range(1, NPART):
        psum = psum + px[:, 32 * j:32 * j + 32]
    tx = tag_e[...]
    tsum = tx[:, 0:32]
    for j in range(1, NTAG):
        tsum = tsum + tx[:, 32 * j:32 * j + 32]
    y_parts = jnp.maximum(lin(psum, 'participants'), 0.0)
    y_tag = jnp.maximum(lin(tsum, 'project_tagid'), 0.0)

    y = jnp.concatenate(
        [y_uid, y_gen, y_lev, y_con, y_by, y_reg, y_pr,
         y_pid, y_own, y_plan, y_maxp, y_minp, y_pnum, y_parts, y_tag],
        axis=1)
    y_ref[...] = y
    s = jnp.sum(y, axis=0, keepdims=True)
    ss = jnp.sum(y * y, axis=0, keepdims=True)
    st = jnp.concatenate([s, ss], axis=0)
    i = pl.program_id(0)

    @pl.when(i == 0)
    def _():
        st_ref[...] = st

    @pl.when(i != 0)
    def _():
        st_ref[...] = st_ref[...] + st


def _tc_b_body(y_ref, st_ref, g_ref, gt_ref, ga_ref, be_ref,
               wu_ref, bu_ref, wp_ref, bp_ref, fu_ref, fp_ref, o_ref):
    f32 = jnp.float32
    s2 = _dotx(st_ref[...], g_ref[...])
    m = s2[0:1, :] * (1.0 / NELEM)
    ex2 = s2[1:2, :] * (1.0 / NELEM)
    v = ex2 - m * m
    inv = lax.rsqrt(v + EPS)
    a480 = _dotx(inv, gt_ref[...]) * ga_ref[...]
    c480 = be_ref[...] - _dotx(m * inv, gt_ref[...]) * ga_ref[...]
    z = y_ref[...] * a480 + c480
    fu = jnp.tanh(_dotx(z, wu_ref[...]) + bu_ref[...])
    fp = jnp.tanh(_dotx(z, wp_ref[...]) + bp_ref[...])
    fu_ref[...] = fu
    fp_ref[...] = fp
    o_ref[...] = jnp.sum(fu * fp, axis=1, keepdims=True)


def _full(shape):
    return pl.BlockSpec(shape, lambda i: tuple(0 for _ in shape))


def _dense_forward(p, small_idx, g_uid, g_pid, g_owner, g_planner,
                   parts2d, tag2d):
    f32 = jnp.float32

    def b2(name):
        return p['b_' + name].reshape(1, -1)

    emb_in = [g_uid, g_pid, g_owner, g_planner, parts2d, tag2d]
    emb_specs = [pl.BlockSpec((BLK, 32), lambda i: (i, 0))] * 4 + [
        pl.BlockSpec((BLK, NPART * 32), lambda i: (i, 0)),
        pl.BlockSpec((BLK, NTAG * 32), lambda i: (i, 0))]
    idx_in = [small_idx[n] for n in _SM_ORDER]
    idx_specs = [pl.BlockSpec((BLK, 1), lambda i: (i, 0))] * len(_SM_ORDER)
    tab_in = [p['E_' + n] for n in _SM_ORDER]
    tab_specs = [_full(t.shape) for t in tab_in]

    weights = []
    for n in _W_ORDER:
        weights.append(p['W_' + n])
        weights.append(b2(n))
    weights.append(p['W_participants'])
    weights.append(b2('participants'))
    weights.append(p['W_project_tagid'])
    weights.append(b2('project_tagid'))
    w_specs = [_full(wa.shape) for wa in weights]

    y_all, stats = pl.pallas_call(
        _tc_a_body,
        grid=(NBLK,),
        in_specs=emb_specs + idx_specs + tab_specs + w_specs,
        out_specs=[pl.BlockSpec((BLK, NF * 32), lambda i: (i, 0)),
                   pl.BlockSpec((2, NF * 32), lambda i: (0, 0))],
        out_shape=[jax.ShapeDtypeStruct((BATCH, NF * 32), f32),
                   jax.ShapeDtypeStruct((2, NF * 32), f32)],
    )(*emb_in, *idx_in, *tab_in, *weights)

    gmat = np.zeros((NF * 32, 16), np.float32)
    gmat[np.arange(NF * 32), np.arange(NF * 32) // 32] = 1.0
    gtmat = jnp.asarray(gmat.T.copy())
    gmat = jnp.asarray(gmat)
    ga480 = jnp.concatenate(
        [jnp.broadcast_to(p['g_' + f].reshape(1, 1), (1, 32)) for f in _FEATS],
        axis=1)
    be480 = jnp.concatenate(
        [jnp.broadcast_to(p['be_' + f].reshape(1, 1), (1, 32)) for f in _FEATS],
        axis=1)
    wu = jnp.concatenate([p['W_user_combine'],
                          jnp.zeros((8 * ED, 200), f32)], axis=0)
    wp = jnp.concatenate([jnp.zeros((7 * ED, 200), f32),
                          p['W_party_combine']], axis=0)
    bu = p['b_user_combine'].reshape(1, 200)
    bp = p['b_party_combine'].reshape(1, 200)

    fu, fp, out = pl.pallas_call(
        _tc_b_body,
        grid=(NBLK,),
        in_specs=[pl.BlockSpec((BLK, NF * 32), lambda i: (i, 0)),
                  _full((2, NF * 32)), _full((NF * 32, 16)),
                  _full((16, NF * 32)), _full((1, NF * 32)),
                  _full((1, NF * 32)), _full((NF * 32, 200)),
                  _full((1, 200)), _full((NF * 32, 200)), _full((1, 200))],
        out_specs=[pl.BlockSpec((BLK, 200), lambda i: (i, 0)),
                   pl.BlockSpec((BLK, 200), lambda i: (i, 0)),
                   pl.BlockSpec((BLK, 1), lambda i: (i, 0))],
        out_shape=[jax.ShapeDtypeStruct((BATCH, 200), f32),
                   jax.ShapeDtypeStruct((BATCH, 200), f32),
                   jax.ShapeDtypeStruct((BATCH, 1), f32)],
    )(y_all, stats, gmat, gtmat, ga480, be480, wu, bu, wp, bp)

    return (out, fu.reshape(BATCH, 1, 200), fp.reshape(BATCH, 1, 200))


def kernel(params, uid, gender, level, constellation, birthyear, country,
           province, city, price, pid, owner, planner, maxprice, minprice,
           participant_num, participants, project_tagid):
    p = params
    i32 = jnp.int32

    g_uid, g_pid, g_owner, g_planner, g_parts, g_tag = _sc_gather(
        p['E_uid'], p['E_pid'], p['E_owner'], p['E_planner'],
        p['Bag_participants'], p['Bag_project_tagid'],
        uid.reshape(-1).astype(i32), pid.reshape(-1).astype(i32),
        owner.reshape(-1).astype(i32), planner.reshape(-1).astype(i32),
        participants.reshape(-1).astype(i32),
        project_tagid.reshape(-1).astype(i32))

    small_src = {'gender': gender, 'level': level,
                 'constellation': constellation, 'birthyear': birthyear,
                 'price': price, 'country': country, 'province': province,
                 'city': city, 'maxprice': maxprice, 'minprice': minprice,
                 'participant_num': participant_num}
    small_idx = {n: a.reshape(-1, 1).astype(i32) for n, a in small_src.items()}

    parts2d = g_parts.reshape(BATCH, NPART * 32)
    tag2d = g_tag.reshape(BATCH, NTAG * 32)
    return _dense_forward(p, small_idx, g_uid, g_pid, g_owner, g_planner,
                          parts2d, tag2d)

# --- scband reference (transcript-rebuilt; emitter-appended) ---
"""Pipeline reference for scband-rec-model-33268816674854 (READ-ONLY COPY).

The authoritative reference and input builder live on the scoring server;
editing this copy changes nothing except your own understanding.
"""

import jax, jax.numpy as jnp
import numpy as np

B = 4096
ED = 32

def _bn(x, g, b, eps=1e-5):
    m = jnp.mean(x, axis=(0, 2, 3), keepdims=True)
    v = jnp.var(x, axis=(0, 2, 3), keepdims=True)
    return g.reshape(1, -1, 1, 1) * (x - m) / jnp.sqrt(v + eps) + b.reshape(1, -1, 1, 1)

def _forward(p, uid, gender, level, constellation, birthyear, country, province, city, price, pid, owner, planner, maxprice, minprice, participant_num, participants, project_tagid):
    def lin(x, n):
        return x @ p['W_' + n] + p['b_' + n]
    def bn(x, n):
        return _bn(x, p['g_' + n], p['be_' + n])
    def feat(idx, n):
        return bn(jax.nn.relu(lin(p['E_' + n][idx], n)), n)
    f_uid = feat(uid, 'uid')
    f_gender = feat(gender, 'gender')
    f_level = feat(level, 'level')
    f_constellation = feat(constellation, 'constellation')
    f_birthyear = feat(birthyear, 'birthyear')
    f_price = feat(price, 'price')
    reg = jnp.concatenate([lin(p['E_country'][country], 'country'),
                           lin(p['E_province'][province], 'province'),
                           lin(p['E_city'][city], 'city')], axis=3)
    f_region = bn(jax.nn.relu(lin(reg, 'region')), 'region')
    user_cat = jnp.concatenate([t.reshape(-1, 1, ED) for t in
                                [f_uid, f_gender, f_level, f_constellation, f_birthyear, f_region, f_price]], axis=2)
    feature_user = jnp.tanh(lin(user_cat, 'user_combine')).reshape(-1, 1, 200)
    f_pid = feat(pid, 'pid')
    f_owner = feat(owner, 'owner')
    f_planner = feat(planner, 'planner')
    f_maxprice = feat(maxprice, 'maxprice')
    f_minprice = feat(minprice, 'minprice')
    f_pnum = feat(participant_num, 'participant_num')
    f_participants = bn(jax.nn.relu(lin(p['Bag_participants'][participants].sum(axis=1), 'participants')).reshape(-1, 1, 1, ED), 'participants')
    f_tagid = bn(jax.nn.relu(lin(p['Bag_project_tagid'][project_tagid].sum(axis=1), 'project_tagid')).reshape(-1, 1, 1, ED), 'project_tagid')
    party_cat = jnp.concatenate([t.reshape(-1, 1, ED) for t in
                                 [f_pid, f_owner, f_planner, f_maxprice, f_minprice, f_pnum, f_participants, f_tagid]], axis=2)
    feature_party = jnp.tanh(lin(party_cat, 'party_combine'))
    output = jnp.sum(feature_user * feature_party, axis=2)
    return (output, feature_user, feature_party)

def setup_inputs(seed: int = 0) -> dict:
    key = jax.random.key(seed)
    ks = jax.random.split(key, 80)
    cnt = iter(range(80))
    def P(*shape):
        return jax.random.normal(ks[next(cnt)], shape, jnp.float32) * 0.05
    p = {}
    def add_feat(n, vocab, d_in):
        p['E_' + n] = P(vocab, d_in)
        p['W_' + n] = P(d_in, ED)
        p['b_' + n] = P(ED)
        p['g_' + n] = jnp.ones((1,), jnp.float32)
        p['be_' + n] = jnp.zeros((1,), jnp.float32)
    add_feat('uid', 100000, 32)
    add_feat('gender', 3, 16)
    add_feat('level', 10, 16)
    add_feat('constellation', 12, 16)
    add_feat('birthyear', 100, 32)
    add_feat('price', 1000, 32)
    for n, vocab, d in [('country', 200, 32), ('province', 40, 16), ('city', 1000, 32)]:
        p['E_' + n] = P(vocab, d)
        p['W_' + n] = P(d, ED)
        p['b_' + n] = P(ED)
    p['W_region'] = P(3 * ED, ED)
    p['b_region'] = P(ED)
    p['g_region'] = jnp.ones((1,), jnp.float32)
    p['be_region'] = jnp.zeros((1,), jnp.float32)
    p['W_user_combine'] = P(7 * ED, 200)
    p['b_user_combine'] = P(200)
    add_feat('pid', 100000, 32)
    add_feat('owner', 100000, 32)
    add_feat('planner', 10000, 32)
    add_feat('maxprice', 1000, 32)
    add_feat('minprice', 1000, 32)
    add_feat('participant_num', 500, 16)
    for n, vocab in [('participants', 100000), ('project_tagid', 1000)]:
        p['Bag_' + n] = P(vocab, ED)
        p['W_' + n] = P(ED, ED)
        p['b_' + n] = P(ED)
        p['g_' + n] = jnp.ones((1,), jnp.float32)
        p['be_' + n] = jnp.zeros((1,), jnp.float32)
    p['W_party_combine'] = P(8 * ED, 200)
    p['b_party_combine'] = P(200)
    def I(shape, hi):
        return jax.random.randint(ks[next(cnt)], shape, 0, hi, jnp.int32)
    inp = {
        'params': p,
        'uid': I((B, 1, 1), 100000), 'gender': I((B, 1, 1), 3), 'level': I((B, 1, 1), 10),
        'constellation': I((B, 1, 1), 12), 'birthyear': I((B, 1, 1), 100), 'country': I((B, 1, 1), 200),
        'province': I((B, 1, 1), 40), 'city': I((B, 1, 1), 1000), 'price': I((B, 1, 1), 1000),
        'pid': I((B, 1, 1), 100000), 'owner': I((B, 1, 1), 100000), 'planner': I((B, 1, 1), 10000),
        'maxprice': I((B, 1, 1), 1000), 'minprice': I((B, 1, 1), 1000), 'participant_num': I((B, 1, 1), 500),
        'participants': I((B, 50), 100000), 'project_tagid': I((B, 20), 1000),
    }
    return inp

def reference(params, uid, gender, level, constellation, birthyear, country, province, city, price, pid, owner, planner, maxprice, minprice, participant_num, participants, project_tagid):
    return _forward(params, uid, gender, level, constellation, birthyear, country, province, city, price, pid, owner, planner, maxprice, minprice, participant_num, participants, project_tagid)

if __name__ == "__main__":
    import jax
    _d = setup_inputs()
    print(jax.jit(kernel)(*tuple(_d.values())))

</pallas_src>

<mosaic_0001>
#map = affine_map<(d0, d1) -> (0, 0)>
#map1 = affine_map<(d0, d1) -> (0)>
module attributes {stable_mosaic.version = 14 : i64} {
  func.func @_sc_gather_body(%arg0: i32, %arg1: i32, %arg2: memref<100000x32xf32, #tpu.memory_space<hbm>>, %arg3: memref<100000x32xf32, #tpu.memory_space<hbm>>, %arg4: memref<100000x32xf32, #tpu.memory_space<hbm>>, %arg5: memref<10000x32xf32, #tpu.memory_space<hbm>>, %arg6: memref<100000x32xf32, #tpu.memory_space<hbm>>, %arg7: memref<1000x32xf32, #tpu.memory_space<hbm>>, %arg8: memref<4096xi32, #tpu.memory_space<hbm>>, %arg9: memref<4096xi32, #tpu.memory_space<hbm>>, %arg10: memref<4096xi32, #tpu.memory_space<hbm>>, %arg11: memref<4096xi32, #tpu.memory_space<hbm>>, %arg12: memref<204800xi32, #tpu.memory_space<hbm>>, %arg13: memref<81920xi32, #tpu.memory_space<hbm>>, %arg14: memref<4096x32xf32, #tpu.memory_space<hbm>>, %arg15: memref<4096x32xf32, #tpu.memory_space<hbm>>, %arg16: memref<4096x32xf32, #tpu.memory_space<hbm>>, %arg17: memref<4096x32xf32, #tpu.memory_space<hbm>>, %arg18: memref<204800x32xf32, #tpu.memory_space<hbm>>, %arg19: memref<81920x32xf32, #tpu.memory_space<hbm>>, %arg20: memref<128xi32, #tpu.memory_space<vmem>>, %arg21: memref<6400xi32, #tpu.memory_space<vmem>>, %arg22: memref<2560xi32, #tpu.memory_space<vmem>>, %arg23: memref<128x32xf32, #tpu.memory_space<vmem>>, %arg24: memref<1280x32xf32, #tpu.memory_space<vmem>>, %arg25: memref<1280x32xf32, #tpu.memory_space<vmem>>, %arg26: memref<!tpu.dma_semaphore, #tpu.memory_space<semaphore_mem>>, %arg27: memref<!tpu.dma_semaphore, #tpu.memory_space<semaphore_mem>>, %arg28: memref<!tpu.dma_semaphore, #tpu.memory_space<semaphore_mem>>, %arg29: memref<!tpu.dma_semaphore, #tpu.memory_space<semaphore_mem>>) attributes {dimension_semantics = [#tpu.dimension_semantics<core_parallel>, #tpu.dimension_semantics<subcore_parallel>], iteration_bounds = array<i64: 2, 16>, scalar_prefetch = 0 : i64, scratch_operands = 10 : i64, tpu.core_type = #tpu.core_type<sc_vector_subcore>, window_params = [{transform_indices = #map}, {transform_indices = #map}, {transform_indices = #map}, {transform_indices = #map}, {transform_indices = #map}, {transform_indices = #map}, {transform_indices = #map1}, {transform_indices = #map1}, {transform_indices = #map1}, {transform_indices = #map1}, {transform_indices = #map1}, {transform_indices = #map1}, {transform_indices = #map}, {transform_indices = #map}, {transform_indices = #map}, {transform_indices = #map}, {transform_indices = #map}, {transform_indices = #map}]} {
    %mul3A = arith.constant 2 : i32
    %mul3A_0 = arith.muli %arg1, %mul3A : i32
    %add3A = arith.addi %mul3A_0, %arg0 : i32
    %mul3A_1 = arith.constant 128 : i32
    %mul3A_2 = arith.muli %add3A, %mul3A_1 : i32
    "tpu.region"() ({
      %run_scoped3A = tpu.sem_alloc : memref<!tpu.dma_semaphore, #tpu.memory_space<semaphore_mem>>
      %dma_start3A_181 = tpu.memref_slice %arg8[%mul3A_2] : memref<4096xi32, #tpu.memory_space<hbm>> -> memref<128xi32, #tpu.memory_space<hbm>>
      %dma_start3A_182 = tpu.memref_slice %arg8[%mul3A_2] : memref<4096xi32, #tpu.memory_space<hbm>> -> memref<128xi32, #tpu.memory_space<hbm>>
      tpu.enqueue_dma source(%dma_start3A_182 : memref<128xi32, #tpu.memory_space<hbm>>) target(%arg20 : memref<128xi32, #tpu.memory_space<vmem>>) target_semaphore(%run_scoped3A : memref<!tpu.dma_semaphore, #tpu.memory_space<semaphore_mem>>)
      %dma_wait3A_183 = tpu.memref_slice %arg8[%mul3A_2] : memref<4096xi32, #tpu.memory_space<hbm>> -> memref<128xi32, #tpu.memory_space<hbm>>
      %dma_wait3A_184 = tpu.memref_slice %arg8[%mul3A_2] : memref<4096xi32, #tpu.memory_space<hbm>> -> memref<128xi32, #tpu.memory_space<hbm>>
      tpu.wait_dma2 semaphore(%run_scoped3A : memref<!tpu.dma_semaphore, #tpu.memory_space<semaphore_mem>>) src(%dma_wait3A_184 : memref<128xi32, #tpu.memory_space<hbm>>) dst(%arg20 : memref<128xi32, #tpu.memory_space<vmem>>)
      tpu.yield
    }) : () -> ()
    %dma_start3A = arith.constant 0 : i32
    %dma_start3A_3 = arith.constant 0 : i32
    %dma_start3A_4 = tpu.memref_slice %arg2[%dma_start3A, %dma_start3A_3] : memref<100000x32xf32, #tpu.memory_space<hbm>> -> memref<100000x32xf32, #tpu.memory_space<hbm>>
    tpu.enqueue_indirect_dma source(%dma_start3A_4 : memref<100000x32xf32, #tpu.memory_space<hbm>>) target(%arg23 : memref<128x32xf32, #tpu.memory_space<vmem>>) offsets(%arg20 : memref<128xi32, #tpu.memory_space<vmem>>) semaphore(%arg26 : memref<!tpu.dma_semaphore, #tpu.memory_space<semaphore_mem>>)
    %dma_wait3A = arith.constant 0 : i32
    %dma_wait3A_5 = arith.constant 0 : i32
    %dma_wait3A_6 = tpu.memref_slice %arg2[%dma_wait3A, %dma_wait3A_5] : memref<100000x32xf32, #tpu.memory_space<hbm>> -> memref<100000x32xf32, #tpu.memory_space<hbm>>
    tpu.wait_indirect_dma semaphore(%arg26 : memref<!tpu.dma_semaphore, #tpu.memory_space<semaphore_mem>>) src(%dma_wait3A_6 : memref<100000x32xf32, #tpu.memory_space<hbm>>) dst(%arg23 : memref<128x32xf32, #tpu.memory_space<vmem>>)
    "tpu.region"() ({
      %run_scoped3A = tpu.sem_alloc : memref<!tpu.dma_semaphore, #tpu.memory_space<semaphore_mem>>
      %dma_start3A_181 = arith.constant 0 : i32
      %dma_start3A_182 = tpu.memref_slice %arg14[%mul3A_2, %dma_start3A_181] : memref<4096x32xf32, #tpu.memory_space<hbm>> -> memref<128x32xf32, #tpu.memory_space<hbm>>
      %dma_start3A_183 = arith.constant 0 : i32
      %dma_start3A_184 = tpu.memref_slice %arg14[%mul3A_2, %dma_start3A_183] : memref<4096x32xf32, #tpu.memory_space<hbm>> -> memref<128x32xf32, #tpu.memory_space<hbm>>
      tpu.enqueue_dma source(%arg23 : memref<128x32xf32, #tpu.memory_space<vmem>>) target(%dma_start3A_184 : memref<128x32xf32, #tpu.memory_space<hbm>>) target_semaphore(%run_scoped3A : memref<!tpu.dma_semaphore, #tpu.memory_space<semaphore_mem>>)
      %dma_wait3A_185 = arith.constant 0 : i32
      %dma_wait3A_186 = tpu.memref_slice %arg14[%mul3A_2, %dma_wait3A_185] : memref<4096x32xf32, #tpu.memory_space<hbm>> -> memref<128x32xf32, #tpu.memory_space<hbm>>
      %dma_wait3A_187 = arith.constant 0 : i32
      %dma_wait3A_188 = tpu.memref_slice %arg14[%mul3A_2, %dma_wait3A_187] : memref<4096x32xf32, #tpu.memory_space<hbm>> -> memref<128x32xf32, #tpu.memory_space<hbm>>
      tpu.wait_dma2 semaphore(%run_scoped3A : memref<!tpu.dma_semaphore, #tpu.memory_space<semaphore_mem>>) src(%arg23 : memref<128x32xf32, #tpu.memory_space<vmem>>) dst(%dma_wait3A_188 : memref<128x32xf32, #tpu.memory_space<hbm>>)
      tpu.yield
    }) : () -> ()
    %mul3A_7 = arith.constant 128 : i32
    %mul3A_8 = arith.muli %add3A, %mul3A_7 : i32
    "tpu.region"() ({
      %run_scoped3A = tpu.sem_alloc : memref<!tpu.dma_semaphore, #tpu.memory_space<semaphore_mem>>
      %dma_start3A_181 = tpu.memref_slice %arg9[%mul3A_8] : memref<4096xi32, #tpu.memory_space<hbm>> -> memref<128xi32, #tpu.memory_space<hbm>>
      %dma_start3A_182 = tpu.memref_slice %arg9[%mul3A_8] : memref<4096xi32, #tpu.memory_space<hbm>> -> memref<128xi32, #tpu.memory_space<hbm>>
      tpu.enqueue_dma source(%dma_start3A_182 : memref<128xi32, #tpu.memory_space<hbm>>) target(%arg20 : memref<128xi32, #tpu.memory_space<vmem>>) target_semaphore(%run_scoped3A : memref<!tpu.dma_semaphore, #tpu.memory_space<semaphore_mem>>)
      %dma_wait3A_183 = tpu.memref_slice %arg9[%mul3A_8] : memref<4096xi32, #tpu.memory_space<hbm>> -> memref<128xi32, #tpu.memory_space<hbm>>
      %dma_wait3A_184 = tpu.memref_slice %arg9[%mul3A_8] : memref<4096xi32, #tpu.memory_space<hbm>> -> memref<128xi32, #tpu.memory_space<hbm>>
      tpu.wait_dma2 semaphore(%run_scoped3A : memref<!tpu.dma_semaphore, #tpu.memory_space<semaphore_mem>>) src(%dma_wait3A_184 : memref<128xi32, #tpu.memory_space<hbm>>) dst(%arg20 : memref<128xi32, #tpu.memory_space<vmem>>)
      tpu.yield
    }) : () -> ()
    %dma_start3A_9 = arith.constant 0 : i32
    %dma_start3A_10 = arith.constant 0 : i32
    %dma_start3A_11 = tpu.memref_slice %arg3[%dma_start3A_9, %dma_start3A_10] : memref<100000x32xf32, #tpu.memory_space<hbm>> -> memref<100000x32xf32, #tpu.memory_space<hbm>>
    tpu.enqueue_indirect_dma source(%dma_start3A_11 : memref<100000x32xf32, #tpu.memory_space<hbm>>) target(%arg23 : memref<128x32xf32, #tpu.memory_space<vmem>>) offsets(%arg20 : memref<128xi32, #tpu.memory_space<vmem>>) semaphore(%arg26 : memref<!tpu.dma_semaphore, #tpu.memory_space<semaphore_mem>>)
    %dma_wait3A_12 = arith.constant 0 : i32
    %dma_wait3A_13 = arith.constant 0 : i32
    %dma_wait3A_14 = tpu.memref_slice %arg3[%dma_wait3A_12, %dma_wait3A_13] : memref<100000x32xf32, #tpu.memory_space<hbm>> -> memref<100000x32xf32, #tpu.memory_space<hbm>>
    tpu.wait_indirect_dma semaphore(%arg26 : memref<!tpu.dma_semaphore, #tpu.memory_space<semaphore_mem>>) src(%dma_wait3A_14 : memref<100000x32xf32, #tpu.memory_space<hbm>>) dst(%arg23 : memref<128x32xf32, #tpu.memory_space<vmem>>)
    "tpu.region"() ({
      %run_scoped3A = tpu.sem_alloc : memref<!tpu.dma_semaphore, #tpu.memory_space<semaphore_mem>>
      %dma_start3A_181 = arith.constant 0 : i32
      %dma_start3A_182 = tpu.memref_slice %arg15[%mul3A_8, %dma_start3A_181] : memref<4096x32xf32, #tpu.memory_space<hbm>> -> memref<128x32xf32, #tpu.memory_space<hbm>>
      %dma_start3A_183 = arith.constant 0 : i32
      %dma_start3A_184 = tpu.memref_slice %arg15[%mul3A_8, %dma_start3A_183] : memref<4096x32xf32, #tpu.memory_space<hbm>> -> memref<128x32xf32, #tpu.memory_space<hbm>>
      tpu.enqueue_dma source(%arg23 : memref<128x32xf32, #tpu.memory_space<vmem>>) target(%dma_start3A_184 : memref<128x32xf32, #tpu.memory_space<hbm>>) target_semaphore(%run_scoped3A : memref<!tpu.dma_semaphore, #tpu.memory_space<semaphore_mem>>)
      %dma_wait3A_185 = arith.constant 0 : i32
      %dma_wait3A_186 = tpu.memref_slice %arg15[%mul3A_8, %dma_wait3A_185] : memref<4096x32xf32, #tpu.memory_space<hbm>> -> memref<128x32xf32, #tpu.memory_space<hbm>>
      %dma_wait3A_187 = arith.constant 0 : i32
      %dma_wait3A_188 = tpu.memref_slice %arg15[%mul3A_8, %dma_wait3A_187] : memref<4096x32xf32, #tpu.memory_space<hbm>> -> memref<128x32xf32, #tpu.memory_space<hbm>>
      tpu.wait_dma2 semaphore(%run_scoped3A : memref<!tpu.dma_semaphore, #tpu.memory_space<semaphore_mem>>) src(%arg23 : memref<128x32xf32, #tpu.memory_space<vmem>>) dst(%dma_wait3A_188 : memref<128x32xf32, #tpu.memory_space<hbm>>)
      tpu.yield
    }) : () -> ()
    %mul3A_15 = arith.constant 128 : i32
    %mul3A_16 = arith.muli %add3A, %mul3A_15 : i32
    "tpu.region"() ({
      %run_scoped3A = tpu.sem_alloc : memref<!tpu.dma_semaphore, #tpu.memory_space<semaphore_mem>>
      %dma_start3A_181 = tpu.memref_slice %arg10[%mul3A_16] : memref<4096xi32, #tpu.memory_space<hbm>> -> memref<128xi32, #tpu.memory_space<hbm>>
      %dma_start3A_182 = tpu.memref_slice %arg10[%mul3A_16] : memref<4096xi32, #tpu.memory_space<hbm>> -> memref<128xi32, #tpu.memory_space<hbm>>
      tpu.enqueue_dma source(%dma_start3A_182 : memref<128xi32, #tpu.memory_space<hbm>>) target(%arg20 : memref<128xi32, #tpu.memory_space<vmem>>) target_semaphore(%run_scoped3A : memref<!tpu.dma_semaphore, #tpu.memory_space<semaphore_mem>>)
      %dma_wait3A_183 = tpu.memref_slice %arg10[%mul3A_16] : memref<4096xi32, #tpu.memory_space<hbm>> -> memref<128xi32, #tpu.memory_space<hbm>>
      %dma_wait3A_184 = tpu.memref_slice %arg10[%mul3A_16] : memref<4096xi32, #tpu.memory_space<hbm>> -> memref<128xi32, #tpu.memory_space<hbm>>
      tpu.wait_dma2 semaphore(%run_scoped3A : memref<!tpu.dma_semaphore, #tpu.memory_space<semaphore_mem>>) src(%dma_wait3A_184 : memref<128xi32, #tpu.memory_space<hbm>>) dst(%arg20 : memref<128xi32, #tpu.memory_space<vmem>>)
      tpu.yield
    }) : () -> ()
    %dma_start3A_17 = arith.constant 0 : i32
    %dma_start3A_18 = arith.constant 0 : i32
    %dma_start3A_19 = tpu.memref_slice %arg4[%dma_start3A_17, %dma_start3A_18] : memref<100000x32xf32, #tpu.memory_space<hbm>> -> memref<100000x32xf32, #tpu.memory_space<hbm>>
    tpu.enqueue_indirect_dma source(%dma_start3A_19 : memref<100000x32xf32, #tpu.memory_space<hbm>>) target(%arg23 : memref<128x32xf32, #tpu.memory_space<vmem>>) offsets(%arg20 : memref<128xi32, #tpu.memory_space<vmem>>) semaphore(%arg26 : memref<!tpu.dma_semaphore, #tpu.memory_space<semaphore_mem>>)
    %dma_wait3A_20 = arith.constant 0 : i32
    %dma_wait3A_21 = arith.constant 0 : i32
    %dma_wait3A_22 = tpu.memref_slice %arg4[%dma_wait3A_20, %dma_wait3A_21] : memref<100000x32xf32, #tpu.memory_space<hbm>> -> memref<100000x32xf32, #tpu.memory_space<hbm>>
    tpu.wait_indirect_dma semaphore(%arg26 : memref<!tpu.dma_semaphore, #tpu.memory_space<semaphore_mem>>) src(%dma_wait3A_22 : memref<100000x32xf32, #tpu.memory_space<hbm>>) dst(%arg23 : memref<128x32xf32, #tpu.memory_space<vmem>>)
    "tpu.region"() ({
      %run_scoped3A = tpu.sem_alloc : memref<!tpu.dma_semaphore, #tpu.memory_space<semaphore_mem>>
      %dma_start3A_181 = arith.constant 0 : i32
      %dma_start3A_182 = tpu.memref_slice %arg16[%mul3A_16, %dma_start3A_181] : memref<4096x32xf32, #tpu.memory_space<hbm>> -> memref<128x32xf32, #tpu.memory_space<hbm>>
      %dma_start3A_183 = arith.constant 0 : i32
      %dma_start3A_184 = tpu.memref_slice %arg16[%mul3A_16, %dma_start3A_183] : memref<4096x32xf32, #tpu.memory_space<hbm>> -> memref<128x32xf32, #tpu.memory_space<hbm>>
      tpu.enqueue_dma source(%arg23 : memref<128x32xf32, #tpu.memory_space<vmem>>) target(%dma_start3A_184 : memref<128x32xf32, #tpu.memory_space<hbm>>) target_semaphore(%run_scoped3A : memref<!tpu.dma_semaphore, #tpu.memory_space<semaphore_mem>>)
      %dma_wait3A_185 = arith.constant 0 : i32
      %dma_wait3A_186 = tpu.memref_slice %arg16[%mul3A_16, %dma_wait3A_185] : memref<4096x32xf32, #tpu.memory_space<hbm>> -> memref<128x32xf32, #tpu.memory_space<hbm>>
      %dma_wait3A_187 = arith.constant 0 : i32
      %dma_wait3A_188 = tpu.memref_slice %arg16[%mul3A_16, %dma_wait3A_187] : memref<4096x32xf32, #tpu.memory_space<hbm>> -> memref<128x32xf32, #tpu.memory_space<hbm>>
      tpu.wait_dma2 semaphore(%run_scoped3A : memref<!tpu.dma_semaphore, #tpu.memory_space<semaphore_mem>>) src(%arg23 : memref<128x32xf32, #tpu.memory_space<vmem>>) dst(%dma_wait3A_188 : memref<128x32xf32, #tpu.memory_space<hbm>>)
      tpu.yield
    }) : () -> ()
    %mul3A_23 = arith.constant 128 : i32
    %mul3A_24 = arith.muli %add3A, %mul3A_23 : i32
    "tpu.region"() ({
      %run_scoped3A = tpu.sem_alloc : memref<!tpu.dma_semaphore, #tpu.memory_space<semaphore_mem>>
      %dma_start3A_181 = tpu.memref_slice %arg11[%mul3A_24] : memref<4096xi32, #tpu.memory_space<hbm>> -> memref<128xi32, #tpu.memory_space<hbm>>
      %dma_start3A_182 = tpu.memref_slice %arg11[%mul3A_24] : memref<4096xi32, #tpu.memory_space<hbm>> -> memref<128xi32, #tpu.memory_space<hbm>>
      tpu.enqueue_dma source(%dma_start3A_182 : memref<128xi32, #tpu.memory_space<hbm>>) target(%arg20 : memref<128xi32, #tpu.memory_space<vmem>>) target_semaphore(%run_scoped3A : memref<!tpu.dma_semaphore, #tpu.memory_space<semaphore_mem>>)
      %dma_wait3A_183 = tpu.memref_slice %arg11[%mul3A_24] : memref<4096xi32, #tpu.memory_space<hbm>> -> memref<128xi32, #tpu.memory_space<hbm>>
      %dma_wait3A_184 = tpu.memref_slice %arg11[%mul3A_24] : memref<4096xi32, #tpu.memory_space<hbm>> -> memref<128xi32, #tpu.memory_space<hbm>>
      tpu.wait_dma2 semaphore(%run_scoped3A : memref<!tpu.dma_semaphore, #tpu.memory_space<semaphore_mem>>) src(%dma_wait3A_184 : memref<128xi32, #tpu.memory_space<hbm>>) dst(%arg20 : memref<128xi32, #tpu.memory_space<vmem>>)
      tpu.yield
    }) : () -> ()
    %dma_start3A_25 = arith.constant 0 : i32
    %dma_start3A_26 = arith.constant 0 : i32
    %dma_start3A_27 = tpu.memref_slice %arg5[%dma_start3A_25, %dma_start3A_26] : memref<10000x32xf32, #tpu.memory_space<hbm>> -> memref<10000x32xf32, #tpu.memory_space<hbm>>
    tpu.enqueue_indirect_dma source(%dma_start3A_27 : memref<10000x32xf32, #tpu.memory_space<hbm>>) target(%arg23 : memref<128x32xf32, #tpu.memory_space<vmem>>) offsets(%arg20 : memref<128xi32, #tpu.memory_space<vmem>>) semaphore(%arg26 : memref<!tpu.dma_semaphore, #tpu.memory_space<semaphore_mem>>)
    %dma_wait3A_28 = arith.constant 0 : i32
    %dma_wait3A_29 = arith.constant 0 : i32
    %dma_wait3A_30 = tpu.memref_slice %arg5[%dma_wait3A_28, %dma_wait3A_29] : memref<10000x32xf32, #tpu.memory_space<hbm>> -> memref<10000x32xf32, #tpu.memory_space<hbm>>
    tpu.wait_indirect_dma semaphore(%arg26 : memref<!tpu.dma_semaphore, #tpu.memory_space<semaphore_mem>>) src(%dma_wait3A_30 : memref<10000x32xf32, #tpu.memory_space<hbm>>) dst(%arg23 : memref<128x32xf32, #tpu.memory_space<vmem>>)
    "tpu.region"() ({
      %run_scoped3A = tpu.sem_alloc : memref<!tpu.dma_semaphore, #tpu.memory_space<semaphore_mem>>
      %dma_start3A_181 = arith.constant 0 : i32
      %dma_start3A_182 = tpu.memref_slice %arg17[%mul3A_24, %dma_start3A_181] : memref<4096x32xf32, #tpu.memory_space<hbm>> -> memref<128x32xf32, #tpu.memory_space<hbm>>
      %dma_start3A_183 = arith.constant 0 : i32
      %dma_start3A_184 = tpu.memref_slice %arg17[%mul3A_24, %dma_start3A_183] : memref<4096x32xf32, #tpu.memory_space<hbm>> -> memref<128x32xf32, #tpu.memory_space<hbm>>
      tpu.enqueue_dma source(%arg23 : memref<128x32xf32, #tpu.memory_space<vmem>>) target(%dma_start3A_184 : memref<128x32xf32, #tpu.memory_space<hbm>>) target_semaphore(%run_scoped3A : memref<!tpu.dma_semaphore, #tpu.memory_space<semaphore_mem>>)
      %dma_wait3A_185 = arith.constant 0 : i32
      %dma_wait3A_186 = tpu.memref_slice %arg17[%mul3A_24, %dma_wait3A_185] : memref<4096x32xf32, #tpu.memory_space<hbm>> -> memref<128x32xf32, #tpu.memory_space<hbm>>
      %dma_wait3A_187 = arith.constant 0 : i32
      %dma_wait3A_188 = tpu.memref_slice %arg17[%mul3A_24, %dma_wait3A_187] : memref<4096x32xf32, #tpu.memory_space<hbm>> -> memref<128x32xf32, #tpu.memory_space<hbm>>
      tpu.wait_dma2 semaphore(%run_scoped3A : memref<!tpu.dma_semaphore, #tpu.memory_space<semaphore_mem>>) src(%arg23 : memref<128x32xf32, #tpu.memory_space<vmem>>) dst(%dma_wait3A_188 : memref<128x32xf32, #tpu.memory_space<hbm>>)
      tpu.yield
    }) : () -> ()
    %mul3A_31 = arith.constant 6400 : i32
    %mul3A_32 = arith.muli %add3A, %mul3A_31 : i32
    "tpu.region"() ({
      %run_scoped3A = tpu.sem_alloc : memref<!tpu.dma_semaphore, #tpu.memory_space<semaphore_mem>>
      %dma_start3A_181 = tpu.memref_slice %arg12[%mul3A_32] : memref<204800xi32, #tpu.memory_space<hbm>> -> memref<6400xi32, #tpu.memory_space<hbm>>
      %dma_start3A_182 = tpu.memref_slice %arg12[%mul3A_32] : memref<204800xi32, #tpu.memory_space<hbm>> -> memref<6400xi32, #tpu.memory_space<hbm>>
      tpu.enqueue_dma source(%dma_start3A_182 : memref<6400xi32, #tpu.memory_space<hbm>>) target(%arg21 : memref<6400xi32, #tpu.memory_space<vmem>>) target_semaphore(%run_scoped3A : memref<!tpu.dma_semaphore, #tpu.memory_space<semaphore_mem>>)
      %dma_wait3A_183 = tpu.memref_slice %arg12[%mul3A_32] : memref<204800xi32, #tpu.memory_space<hbm>> -> memref<6400xi32, #tpu.memory_space<hbm>>
      %dma_wait3A_184 = tpu.memref_slice %arg12[%mul3A_32] : memref<204800xi32, #tpu.memory_space<hbm>> -> memref<6400xi32, #tpu.memory_space<hbm>>
      tpu.wait_dma2 semaphore(%run_scoped3A : memref<!tpu.dma_semaphore, #tpu.memory_space<semaphore_mem>>) src(%dma_wait3A_184 : memref<6400xi32, #tpu.memory_space<hbm>>) dst(%arg21 : memref<6400xi32, #tpu.memory_space<vmem>>)
      tpu.yield
    }) : () -> ()
    %mul3A_33 = arith.constant 2560 : i32
    %mul3A_34 = arith.muli %add3A, %mul3A_33 : i32
    "tpu.region"() ({
      %run_scoped3A = tpu.sem_alloc : memref<!tpu.dma_semaphore, #tpu.memory_space<semaphore_mem>>
      %dma_start3A_181 = tpu.memref_slice %arg13[%mul3A_34] : memref<81920xi32, #tpu.memory_space<hbm>> -> memref<2560xi32, #tpu.memory_space<hbm>>
      %dma_start3A_182 = tpu.memref_slice %arg13[%mul3A_34] : memref<81920xi32, #tpu.memory_space<hbm>> -> memref<2560xi32, #tpu.memory_space<hbm>>
      tpu.enqueue_dma source(%dma_start3A_182 : memref<2560xi32, #tpu.memory_space<hbm>>) target(%arg22 : memref<2560xi32, #tpu.memory_space<vmem>>) target_semaphore(%run_scoped3A : memref<!tpu.dma_semaphore, #tpu.memory_space<semaphore_mem>>)
      %dma_wait3A_183 = tpu.memref_slice %arg13[%mul3A_34] : memref<81920xi32, #tpu.memory_space<hbm>> -> memref<2560xi32, #tpu.memory_space<hbm>>
      %dma_wait3A_184 = tpu.memref_slice %arg13[%mul3A_34] : memref<81920xi32, #tpu.memory_space<hbm>> -> memref<2560xi32, #tpu.memory_space<hbm>>
      tpu.wait_dma2 semaphore(%run_scoped3A : memref<!tpu.dma_semaphore, #tpu.memory_space<semaphore_mem>>) src(%dma_wait3A_184 : memref<2560xi32, #tpu.memory_space<hbm>>) dst(%arg22 : memref<2560xi32, #tpu.memory_space<vmem>>)
      tpu.yield
    }) : () -> ()
    %mul3A_35 = arith.constant 6400 : i32
    %mul3A_36 = arith.muli %add3A, %mul3A_35 : i32
    %mul3A_37 = arith.constant 6400 : i32
    %mul3A_38 = arith.muli %add3A, %mul3A_37 : i32
    %mul3A_39 = arith.constant 6400 : i32
    %mul3A_40 = arith.muli %add3A, %mul3A_39 : i32
    %mul3A_41 = arith.constant 6400 : i32
    %mul3A_42 = arith.muli %add3A, %mul3A_41 : i32
    %mul3A_43 = arith.constant 6400 : i32
    %mul3A_44 = arith.muli %add3A, %mul3A_43 : i32
    %mul3A_45 = arith.constant 2560 : i32
    %mul3A_46 = arith.muli %add3A, %mul3A_45 : i32
    %mul3A_47 = arith.constant 2560 : i32
    %mul3A_48 = arith.muli %add3A, %mul3A_47 : i32
    %dma_start3A_49 = arith.constant 0 : i32
    %dma_start3A_50 = tpu.memref_slice %arg21[%dma_start3A_49] : memref<6400xi32, #tpu.memory_space<vmem>> -> memref<1280xi32, #tpu.memory_space<vmem>>
    %dma_start3A_51 = arith.constant 0 : i32
    %dma_start3A_52 = arith.constant 0 : i32
    %dma_start3A_53 = tpu.memref_slice %arg6[%dma_start3A_51, %dma_start3A_52] : memref<100000x32xf32, #tpu.memory_space<hbm>> -> memref<100000x32xf32, #tpu.memory_space<hbm>>
    tpu.enqueue_indirect_dma source(%dma_start3A_53 : memref<100000x32xf32, #tpu.memory_space<hbm>>) target(%arg24 : memref<1280x32xf32, #tpu.memory_space<vmem>>) offsets(%dma_start3A_50 : memref<1280xi32, #tpu.memory_space<vmem>>) semaphore(%arg26 : memref<!tpu.dma_semaphore, #tpu.memory_space<semaphore_mem>>)
    %dma_start3A_54 = arith.constant 1280 : i32
    %dma_start3A_55 = tpu.memref_slice %arg21[%dma_start3A_54] : memref<6400xi32, #tpu.memory_space<vmem>> -> memref<1280xi32, #tpu.memory_space<vmem>>
    %dma_start3A_56 = arith.constant 0 : i32
    %dma_start3A_57 = arith.constant 0 : i32
    %dma_start3A_58 = tpu.memref_slice %arg6[%dma_start3A_56, %dma_start3A_57] : memref<100000x32xf32, #tpu.memory_space<hbm>> -> memref<100000x32xf32, #tpu.memory_space<hbm>>
    tpu.enqueue_indirect_dma source(%dma_start3A_58 : memref<100000x32xf32, #tpu.memory_space<hbm>>) target(%arg25 : memref<1280x32xf32, #tpu.memory_space<vmem>>) offsets(%dma_start3A_55 : memref<1280xi32, #tpu.memory_space<vmem>>) semaphore(%arg27 : memref<!tpu.dma_semaphore, #tpu.memory_space<semaphore_mem>>)
    %dma_wait3A_59 = arith.constant 0 : i32
    %dma_wait3A_60 = tpu.memref_slice %arg21[%dma_wait3A_59] : memref<6400xi32, #tpu.memory_space<vmem>> -> memref<1280xi32, #tpu.memory_space<vmem>>
    %dma_wait3A_61 = arith.constant 0 : i32
    %dma_wait3A_62 = arith.constant 0 : i32
    %dma_wait3A_63 = tpu.memref_slice %arg6[%dma_wait3A_61, %dma_wait3A_62] : memref<100000x32xf32, #tpu.memory_space<hbm>> -> memref<100000x32xf32, #tpu.memory_space<hbm>>
    tpu.wait_indirect_dma semaphore(%arg26 : memref<!tpu.dma_semaphore, #tpu.memory_space<semaphore_mem>>) src(%dma_wait3A_63 : memref<100000x32xf32, #tpu.memory_space<hbm>>) dst(%arg24 : memref<1280x32xf32, #tpu.memory_space<vmem>>)
    %add3A_64 = arith.constant 0 : i32
    %add3A_65 = arith.addi %mul3A_36, %add3A_64 : i32
    %dma_start3A_66 = arith.constant 0 : i32
    %dma_start3A_67 = tpu.memref_slice %arg18[%add3A_65, %dma_start3A_66] : memref<204800x32xf32, #tpu.memory_space<hbm>> -> memref<1280x32xf32, #tpu.memory_space<hbm>>
    %dma_start3A_68 = arith.constant 0 : i32
    %dma_start3A_69 = tpu.memref_slice %arg18[%add3A_65, %dma_start3A_68] : memref<204800x32xf32, #tpu.memory_space<hbm>> -> memref<1280x32xf32, #tpu.memory_space<hbm>>
    tpu.enqueue_dma source(%arg24 : memref<1280x32xf32, #tpu.memory_space<vmem>>) target(%dma_start3A_69 : memref<1280x32xf32, #tpu.memory_space<hbm>>) target_semaphore(%arg28 : memref<!tpu.dma_semaphore, #tpu.memory_space<semaphore_mem>>)
    %dma_wait3A_70 = arith.constant 0 : i32
    %dma_wait3A_71 = tpu.memref_slice %arg18[%add3A_65, %dma_wait3A_70] : memref<204800x32xf32, #tpu.memory_space<hbm>> -> memref<1280x32xf32, #tpu.memory_space<hbm>>
    %dma_wait3A_72 = arith.constant 0 : i32
    %dma_wait3A_73 = tpu.memref_slice %arg18[%add3A_65, %dma_wait3A_72] : memref<204800x32xf32, #tpu.memory_space<hbm>> -> memref<1280x32xf32, #tpu.memory_space<hbm>>
    tpu.wait_dma2 semaphore(%arg28 : memref<!tpu.dma_semaphore, #tpu.memory_space<semaphore_mem>>) src(%arg24 : memref<1280x32xf32, #tpu.memory_space<vmem>>) dst(%dma_wait3A_73 : memref<1280x32xf32, #tpu.memory_space<hbm>>)
    %dma_start3A_74 = arith.constant 2560 : i32
    %dma_start3A_75 = tpu.memref_slice %arg21[%dma_start3A_74] : memref<6400xi32, #tpu.memory_space<vmem>> -> memref<1280xi32, #tpu.memory_space<vmem>>
    %dma_start3A_76 = arith.constant 0 : i32
    %dma_start3A_77 = arith.constant 0 : i32
    %dma_start3A_78 = tpu.memref_slice %arg6[%dma_start3A_76, %dma_start3A_77] : memref<100000x32xf32, #tpu.memory_space<hbm>> -> memref<100000x32xf32, #tpu.memory_space<hbm>>
    tpu.enqueue_indirect_dma source(%dma_start3A_78 : memref<100000x32xf32, #tpu.memory_space<hbm>>) target(%arg24 : memref<1280x32xf32, #tpu.memory_space<vmem>>) offsets(%dma_start3A_75 : memref<1280xi32, #tpu.memory_space<vmem>>) semaphore(%arg26 : memref<!tpu.dma_semaphore, #tpu.memory_space<semaphore_mem>>)
    %dma_wait3A_79 = arith.constant 1280 : i32
    %dma_wait3A_80 = tpu.memref_slice %arg21[%dma_wait3A_79] : memref<6400xi32, #tpu.memory_space<vmem>> -> memref<1280xi32, #tpu.memory_space<vmem>>
    %dma_wait3A_81 = arith.constant 0 : i32
    %dma_wait3A_82 = arith.constant 0 : i32
    %dma_wait3A_83 = tpu.memref_slice %arg6[%dma_wait3A_81, %dma_wait3A_82] : memref<100000x32xf32, #tpu.memory_space<hbm>> -> memref<100000x32xf32, #tpu.memory_space<hbm>>
    tpu.wait_indirect_dma semaphore(%arg27 : memref<!tpu.dma_semaphore, #tpu.memory_space<semaphore_mem>>) src(%dma_wait3A_83 : memref<100000x32xf32, #tpu.memory_space<hbm>>) dst(%arg25 : memref<1280x32xf32, #tpu.memory_space<vmem>>)
    %add3A_84 = arith.constant 1280 : i32
    %add3A_85 = arith.addi %mul3A_38, %add3A_84 : i32
    %dma_start3A_86 = arith.constant 0 : i32
    %dma_start3A_87 = tpu.memref_slice %arg18[%add3A_85, %dma_start3A_86] : memref<204800x32xf32, #tpu.memory_space<hbm>> -> memref<1280x32xf32, #tpu.memory_space<hbm>>
    %dma_start3A_88 = arith.constant 0 : i32
    %dma_start3A_89 = tpu.memref_slice %arg18[%add3A_85, %dma_start3A_88] : memref<204800x32xf32, #tpu.memory_space<hbm>> -> memref<1280x32xf32, #tpu.memory_space<hbm>>
    tpu.enqueue_dma source(%arg25 : memref<1280x32xf32, #tpu.memory_space<vmem>>) target(%dma_start3A_89 : memref<1280x32xf32, #tpu.memory_space<hbm>>) target_semaphore(%arg29 : memref<!tpu.dma_semaphore, #tpu.memory_space<semaphore_mem>>)
    %dma_wait3A_90 = arith.constant 0 : i32
    %dma_wait3A_91 = tpu.memref_slice %arg18[%add3A_85, %dma_wait3A_90] : memref<204800x32xf32, #tpu.memory_space<hbm>> -> memref<1280x32xf32, #tpu.memory_space<hbm>>
    %dma_wait3A_92 = arith.constant 0 : i32
    %dma_wait3A_93 = tpu.memref_slice %arg18[%add3A_85, %dma_wait3A_92] : memref<204800x32xf32, #tpu.memory_space<hbm>> -> memref<1280x32xf32, #tpu.memory_space<hbm>>
    tpu.wait_dma2 semaphore(%arg29 : memref<!tpu.dma_semaphore, #tpu.memory_space<semaphore_mem>>) src(%arg25 : memref<1280x32xf32, #tpu.memory_space<vmem>>) dst(%dma_wait3A_93 : memref<1280x32xf32, #tpu.memory_space<hbm>>)
    %dma_start3A_94 = arith.constant 3840 : i32
    %dma_start3A_95 = tpu.memref_slice %arg21[%dma_start3A_94] : memref<6400xi32, #tpu.memory_space<vmem>> -> memref<1280xi32, #tpu.memory_space<vmem>>
    %dma_start3A_96 = arith.constant 0 : i32
    %dma_start3A_97 = arith.constant 0 : i32
    %dma_start3A_98 = tpu.memref_slice %arg6[%dma_start3A_96, %dma_start3A_97] : memref<100000x32xf32, #tpu.memory_space<hbm>> -> memref<100000x32xf32, #tpu.memory_space<hbm>>
    tpu.enqueue_indirect_dma source(%dma_start3A_98 : memref<100000x32xf32, #tpu.memory_space<hbm>>) target(%arg25 : memref<1280x32xf32, #tpu.memory_space<vmem>>) offsets(%dma_start3A_95 : memref<1280xi32, #tpu.memory_space<vmem>>) semaphore(%arg27 : memref<!tpu.dma_semaphore, #tpu.memory_space<semaphore_mem>>)
    %dma_wait3A_99 = arith.constant 2560 : i32
    %dma_wait3A_100 = tpu.memref_slice %arg21[%dma_wait3A_99] : memref<6400xi32, #tpu.memory_space<vmem>> -> memref<1280xi32, #tpu.memory_space<vmem>>
    %dma_wait3A_101 = arith.constant 0 : i32
    %dma_wait3A_102 = arith.constant 0 : i32
    %dma_wait3A_103 = tpu.memref_slice %arg6[%dma_wait3A_101, %dma_wait3A_102] : memref<100000x32xf32, #tpu.memory_space<hbm>> -> memref<100000x32xf32, #tpu.memory_space<hbm>>
    tpu.wait_indirect_dma semaphore(%arg26 : memref<!tpu.dma_semaphore, #tpu.memory_space<semaphore_mem>>) src(%dma_wait3A_103 : memref<100000x32xf32, #tpu.memory_space<hbm>>) dst(%arg24 : memref<1280x32xf32, #tpu.memory_space<vmem>>)
    %add3A_104 = arith.constant 2560 : i32
    %add3A_105 = arith.addi %mul3A_40, %add3A_104 : i32
    %dma_start3A_106 = arith.constant 0 : i32
    %dma_start3A_107 = tpu.memref_slice %arg18[%add3A_105, %dma_start3A_106] : memref<204800x32xf32, #tpu.memory_space<hbm>> -> memref<1280x32xf32, #tpu.memory_space<hbm>>
    %dma_start3A_108 = arith.constant 0 : i32
    %dma_start3A_109 = tpu.memref_slice %arg18[%add3A_105, %dma_start3A_108] : memref<204800x32xf32, #tpu.memory_space<hbm>> -> memref<1280x32xf32, #tpu.memory_space<hbm>>
    tpu.enqueue_dma source(%arg24 : memref<1280x32xf32, #tpu.memory_space<vmem>>) target(%dma_start3A_109 : memref<1280x32xf32, #tpu.memory_space<hbm>>) target_semaphore(%arg28 : memref<!tpu.dma_semaphore, #tpu.memory_space<semaphore_mem>>)
    %dma_wait3A_110 = arith.constant 0 : i32
    %dma_wait3A_111 = tpu.memref_slice %arg18[%add3A_105, %dma_wait3A_110] : memref<204800x32xf32, #tpu.memory_space<hbm>> -> memref<1280x32xf32, #tpu.memory_space<hbm>>
    %dma_wait3A_112 = arith.constant 0 : i32
    %dma_wait3A_113 = tpu.memref_slice %arg18[%add3A_105, %dma_wait3A_112] : memref<204800x32xf32, #tpu.memory_space<hbm>> -> memref<1280x32xf32, #tpu.memory_space<hbm>>
    tpu.wait_dma2 semaphore(%arg28 : memref<!tpu.dma_semaphore, #tpu.memory_space<semaphore_mem>>) src(%arg24 : memref<1280x32xf32, #tpu.memory_space<vmem>>) dst(%dma_wait3A_113 : memref<1280x32xf32, #tpu.memory_space<hbm>>)
    %dma_start3A_114 = arith.constant 5120 : i32
    %dma_start3A_115 = tpu.memref_slice %arg21[%dma_start3A_114] : memref<6400xi32, #tpu.memory_space<vmem>> -> memref<1280xi32, #tpu.memory_space<vmem>>
    %dma_start3A_116 = arith.constant 0 : i32
    %dma_start3A_117 = arith.constant 0 : i32
    %dma_start3A_118 = tpu.memref_slice %arg6[%dma_start3A_116, %dma_start3A_117] : memref<100000x32xf32, #tpu.memory_space<hbm>> -> memref<100000x32xf32, #tpu.memory_space<hbm>>
    tpu.enqueue_indirect_dma source(%dma_start3A_118 : memref<100000x32xf32, #tpu.memory_space<hbm>>) target(%arg24 : memref<1280x32xf32, #tpu.memory_space<vmem>>) offsets(%dma_start3A_115 : memref<1280xi32, #tpu.memory_space<vmem>>) semaphore(%arg26 : memref<!tpu.dma_semaphore, #tpu.memory_space<semaphore_mem>>)
    %dma_wait3A_119 = arith.constant 3840 : i32
    %dma_wait3A_120 = tpu.memref_slice %arg21[%dma_wait3A_119] : memref<6400xi32, #tpu.memory_space<vmem>> -> memref<1280xi32, #tpu.memory_space<vmem>>
    %dma_wait3A_121 = arith.constant 0 : i32
    %dma_wait3A_122 = arith.constant 0 : i32
    %dma_wait3A_123 = tpu.memref_slice %arg6[%dma_wait3A_121, %dma_wait3A_122] : memref<100000x32xf32, #tpu.memory_space<hbm>> -> memref<100000x32xf32, #tpu.memory_space<hbm>>
    tpu.wait_indirect_dma semaphore(%arg27 : memref<!tpu.dma_semaphore, #tpu.memory_space<semaphore_mem>>) src(%dma_wait3A_123 : memref<100000x32xf32, #tpu.memory_space<hbm>>) dst(%arg25 : memref<1280x32xf32, #tpu.memory_space<vmem>>)
    %add3A_124 = arith.constant 3840 : i32
    %add3A_125 = arith.addi %mul3A_42, %add3A_124 : i32
    %dma_start3A_126 = arith.constant 0 : i32
    %dma_start3A_127 = tpu.memref_slice %arg18[%add3A_125, %dma_start3A_126] : memref<204800x32xf32, #tpu.memory_space<hbm>> -> memref<1280x32xf32, #tpu.memory_space<hbm>>
    %dma_start3A_128 = arith.constant 0 : i32
    %dma_start3A_129 = tpu.memref_slice %arg18[%add3A_125, %dma_start3A_128] : memref<204800x32xf32, #tpu.memory_space<hbm>> -> memref<1280x32xf32, #tpu.memory_space<hbm>>
    tpu.enqueue_dma source(%arg25 : memref<1280x32xf32, #tpu.memory_space<vmem>>) target(%dma_start3A_129 : memref<1280x32xf32, #tpu.memory_space<hbm>>) target_semaphore(%arg29 : memref<!tpu.dma_semaphore, #tpu.memory_space<semaphore_mem>>)
    %dma_wait3A_130 = arith.constant 0 : i32
    %dma_wait3A_131 = tpu.memref_slice %arg18[%add3A_125, %dma_wait3A_130] : memref<204800x32xf32, #tpu.memory_space<hbm>> -> memref<1280x32xf32, #tpu.memory_space<hbm>>
    %dma_wait3A_132 = arith.constant 0 : i32
    %dma_wait3A_133 = tpu.memref_slice %arg18[%add3A_125, %dma_wait3A_132] : memref<204800x32xf32, #tpu.memory_space<hbm>> -> memref<1280x32xf32, #tpu.memory_space<hbm>>
    tpu.wait_dma2 semaphore(%arg29 : memref<!tpu.dma_semaphore, #tpu.memory_space<semaphore_mem>>) src(%arg25 : memref<1280x32xf32, #tpu.memory_space<vmem>>) dst(%dma_wait3A_133 : memref<1280x32xf32, #tpu.memory_space<hbm>>)
    %dma_start3A_134 = arith.constant 0 : i32
    %dma_start3A_135 = tpu.memref_slice %arg22[%dma_start3A_134] : memref<2560xi32, #tpu.memory_space<vmem>> -> memref<1280xi32, #tpu.memory_space<vmem>>
    %dma_start3A_136 = arith.constant 0 : i32
    %dma_start3A_137 = arith.constant 0 : i32
    %dma_start3A_138 = tpu.memref_slice %arg7[%dma_start3A_136, %dma_start3A_137] : memref<1000x32xf32, #tpu.memory_space<hbm>> -> memref<1000x32xf32, #tpu.memory_space<hbm>>
    tpu.enqueue_indirect_dma source(%dma_start3A_138 : memref<1000x32xf32, #tpu.memory_space<hbm>>) target(%arg25 : memref<1280x32xf32, #tpu.memory_space<vmem>>) offsets(%dma_start3A_135 : memref<1280xi32, #tpu.memory_space<vmem>>) semaphore(%arg27 : memref<!tpu.dma_semaphore, #tpu.memory_space<semaphore_mem>>)
    %dma_wait3A_139 = arith.constant 5120 : i32
    %dma_wait3A_140 = tpu.memref_slice %arg21[%dma_wait3A_139] : memref<6400xi32, #tpu.memory_space<vmem>> -> memref<1280xi32, #tpu.memory_space<vmem>>
    %dma_wait3A_141 = arith.constant 0 : i32
    %dma_wait3A_142 = arith.constant 0 : i32
    %dma_wait3A_143 = tpu.memref_slice %arg6[%dma_wait3A_141, %dma_wait3A_142] : memref<100000x32xf32, #tpu.memory_space<hbm>> -> memref<100000x32xf32, #tpu.memory_space<hbm>>
    tpu.wait_indirect_dma semaphore(%arg26 : memref<!tpu.dma_semaphore, #tpu.memory_space<semaphore_mem>>) src(%dma_wait3A_143 : memref<100000x32xf32, #tpu.memory_space<hbm>>) dst(%arg24 : memref<1280x32xf32, #tpu.memory_space<vmem>>)
    %add3A_144 = arith.constant 5120 : i32
    %add3A_145 = arith.addi %mul3A_44, %add3A_144 : i32
    %dma_start3A_146 = arith.constant 0 : i32
    %dma_start3A_147 = tpu.memref_slice %arg18[%add3A_145, %dma_start3A_146] : memref<204800x32xf32, #tpu.memory_space<hbm>> -> memref<1280x32xf32, #tpu.memory_space<hbm>>
    %dma_start3A_148 = arith.constant 0 : i32
    %dma_start3A_149 = tpu.memref_slice %arg18[%add3A_145, %dma_start3A_148] : memref<204800x32xf32, #tpu.memory_space<hbm>> -> memref<1280x32xf32, #tpu.memory_space<hbm>>
    tpu.enqueue_dma source(%arg24 : memref<1280x32xf32, #tpu.memory_space<vmem>>) target(%dma_start3A_149 : memref<1280x32xf32, #tpu.memory_space<hbm>>) target_semaphore(%arg28 : memref<!tpu.dma_semaphore, #tpu.memory_space<semaphore_mem>>)
    %dma_wait3A_150 = arith.constant 0 : i32
    %dma_wait3A_151 = tpu.memref_slice %arg18[%add3A_145, %dma_wait3A_150] : memref<204800x32xf32, #tpu.memory_space<hbm>> -> memref<1280x32xf32, #tpu.memory_space<hbm>>
    %dma_wait3A_152 = arith.constant 0 : i32
    %dma_wait3A_153 = tpu.memref_slice %arg18[%add3A_145, %dma_wait3A_152] : memref<204800x32xf32, #tpu.memory_space<hbm>> -> memref<1280x32xf32, #tpu.memory_space<hbm>>
    tpu.wait_dma2 semaphore(%arg28 : memref<!tpu.dma_semaphore, #tpu.memory_space<semaphore_mem>>) src(%arg24 : memref<1280x32xf32, #tpu.memory_space<vmem>>) dst(%dma_wait3A_153 : memref<1280x32xf32, #tpu.memory_space<hbm>>)
    %dma_start3A_154 = arith.constant 1280 : i32
    %dma_start3A_155 = tpu.memref_slice %arg22[%dma_start3A_154] : memref<2560xi32, #tpu.memory_space<vmem>> -> memref<1280xi32, #tpu.memory_space<vmem>>
    %dma_start3A_156 = arith.constant 0 : i32
    %dma_start3A_157 = arith.constant 0 : i32
    %dma_start3A_158 = tpu.memref_slice %arg7[%dma_start3A_156, %dma_start3A_157] : memref<1000x32xf32, #tpu.memory_space<hbm>> -> memref<1000x32xf32, #tpu.memory_space<hbm>>
    tpu.enqueue_indirect_dma source(%dma_start3A_158 : memref<1000x32xf32, #tpu.memory_space<hbm>>) target(%arg24 : memref<1280x32xf32, #tpu.memory_space<vmem>>) offsets(%dma_start3A_155 : memref<1280xi32, #tpu.memory_space<vmem>>) semaphore(%arg26 : memref<!tpu.dma_semaphore, #tpu.memory_space<semaphore_mem>>)
    %dma_wait3A_159 = arith.constant 0 : i32
    %dma_wait3A_160 = tpu.memref_slice %arg22[%dma_wait3A_159] : memref<2560xi32, #tpu.memory_space<vmem>> -> memref<1280xi32, #tpu.memory_space<vmem>>
    %dma_wait3A_161 = arith.constant 0 : i32
    %dma_wait3A_162 = arith.constant 0 : i32
    %dma_wait3A_163 = tpu.memref_slice %arg7[%dma_wait3A_161, %dma_wait3A_162] : memref<1000x32xf32, #tpu.memory_space<hbm>> -> memref<1000x32xf32, #tpu.memory_space<hbm>>
    tpu.wait_indirect_dma semaphore(%arg27 : memref<!tpu.dma_semaphore, #tpu.memory_space<semaphore_mem>>) src(%dma_wait3A_163 : memref<1000x32xf32, #tpu.memory_space<hbm>>) dst(%arg25 : memref<1280x32xf32, #tpu.memory_space<vmem>>)
    %add3A_164 = arith.constant 0 : i32
    %add3A_165 = arith.addi %mul3A_46, %add3A_164 : i32
    %dma_start3A_166 = arith.constant 0 : i32
    %dma_start3A_167 = tpu.memref_slice %arg19[%add3A_165, %dma_start3A_166] : memref<81920x32xf32, #tpu.memory_space<hbm>> -> memref<1280x32xf32, #tpu.memory_space<hbm>>
    %dma_start3A_168 = arith.constant 0 : i32
    %dma_start3A_169 = tpu.memref_slice %arg19[%add3A_165, %dma_start3A_168] : memref<81920x32xf32, #tpu.memory_space<hbm>> -> memref<1280x32xf32, #tpu.memory_space<hbm>>
    tpu.enqueue_dma source(%arg25 : memref<1280x32xf32, #tpu.memory_space<vmem>>) target(%dma_start3A_169 : memref<1280x32xf32, #tpu.memory_space<hbm>>) target_semaphore(%arg29 : memref<!tpu.dma_semaphore, #tpu.memory_space<semaphore_mem>>)
    %dma_wait3A_170 = arith.constant 1280 : i32
    %dma_wait3A_171 = tpu.memref_slice %arg22[%dma_wait3A_170] : memref<2560xi32, #tpu.memory_space<vmem>> -> memref<1280xi32, #tpu.memory_space<vmem>>
    %dma_wait3A_172 = arith.constant 0 : i32
    %dma_wait3A_173 = arith.constant 0 : i32
    %dma_wait3A_174 = tpu.memref_slice %arg7[%dma_wait3A_172, %dma_wait3A_173] : memref<1000x32xf32, #tpu.memory_space<hbm>> -> memref<1000x32xf32, #tpu.memory_space<hbm>>
    tpu.wait_indirect_dma semaphore(%arg26 : memref<!tpu.dma_semaphore, #tpu.memory_space<semaphore_mem>>) src(%dma_wait3A_174 : memref<1000x32xf32, #tpu.memory_space<hbm>>) dst(%arg24 : memref<1280x32xf32, #tpu.memory_space<vmem>>)
    %add3A_175 = arith.constant 1280 : i32
    %add3A_176 = arith.addi %mul3A_48, %add3A_175 : i32
    "tpu.region"() ({
      %run_scoped3A = tpu.sem_alloc : memref<!tpu.dma_semaphore, #tpu.memory_space<semaphore_mem>>
      %dma_start3A_181 = arith.constant 0 : i32
      %dma_start3A_182 = tpu.memref_slice %arg19[%add3A_176, %dma_start3A_181] : memref<81920x32xf32, #tpu.memory_space<hbm>> -> memref<1280x32xf32, #tpu.memory_space<hbm>>
      %dma_start3A_183 = arith.constant 0 : i32
      %dma_start3A_184 = tpu.memref_slice %arg19[%add3A_176, %dma_start3A_183] : memref<81920x32xf32, #tpu.memory_space<hbm>> -> memref<1280x32xf32, #tpu.memory_space<hbm>>
      tpu.enqueue_dma source(%arg24 : memref<1280x32xf32, #tpu.memory_space<vmem>>) target(%dma_start3A_184 : memref<1280x32xf32, #tpu.memory_space<hbm>>) target_semaphore(%run_scoped3A : memref<!tpu.dma_semaphore, #tpu.memory_space<semaphore_mem>>)
      %dma_wait3A_185 = arith.constant 0 : i32
      %dma_wait3A_186 = tpu.memref_slice %arg19[%add3A_176, %dma_wait3A_185] : memref<81920x32xf32, #tpu.memory_space<hbm>> -> memref<1280x32xf32, #tpu.memory_space<hbm>>
      %dma_wait3A_187 = arith.constant 0 : i32
      %dma_wait3A_188 = tpu.memref_slice %arg19[%add3A_176, %dma_wait3A_187] : memref<81920x32xf32, #tpu.memory_space<hbm>> -> memref<1280x32xf32, #tpu.memory_space<hbm>>
      tpu.wait_dma2 semaphore(%run_scoped3A : memref<!tpu.dma_semaphore, #tpu.memory_space<semaphore_mem>>) src(%arg24 : memref<1280x32xf32, #tpu.memory_space<vmem>>) dst(%dma_wait3A_188 : memref<1280x32xf32, #tpu.memory_space<hbm>>)
      tpu.yield
    }) : () -> ()
    %dma_wait3A_177 = arith.constant 0 : i32
    %dma_wait3A_178 = tpu.memref_slice %arg19[%add3A_165, %dma_wait3A_177] : memref<81920x32xf32, #tpu.memory_space<hbm>> -> memref<1280x32xf32, #tpu.memory_space<hbm>>
    %dma_wait3A_179 = arith.constant 0 : i32
    %dma_wait3A_180 = tpu.memref_slice %arg19[%add3A_165, %dma_wait3A_179] : memref<81920x32xf32, #tpu.memory_space<hbm>> -> memref<1280x32xf32, #tpu.memory_space<hbm>>
    tpu.wait_dma2 semaphore(%arg29 : memref<!tpu.dma_semaphore, #tpu.memory_space<semaphore_mem>>) src(%arg25 : memref<1280x32xf32, #tpu.memory_space<vmem>>) dst(%dma_wait3A_180 : memref<1280x32xf32, #tpu.memory_space<hbm>>)
    return
  }
}

module attributes {stable_mosaic.version = 14 : i64} {
  func.func @_tc_a_body(%arg0: i32, %arg1: memref<512x32xf32, #tpu.memory_space<vmem>>, %arg2: memref<512x32xf32, #tpu.memory_space<vmem>>, %arg3: memref<512x32xf32, #tpu.memory_space<vmem>>, %arg4: memref<512x32xf32, #tpu.memory_space<vmem>>, %arg5: memref<512x1600xf32, #tpu.memory_space<vmem>>, %arg6: memref<512x640xf32, #tpu.memory_space<vmem>>, %arg7: memref<512x1xi32, #tpu.memory_space<vmem>>, %arg8: memref<512x1xi32, #tpu.memory_space<vmem>>, %arg9: memref<512x1xi32, #tpu.memory_space<vmem>>, %arg10: memref<512x1xi32, #tpu.memory_space<vmem>>, %arg11: memref<512x1xi32, #tpu.memory_space<vmem>>, %arg12: memref<512x1xi32, #tpu.memory_space<vmem>>, %arg13: memref<512x1xi32, #tpu.memory_space<vmem>>, %arg14: memref<512x1xi32, #tpu.memory_space<vmem>>, %arg15: memref<512x1xi32, #tpu.memory_space<vmem>>, %arg16: memref<512x1xi32, #tpu.memory_space<vmem>>, %arg17: memref<512x1xi32, #tpu.memory_space<vmem>>, %arg18: memref<3x16xf32, #tpu.memory_space<vmem>>, %arg19: memref<10x16xf32, #tpu.memory_space<vmem>>, %arg20: memref<12x16xf32, #tpu.memory_space<vmem>>, %arg21: memref<100x32xf32, #tpu.memory_space<vmem>>, %arg22: memref<1000x32xf32, #tpu.memory_space<vmem>>, %arg23: memref<200x32xf32, #tpu.memory_space<vmem>>, %arg24: memref<40x16xf32, #tpu.memory_space<vmem>>, %arg25: memref<1000x32xf32, #tpu.memory_space<vmem>>, %arg26: memref<1000x32xf32, #tpu.memory_space<vmem>>, %arg27: memref<1000x32xf32, #tpu.memory_space<vmem>>, %arg28: memref<500x16xf32, #tpu.memory_space<vmem>>, %arg29: memref<32x32xf32, #tpu.memory_space<vmem>>, %arg30: memref<1x32xf32, #tpu.memory_space<vmem>>, %arg31: memref<16x32xf32, #tpu.memory_space<vmem>>, %arg32: memref<1x32xf32, #tpu.memory_space<vmem>>, %arg33: memref<16x32xf32, #tpu.memory_space<vmem>>, %arg34: memref<1x32xf32, #tpu.memory_space<vmem>>, %arg35: memref<16x32xf32, #tpu.memory_space<vmem>>, %arg36: memref<1x32xf32, #tpu.memory_space<vmem>>, %arg37: memref<32x32xf32, #tpu.memory_space<vmem>>, %arg38: memref<1x32xf32, #tpu.memory_space<vmem>>, %arg39: memref<32x32xf32, #tpu.memory_space<vmem>>, %arg40: memref<1x32xf32, #tpu.memory_space<vmem>>, %arg41: memref<32x32xf32, #tpu.memory_space<vmem>>, %arg42: memref<1x32xf32, #tpu.memory_space<vmem>>, %arg43: memref<16x32xf32, #tpu.memory_space<vmem>>, %arg44: memref<1x32xf32, #tpu.memory_space<vmem>>, %arg45: memref<32x32xf32, #tpu.memory_space<vmem>>, %arg46: memref<1x32xf32, #tpu.memory_space<vmem>>, %arg47: memref<96x32xf32, #tpu.memory_space<vmem>>, %arg48: memref<1x32xf32, #tpu.memory_space<vmem>>, %arg49: memref<32x32xf32, #tpu.memory_space<vmem>>, %arg50: memref<1x32xf32, #tpu.memory_space<vmem>>, %arg51: memref<32x32xf32, #tpu.memory_space<vmem>>, %arg52: memref<1x32xf32, #tpu.memory_space<vmem>>, %arg53: memref<32x32xf32, #tpu.memory_space<vmem>>, %arg54: memref<1x32xf32, #tpu.memory_space<vmem>>, %arg55: memref<32x32xf32, #tpu.memory_space<vmem>>, %arg56: memref<1x32xf32, #tpu.memory_space<vmem>>, %arg57: memref<32x32xf32, #tpu.memory_space<vmem>>, %arg58: memref<1x32xf32, #tpu.memory_space<vmem>>, %arg59: memref<16x32xf32, #tpu.memory_space<vmem>>, %arg60: memref<1x32xf32, #tpu.memory_space<vmem>>, %arg61: memref<32x32xf32, #tpu.memory_space<vmem>>, %arg62: memref<1x32xf32, #tpu.memory_space<vmem>>, %arg63: memref<32x32xf32, #tpu.memory_space<vmem>>, %arg64: memref<1x32xf32, #tpu.memory_space<vmem>>, %arg65: memref<512x480xf32, #tpu.memory_space<vmem>>, %arg66: memref<2x480xf32, #tpu.memory_space<vmem>>) attributes {dimension_semantics = [#tpu.dimension_semantics<arbitrary>], iteration_bounds = array<i64: 8>, scalar_prefetch = 0 : i64, scratch_operands = 0 : i64, tpu.core_type = #tpu.core_type<tc>, window_params = [{transform_indices = @transform_0, window_bounds = array<i64: 512, 32>}, {transform_indices = @transform_1, window_bounds = array<i64: 512, 32>}, {transform_indices = @transform_2, window_bounds = array<i64: 512, 32>}, {transform_indices = @transform_3, window_bounds = array<i64: 512, 32>}, {transform_indices = @transform_4, window_bounds = array<i64: 512, 1600>}, {transform_indices = @transform_5, window_bounds = array<i64: 512, 640>}, {transform_indices = @transform_6, window_bounds = array<i64: 512, 1>}, {transform_indices = @transform_7, window_bounds = array<i64: 512, 1>}, {transform_indices = @transform_8, window_bounds = array<i64: 512, 1>}, {transform_indices = @transform_9, window_bounds = array<i64: 512, 1>}, {transform_indices = @transform_10, window_bounds = array<i64: 512, 1>}, {transform_indices = @transform_11, window_bounds = array<i64: 512, 1>}, {transform_indices = @transform_12, window_bounds = array<i64: 512, 1>}, {transform_indices = @transform_13, window_bounds = array<i64: 512, 1>}, {transform_indices = @transform_14, window_bounds = array<i64: 512, 1>}, {transform_indices = @transform_15, window_bounds = array<i64: 512, 1>}, {transform_indices = @transform_16, window_bounds = array<i64: 512, 1>}, {pipeline_mode = #tpu.pipeline_mode<synchronous>, transform_indices = @transform_17, window_bounds = array<i64: 3, 16>}, {pipeline_mode = #tpu.pipeline_mode<synchronous>, transform_indices = @transform_18, window_bounds = array<i64: 10, 16>}, {pipeline_mode = #tpu.pipeline_mode<synchronous>, transform_indices = @transform_19, window_bounds = array<i64: 12, 16>}, {pipeline_mode = #tpu.pipeline_mode<synchronous>, transform_indices = @transform_20, window_bounds = array<i64: 100, 32>}, {pipeline_mode = #tpu.pipeline_mode<synchronous>, transform_indices = @transform_21, window_bounds = array<i64: 1000, 32>}, {pipeline_mode = #tpu.pipeline_mode<synchronous>, transform_indices = @transform_22, window_bounds = array<i64: 200, 32>}, {pipeline_mode = #tpu.pipeline_mode<synchronous>, transform_indices = @transform_23, window_bounds = array<i64: 40, 16>}, {pipeline_mode = #tpu.pipeline_mode<synchronous>, transform_indices = @transform_24, window_bounds = array<i64: 1000, 32>}, {pipeline_mode = #tpu.pipeline_mode<synchronous>, transform_indices = @transform_25, window_bounds = array<i64: 1000, 32>}, {pipeline_mode = #tpu.pipeline_mode<synchronous>, transform_indices = @transform_26, window_bounds = array<i64: 1000, 32>}, {pipeline_mode = #tpu.pipeline_mode<synchronous>, transform_indices = @transform_27, window_bounds = array<i64: 500, 16>}, {pipeline_mode = #tpu.pipeline_mode<synchronous>, transform_indices = @transform_28, window_bounds = array<i64: 32, 32>}, {pipeline_mode = #tpu.pipeline_mode<synchronous>, transform_indices = @transform_29, window_bounds = array<i64: 1, 32>}, {pipeline_mode = #tpu.pipeline_mode<synchronous>, transform_indices = @transform_30, window_bounds = array<i64: 16, 32>}, {pipeline_mode = #tpu.pipeline_mode<synchronous>, transform_indices = @transform_31, window_bounds = array<i64: 1, 32>}, {pipeline_mode = #tpu.pipeline_mode<synchronous>, transform_indices = @transform_32, window_bounds = array<i64: 16, 32>}, {pipeline_mode = #tpu.pipeline_mode<synchronous>, transform_indices = @transform_33, window_bounds = array<i64: 1, 32>}, {pipeline_mode = #tpu.pipeline_mode<synchronous>, transform_indices = @transform_34, window_bounds = array<i64: 16, 32>}, {pipeline_mode = #tpu.pipeline_mode<synchronous>, transform_indices = @transform_35, window_bounds = array<i64: 1, 32>}, {pipeline_mode = #tpu.pipeline_mode<synchronous>, transform_indices = @transform_36, window_bounds = array<i64: 32, 32>}, {pipeline_mode = #tpu.pipeline_mode<synchronous>, transform_indices = @transform_37, window_bounds = array<i64: 1, 32>}, {pipeline_mode = #tpu.pipeline_mode<synchronous>, transform_indices = @transform_38, window_bounds = array<i64: 32, 32>}, {pipeline_mode = #tpu.pipeline_mode<synchronous>, transform_indices = @transform_39, window_bounds = array<i64: 1, 32>}, {pipeline_mode = #tpu.pipeline_mode<synchronous>, transform_indices = @transform_40, window_bounds = array<i64: 32, 32>}, {pipeline_mode = #tpu.pipeline_mode<synchronous>, transform_indices = @transform_41, window_bounds = array<i64: 1, 32>}, {pipeline_mode = #tpu.pipeline_mode<synchronous>, transform_indices = @transform_42, window_bounds = array<i64: 16, 32>}, {pipeline_mode = #tpu.pipeline_mode<synchronous>, transform_indices = @transform_43, window_bounds = array<i64: 1, 32>}, {pipeline_mode = #tpu.pipeline_mode<synchronous>, transform_indices = @transform_44, window_bounds = array<i64: 32, 32>}, {pipeline_mode = #tpu.pipeline_mode<synchronous>, transform_indices = @transform_45, window_bounds = array<i64: 1, 32>}, {pipeline_mode = #tpu.pipeline_mode<synchronous>, transform_indices = @transform_46, window_bounds = array<i64: 96, 32>}, {pipeline_mode = #tpu.pipeline_mode<synchronous>, transform_indices = @transform_47, window_bounds = array<i64: 1, 32>}, {pipeline_mode = #tpu.pipeline_mode<synchronous>, transform_indices = @transform_48, window_bounds = array<i64: 32, 32>}, {pipeline_mode = #tpu.pipeline_mode<synchronous>, transform_indices = @transform_49, window_bounds = array<i64: 1, 32>}, {pipeline_mode = #tpu.pipeline_mode<synchronous>, transform_indices = @transform_50, window_bounds = array<i64: 32, 32>}, {pipeline_mode = #tpu.pipeline_mode<synchronous>, transform_indices = @transform_51, window_bounds = array<i64: 1, 32>}, {pipeline_mode = #tpu.pipeline_mode<synchronous>, transform_indices = @transform_52, window_bounds = array<i64: 32, 32>}, {pipeline_mode = #tpu.pipeline_mode<synchronous>, transform_indices = @transform_53, window_bounds = array<i64: 1, 32>}, {pipeline_mode = #tpu.pipeline_mode<synchronous>, transform_indices = @transform_54, window_bounds = array<i64: 32, 32>}, {pipeline_mode = #tpu.pipeline_mode<synchronous>, transform_indices = @transform_55, window_bounds = array<i64: 1, 32>}, {pipeline_mode = #tpu.pipeline_mode<synchronous>, transform_indices = @transform_56, window_bounds = array<i64: 32, 32>}, {pipeline_mode = #tpu.pipeline_mode<synchronous>, transform_indices = @transform_57, window_bounds = array<i64: 1, 32>}, {pipeline_mode = #tpu.pipeline_mode<synchronous>, transform_indices = @transform_58, window_bounds = array<i64: 16, 32>}, {pipeline_mode = #tpu.pipeline_mode<synchronous>, transform_indices = @transform_59, window_bounds = array<i64: 1, 32>}, {pipeline_mode = #tpu.pipeline_mode<synchronous>, transform_indices = @transform_60, window_bounds = array<i64: 32, 32>}, {pipeline_mode = #tpu.pipeline_mode<synchronous>, transform_indices = @transform_61, window_bounds = array<i64: 1, 32>}, {pipeline_mode = #tpu.pipeline_mode<synchronous>, transform_indices = @transform_62, window_bounds = array<i64: 32, 32>}, {pipeline_mode = #tpu.pipeline_mode<synchronous>, transform_indices = @transform_63, window_bounds = array<i64: 1, 32>}, {transform_indices = @transform_64, window_bounds = array<i64: 512, 480>}, {pipeline_mode = #tpu.pipeline_mode<synchronous>, transform_indices = @transform_65, window_bounds = array<i64: 2, 480>}]} {
    %get3A = arith.constant 0 : index
    %get3A_0 = arith.constant 0 : index
    %get3A_1 = vector.load %arg1[%get3A, %get3A_0] : memref<512x32xf32, #tpu.memory_space<vmem>>, vector<512x32xf32>
    %get3A_2 = arith.constant 0 : index
    %get3A_3 = arith.constant 0 : index
    %get3A_4 = vector.load %arg29[%get3A_2, %get3A_3] : memref<32x32xf32, #tpu.memory_space<vmem>>, vector<32x32xf32>
    %convert_element_type3A = arith.truncf %get3A_4 : vector<32x32xf32> to vector<32x32xbf16>
    %convert_element_type3A_5 = arith.extf %convert_element_type3A : vector<32x32xbf16> to vector<32x32xf32>
    %sub3A = arith.subf %get3A_4, %convert_element_type3A_5 : vector<32x32xf32>
    %convert_element_type3A_6 = arith.truncf %sub3A : vector<32x32xf32> to vector<32x32xbf16>
    %convert_element_type3A_7 = arith.truncf %get3A_1 : vector<512x32xf32> to vector<512x32xbf16>
    %dot_general3A = arith.constant dense<0.000000e+00> : vector<512x32xf32>
    %dot_general3A_8 = tpu.matmul %convert_element_type3A_7, %convert_element_type3A, %dot_general3A {dimension_numbers = #tpu.dot_dimension_numbers<[1], [0], [0], [1], [0, 0, 1, 1], [], []>, transpose_lhs_hint = false} : vector<512x32xbf16>, vector<32x32xbf16>, vector<512x32xf32> -> vector<512x32xf32>
    %dot_general3A_9 = arith.constant dense<0.000000e+00> : vector<512x32xf32>
    %dot_general3A_10 = tpu.matmul %convert_element_type3A_7, %convert_element_type3A_6, %dot_general3A_9 {dimension_numbers = #tpu.dot_dimension_numbers<[1], [0], [0], [1], [0, 0, 1, 1], [], []>, transpose_lhs_hint = false} : vector<512x32xbf16>, vector<32x32xbf16>, vector<512x32xf32> -> vector<512x32xf32>
    %add3A = arith.addf %dot_general3A_8, %dot_general3A_10 : vector<512x32xf32>
    %convert_element_type3A_11 = arith.extf %convert_element_type3A_7 : vector<512x32xbf16> to vector<512x32xf32>
    %sub3A_12 = arith.subf %get3A_1, %convert_element_type3A_11 : vector<512x32xf32>
    %convert_element_type3A_13 = arith.truncf %sub3A_12 : vector<512x32xf32> to vector<512x32xbf16>
    %dot_general3A_14 = arith.constant dense<0.000000e+00> : vector<512x32xf32>
    %dot_general3A_15 = tpu.matmul %convert_element_type3A_13, %convert_element_type3A, %dot_general3A_14 {dimension_numbers = #tpu.dot_dimension_numbers<[1], [0], [0], [1], [0, 0, 1, 1], [], []>, transpose_lhs_hint = false} : vector<512x32xbf16>, vector<32x32xbf16>, vector<512x32xf32> -> vector<512x32xf32>
    %add3A_16 = arith.addf %add3A, %dot_general3A_15 : vector<512x32xf32>
    %get3A_17 = arith.constant 0 : index
    %get3A_18 = arith.constant 0 : index
    %get3A_19 = vector.load %arg30[%get3A_17, %get3A_18] : memref<1x32xf32, #tpu.memory_space<vmem>>, vector<1x32xf32>
    %add3A_20 = vector.broadcast %get3A_19 : vector<1x32xf32> to vector<512x32xf32>
    %add3A_21 = arith.addf %add3A_16, %add3A_20 : vector<512x32xf32>
    %max3A = arith.constant 0.000000e+00 : f32
    %max3A_22 = vector.broadcast %max3A : f32 to vector<512x32xf32>
    %max3A_23 = arith.maximumf %add3A_21, %max3A_22 : vector<512x32xf32>
    %get3A_24 = arith.constant 0 : index
    %get3A_25 = arith.constant 0 : index
    %get3A_26 = vector.load %arg18[%get3A_24, %get3A_25] : memref<3x16xf32, #tpu.memory_space<vmem>>, vector<3x16xf32>
    %get3A_27 = arith.constant 0 : index
    %get3A_28 = arith.constant 0 : index
    %get3A_29 = vector.load %arg31[%get3A_27, %get3A_28] : memref<16x32xf32, #tpu.memory_space<vmem>>, vector<16x32xf32>
    %convert_element_type3A_30 = arith.truncf %get3A_29 : vector<16x32xf32> to vector<16x32xbf16>
    %convert_element_type3A_31 = arith.extf %convert_element_type3A_30 : vector<16x32xbf16> to vector<16x32xf32>
    %sub3A_32 = arith.subf %get3A_29, %convert_element_type3A_31 : vector<16x32xf32>
    %convert_element_type3A_33 = arith.truncf %sub3A_32 : vector<16x32xf32> to vector<16x32xbf16>
    %convert_element_type3A_34 = arith.truncf %get3A_26 : vector<3x16xf32> to vector<3x16xbf16>
    %dot_general3A_35 = arith.constant dense<0.000000e+00> : vector<3x32xf32>
    %dot_general3A_36 = tpu.matmul %convert_element_type3A_34, %convert_element_type3A_30, %dot_general3A_35 {dimension_numbers = #tpu.dot_dimension_numbers<[1], [0], [0], [1], [0, 0, 1, 1], [], []>, transpose_lhs_hint = false} : vector<3x16xbf16>, vector<16x32xbf16>, vector<3x32xf32> -> vector<3x32xf32>
    %dot_general3A_37 = arith.constant dense<0.000000e+00> : vector<3x32xf32>
    %dot_general3A_38 = tpu.matmul %convert_element_type3A_34, %convert_element_type3A_33, %dot_general3A_37 {dimension_numbers = #tpu.dot_dimension_numbers<[1], [0], [0], [1], [0, 0, 1, 1], [], []>, transpose_lhs_hint = false} : vector<3x16xbf16>, vector<16x32xbf16>, vector<3x32xf32> -> vector<3x32xf32>
    %add3A_39 = arith.addf %dot_general3A_36, %dot_general3A_38 : vector<3x32xf32>
    %convert_element_type3A_40 = arith.extf %convert_element_type3A_34 : vector<3x16xbf16> to vector<3x16xf32>
    %sub3A_41 = arith.subf %get3A_26, %convert_element_type3A_40 : vector<3x16xf32>
    %convert_element_type3A_42 = arith.truncf %sub3A_41 : vector<3x16xf32> to vector<3x16xbf16>
    %dot_general3A_43 = arith.constant dense<0.000000e+00> : vector<3x32xf32>
    %dot_general3A_44 = tpu.matmul %convert_element_type3A_42, %convert_element_type3A_30, %dot_general3A_43 {dimension_numbers = #tpu.dot_dimension_numbers<[1], [0], [0], [1], [0, 0, 1, 1], [], []>, transpose_lhs_hint = false} : vector<3x16xbf16>, vector<16x32xbf16>, vector<3x32xf32> -> vector<3x32xf32>
    %add3A_45 = arith.addf %add3A_39, %dot_general3A_44 : vector<3x32xf32>
    %get3A_46 = arith.constant 0 : index
    %get3A_47 = arith.constant 0 : index
    %get3A_48 = vector.load %arg32[%get3A_46, %get3A_47] : memref<1x32xf32, #tpu.memory_space<vmem>>, vector<1x32xf32>
    %add3A_49 = vector.broadcast %get3A_48 : vector<1x32xf32> to vector<3x32xf32>
    %add3A_50 = arith.addf %add3A_45, %add3A_49 : vector<3x32xf32>
    %max3A_51 = arith.constant 0.000000e+00 : f32
    %max3A_52 = vector.broadcast %max3A_51 : f32 to vector<3x32xf32>
    %max3A_53 = arith.maximumf %add3A_50, %max3A_52 : vector<3x32xf32>
    %iota3A = tpu.iota {dimensions = array<i32: 1>} : vector<512x3xi32>
    %get3A_54 = arith.constant 0 : index
    %get3A_55 = arith.constant 0 : index
    %get3A_56 = vector.load %arg7[%get3A_54, %get3A_55] : memref<512x1xi32, #tpu.memory_space<vmem>>, vector<512x1xi32>
    %eq3A = vector.broadcast %get3A_56 : vector<512x1xi32> to vector<512x3xi32>
    %eq3A_57 = arith.cmpi eq, %iota3A, %eq3A : vector<512x3xi32>
    %convert_element_type3A_58 = arith.extui %eq3A_57 : vector<512x3xi1> to vector<512x3xi32>
    %convert_element_type3A_59 = arith.sitofp %convert_element_type3A_58 : vector<512x3xi32> to vector<512x3xf32>
    %convert_element_type3A_60 = arith.truncf %max3A_53 : vector<3x32xf32> to vector<3x32xbf16>
    %convert_element_type3A_61 = arith.extf %convert_element_type3A_60 : vector<3x32xbf16> to vector<3x32xf32>
    %sub3A_62 = arith.subf %max3A_53, %convert_element_type3A_61 : vector<3x32xf32>
    %convert_element_type3A_63 = arith.truncf %sub3A_62 : vector<3x32xf32> to vector<3x32xbf16>
    %convert_element_type3A_64 = arith.truncf %convert_element_type3A_59 : vector<512x3xf32> to vector<512x3xbf16>
    %dot_general3A_65 = arith.constant dense<0.000000e+00> : vector<512x32xf32>
    %dot_general3A_66 = tpu.matmul %convert_element_type3A_64, %convert_element_type3A_60, %dot_general3A_65 {dimension_numbers = #tpu.dot_dimension_numbers<[1], [0], [0], [1], [0, 0, 1, 1], [], []>, transpose_lhs_hint = false} : vector<512x3xbf16>, vector<3x32xbf16>, vector<512x32xf32> -> vector<512x32xf32>
    %dot_general3A_67 = arith.constant dense<0.000000e+00> : vector<512x32xf32>
    %dot_general3A_68 = tpu.matmul %convert_element_type3A_64, %convert_element_type3A_63, %dot_general3A_67 {dimension_numbers = #tpu.dot_dimension_numbers<[1], [0], [0], [1], [0, 0, 1, 1], [], []>, transpose_lhs_hint = false} : vector<512x3xbf16>, vector<3x32xbf16>, vector<512x32xf32> -> vector<512x32xf32>
    %add3A_69 = arith.addf %dot_general3A_66, %dot_general3A_68 : vector<512x32xf32>
    %get3A_70 = arith.constant 0 : index
    %get3A_71 = arith.constant 0 : index
    %get3A_72 = vector.load %arg19[%get3A_70, %get3A_71] : memref<10x16xf32, #tpu.memory_space<vmem>>, vector<10x16xf32>
    %get3A_73 = arith.constant 0 : index
    %get3A_74 = arith.constant 0 : index
    %get3A_75 = vector.load %arg33[%get3A_73, %get3A_74] : memref<16x32xf32, #tpu.memory_space<vmem>>, vector<16x32xf32>
    %convert_element_type3A_76 = arith.truncf %get3A_75 : vector<16x32xf32> to vector<16x32xbf16>
    %convert_element_type3A_77 = arith.extf %convert_element_type3A_76 : vector<16x32xbf16> to vector<16x32xf32>
    %sub3A_78 = arith.subf %get3A_75, %convert_element_type3A_77 : vector<16x32xf32>
    %convert_element_type3A_79 = arith.truncf %sub3A_78 : vector<16x32xf32> to vector<16x32xbf16>
    %convert_element_type3A_80 = arith.truncf %get3A_72 : vector<10x16xf32> to vector<10x16xbf16>
    %dot_general3A_81 = arith.constant dense<0.000000e+00> : vector<10x32xf32>
    %dot_general3A_82 = tpu.matmul %convert_element_type3A_80, %convert_element_type3A_76, %dot_general3A_81 {dimension_numbers = #tpu.dot_dimension_numbers<[1], [0], [0], [1], [0, 0, 1, 1], [], []>, transpose_lhs_hint = false} : vector<10x16xbf16>, vector<16x32xbf16>, vector<10x32xf32> -> vector<10x32xf32>
    %dot_general3A_83 = arith.constant dense<0.000000e+00> : vector<10x32xf32>
    %dot_general3A_84 = tpu.matmul %convert_element_type3A_80, %convert_element_type3A_79, %dot_general3A_83 {dimension_numbers = #tpu.dot_dimension_numbers<[1], [0], [0], [1], [0, 0, 1, 1], [], []>, transpose_lhs_hint = false} : vector<10x16xbf16>, vector<16x32xbf16>, vector<10x32xf32> -> vector<10x32xf32>
    %add3A_85 = arith.addf %dot_general3A_82, %dot_general3A_84 : vector<10x32xf32>
    %convert_element_type3A_86 = arith.extf %convert_element_type3A_80 : vector<10x16xbf16> to vector<10x16xf32>
    %sub3A_87 = arith.subf %get3A_72, %convert_element_type3A_86 : vector<10x16xf32>
    %convert_element_type3A_88 = arith.truncf %sub3A_87 : vector<10x16xf32> to vector<10x16xbf16>
    %dot_general3A_89 = arith.constant dense<0.000000e+00> : vector<10x32xf32>
    %dot_general3A_90 = tpu.matmul %convert_element_type3A_88, %convert_element_type3A_76, %dot_general3A_89 {dimension_numbers = #tpu.dot_dimension_numbers<[1], [0], [0], [1], [0, 0, 1, 1], [], []>, transpose_lhs_hint = false} : vector<10x16xbf16>, vector<16x32xbf16>, vector<10x32xf32> -> vector<10x32xf32>
    %add3A_91 = arith.addf %add3A_85, %dot_general3A_90 : vector<10x32xf32>
    %get3A_92 = arith.constant 0 : index
    %get3A_93 = arith.constant 0 : index
    %get3A_94 = vector.load %arg34[%get3A_92, %get3A_93] : memref<1x32xf32, #tpu.memory_space<vmem>>, vector<1x32xf32>
    %add3A_95 = vector.broadcast %get3A_94 : vector<1x32xf32> to vector<10x32xf32>
    %add3A_96 = arith.addf %add3A_91, %add3A_95 : vector<10x32xf32>
    %max3A_97 = arith.constant 0.000000e+00 : f32
    %max3A_98 = vector.broadcast %max3A_97 : f32 to vector<10x32xf32>
    %max3A_99 = arith.maximumf %add3A_96, %max3A_98 : vector<10x32xf32>
    %iota3A_100 = tpu.iota {dimensions = array<i32: 1>} : vector<512x10xi32>
    %get3A_101 = arith.constant 0 : index
    %get3A_102 = arith.constant 0 : index
    %get3A_103 = vector.load %arg8[%get3A_101, %get3A_102] : memref<512x1xi32, #tpu.memory_space<vmem>>, vector<512x1xi32>
    %eq3A_104 = vector.broadcast %get3A_103 : vector<512x1xi32> to vector<512x10xi32>
    %eq3A_105 = arith.cmpi eq, %iota3A_100, %eq3A_104 : vector<512x10xi32>
    %convert_element_type3A_106 = arith.extui %eq3A_105 : vector<512x10xi1> to vector<512x10xi32>
    %convert_element_type3A_107 = arith.sitofp %convert_element_type3A_106 : vector<512x10xi32> to vector<512x10xf32>
    %convert_element_type3A_108 = arith.truncf %max3A_99 : vector<10x32xf32> to vector<10x32xbf16>
    %convert_element_type3A_109 = arith.extf %convert_element_type3A_108 : vector<10x32xbf16> to vector<10x32xf32>
    %sub3A_110 = arith.subf %max3A_99, %convert_element_type3A_109 : vector<10x32xf32>
    %convert_element_type3A_111 = arith.truncf %sub3A_110 : vector<10x32xf32> to vector<10x32xbf16>
    %convert_element_type3A_112 = arith.truncf %convert_element_type3A_107 : vector<512x10xf32> to vector<512x10xbf16>
    %dot_general3A_113 = arith.constant dense<0.000000e+00> : vector<512x32xf32>
    %dot_general3A_114 = tpu.matmul %convert_element_type3A_112, %convert_element_type3A_108, %dot_general3A_113 {dimension_numbers = #tpu.dot_dimension_numbers<[1], [0], [0], [1], [0, 0, 1, 1], [], []>, transpose_lhs_hint = false} : vector<512x10xbf16>, vector<10x32xbf16>, vector<512x32xf32> -> vector<512x32xf32>
    %dot_general3A_115 = arith.constant dense<0.000000e+00> : vector<512x32xf32>
    %dot_general3A_116 = tpu.matmul %convert_element_type3A_112, %convert_element_type3A_111, %dot_general3A_115 {dimension_numbers = #tpu.dot_dimension_numbers<[1], [0], [0], [1], [0, 0, 1, 1], [], []>, transpose_lhs_hint = false} : vector<512x10xbf16>, vector<10x32xbf16>, vector<512x32xf32> -> vector<512x32xf32>
    %add3A_117 = arith.addf %dot_general3A_114, %dot_general3A_116 : vector<512x32xf32>
    %get3A_118 = arith.constant 0 : index
    %get3A_119 = arith.constant 0 : index
    %get3A_120 = vector.load %arg20[%get3A_118, %get3A_119] : memref<12x16xf32, #tpu.memory_space<vmem>>, vector<12x16xf32>
    %get3A_121 = arith.constant 0 : index
    %get3A_122 = arith.constant 0 : index
    %get3A_123 = vector.load %arg35[%get3A_121, %get3A_122] : memref<16x32xf32, #tpu.memory_space<vmem>>, vector<16x32xf32>
    %convert_element_type3A_124 = arith.truncf %get3A_123 : vector<16x32xf32> to vector<16x32xbf16>
    %convert_element_type3A_125 = arith.extf %convert_element_type3A_124 : vector<16x32xbf16> to vector<16x32xf32>
    %sub3A_126 = arith.subf %get3A_123, %convert_element_type3A_125 : vector<16x32xf32>
    %convert_element_type3A_127 = arith.truncf %sub3A_126 : vector<16x32xf32> to vector<16x32xbf16>
    %convert_element_type3A_128 = arith.truncf %get3A_120 : vector<12x16xf32> to vector<12x16xbf16>
    %dot_general3A_129 = arith.constant dense<0.000000e+00> : vector<12x32xf32>
    %dot_general3A_130 = tpu.matmul %convert_element_type3A_128, %convert_element_type3A_124, %dot_general3A_129 {dimension_numbers = #tpu.dot_dimension_numbers<[1], [0], [0], [1], [0, 0, 1, 1], [], []>, transpose_lhs_hint = false} : vector<12x16xbf16>, vector<16x32xbf16>, vector<12x32xf32> -> vector<12x32xf32>
    %dot_general3A_131 = arith.constant dense<0.000000e+00> : vector<12x32xf32>
    %dot_general3A_132 = tpu.matmul %convert_element_type3A_128, %convert_element_type3A_127, %dot_general3A_131 {dimension_numbers = #tpu.dot_dimension_numbers<[1], [0], [0], [1], [0, 0, 1, 1], [], []>, transpose_lhs_hint = false} : vector<12x16xbf16>, vector<16x32xbf16>, vector<12x32xf32> -> vector<12x32xf32>
    %add3A_133 = arith.addf %dot_general3A_130, %dot_general3A_132 : vector<12x32xf32>
    %convert_element_type3A_134 = arith.extf %convert_element_type3A_128 : vector<12x16xbf16> to vector<12x16xf32>
    %sub3A_135 = arith.subf %get3A_120, %convert_element_type3A_134 : vector<12x16xf32>
    %convert_element_type3A_136 = arith.truncf %sub3A_135 : vector<12x16xf32> to vector<12x16xbf16>
    %dot_general3A_137 = arith.constant dense<0.000000e+00> : vector<12x32xf32>
    %dot_general3A_138 = tpu.matmul %convert_element_type3A_136, %convert_element_type3A_124, %dot_general3A_137 {dimension_numbers = #tpu.dot_dimension_numbers<[1], [0], [0], [1], [0, 0, 1, 1], [], []>, transpose_lhs_hint = false} : vector<12x16xbf16>, vector<16x32xbf16>, vector<12x32xf32> -> vector<12x32xf32>
    %add3A_139 = arith.addf %add3A_133, %dot_general3A_138 : vector<12x32xf32>
    %get3A_140 = arith.constant 0 : index
    %get3A_141 = arith.constant 0 : index
    %get3A_142 = vector.load %arg36[%get3A_140, %get3A_141] : memref<1x32xf32, #tpu.memory_space<vmem>>, vector<1x32xf32>
    %add3A_143 = vector.broadcast %get3A_142 : vector<1x32xf32> to vector<12x32xf32>
    %add3A_144 = arith.addf %add3A_139, %add3A_143 : vector<12x32xf32>
    %max3A_145 = arith.constant 0.000000e+00 : f32
    %max3A_146 = vector.broadcast %max3A_145 : f32 to vector<12x32xf32>
    %max3A_147 = arith.maximumf %add3A_144, %max3A_146 : vector<12x32xf32>
    %iota3A_148 = tpu.iota {dimensions = array<i32: 1>} : vector<512x12xi32>
    %get3A_149 = arith.constant 0 : index
    %get3A_150 = arith.constant 0 : index
    %get3A_151 = vector.load %arg9[%get3A_149, %get3A_150] : memref<512x1xi32, #tpu.memory_space<vmem>>, vector<512x1xi32>
    %eq3A_152 = vector.broadcast %get3A_151 : vector<512x1xi32> to vector<512x12xi32>
    %eq3A_153 = arith.cmpi eq, %iota3A_148, %eq3A_152 : vector<512x12xi32>
    %convert_element_type3A_154 = arith.extui %eq3A_153 : vector<512x12xi1> to vector<512x12xi32>
    %convert_element_type3A_155 = arith.sitofp %convert_element_type3A_154 : vector<512x12xi32> to vector<512x12xf32>
    %convert_element_type3A_156 = arith.truncf %max3A_147 : vector<12x32xf32> to vector<12x32xbf16>
    %convert_element_type3A_157 = arith.extf %convert_element_type3A_156 : vector<12x32xbf16> to vector<12x32xf32>
    %sub3A_158 = arith.subf %max3A_147, %convert_element_type3A_157 : vector<12x32xf32>
    %convert_element_type3A_159 = arith.truncf %sub3A_158 : vector<12x32xf32> to vector<12x32xbf16>
    %convert_element_type3A_160 = arith.truncf %convert_element_type3A_155 : vector<512x12xf32> to vector<512x12xbf16>
    %dot_general3A_161 = arith.constant dense<0.000000e+00> : vector<512x32xf32>
    %dot_general3A_162 = tpu.matmul %convert_element_type3A_160, %convert_element_type3A_156, %dot_general3A_161 {dimension_numbers = #tpu.dot_dimension_numbers<[1], [0], [0], [1], [0, 0, 1, 1], [], []>, transpose_lhs_hint = false} : vector<512x12xbf16>, vector<12x32xbf16>, vector<512x32xf32> -> vector<512x32xf32>
    %dot_general3A_163 = arith.constant dense<0.000000e+00> : vector<512x32xf32>
    %dot_general3A_164 = tpu.matmul %convert_element_type3A_160, %convert_element_type3A_159, %dot_general3A_163 {dimension_numbers = #tpu.dot_dimension_numbers<[1], [0], [0], [1], [0, 0, 1, 1], [], []>, transpose_lhs_hint = false} : vector<512x12xbf16>, vector<12x32xbf16>, vector<512x32xf32> -> vector<512x32xf32>
    %add3A_165 = arith.addf %dot_general3A_162, %dot_general3A_164 : vector<512x32xf32>
    %get3A_166 = arith.constant 0 : index
    %get3A_167 = arith.constant 0 : index
    %get3A_168 = vector.load %arg21[%get3A_166, %get3A_167] : memref<100x32xf32, #tpu.memory_space<vmem>>, vector<100x32xf32>
    %get3A_169 = arith.constant 0 : index
    %get3A_170 = arith.constant 0 : index
    %get3A_171 = vector.load %arg37[%get3A_169, %get3A_170] : memref<32x32xf32, #tpu.memory_space<vmem>>, vector<32x32xf32>
    %convert_element_type3A_172 = arith.truncf %get3A_171 : vector<32x32xf32> to vector<32x32xbf16>
    %convert_element_type3A_173 = arith.extf %convert_element_type3A_172 : vector<32x32xbf16> to vector<32x32xf32>
    %sub3A_174 = arith.subf %get3A_171, %convert_element_type3A_173 : vector<32x32xf32>
    %convert_element_type3A_175 = arith.truncf %sub3A_174 : vector<32x32xf32> to vector<32x32xbf16>
    %convert_element_type3A_176 = arith.truncf %get3A_168 : vector<100x32xf32> to vector<100x32xbf16>
    %dot_general3A_177 = arith.constant dense<0.000000e+00> : vector<100x32xf32>
    %dot_general3A_178 = tpu.matmul %convert_element_type3A_176, %convert_element_type3A_172, %dot_general3A_177 {dimension_numbers = #tpu.dot_dimension_numbers<[1], [0], [0], [1], [0, 0, 1, 1], [], []>, transpose_lhs_hint = false} : vector<100x32xbf16>, vector<32x32xbf16>, vector<100x32xf32> -> vector<100x32xf32>
    %dot_general3A_179 = arith.constant dense<0.000000e+00> : vector<100x32xf32>
    %dot_general3A_180 = tpu.matmul %convert_element_type3A_176, %convert_element_type3A_175, %dot_general3A_179 {dimension_numbers = #tpu.dot_dimension_numbers<[1], [0], [0], [1], [0, 0, 1, 1], [], []>, transpose_lhs_hint = false} : vector<100x32xbf16>, vector<32x32xbf16>, vector<100x32xf32> -> vector<100x32xf32>
    %add3A_181 = arith.addf %dot_general3A_178, %dot_general3A_180 : vector<100x32xf32>
    %convert_element_type3A_182 = arith.extf %convert_element_type3A_176 : vector<100x32xbf16> to vector<100x32xf32>
    %sub3A_183 = arith.subf %get3A_168, %convert_element_type3A_182 : vector<100x32xf32>
    %convert_element_type3A_184 = arith.truncf %sub3A_183 : vector<100x32xf32> to vector<100x32xbf16>
    %dot_general3A_185 = arith.constant dense<0.000000e+00> : vector<100x32xf32>
    %dot_general3A_186 = tpu.matmul %convert_element_type3A_184, %convert_element_type3A_172, %dot_general3A_185 {dimension_numbers = #tpu.dot_dimension_numbers<[1], [0], [0], [1], [0, 0, 1, 1], [], []>, transpose_lhs_hint = false} : vector<100x32xbf16>, vector<32x32xbf16>, vector<100x32xf32> -> vector<100x32xf32>
    %add3A_187 = arith.addf %add3A_181, %dot_general3A_186 : vector<100x32xf32>
    %get3A_188 = arith.constant 0 : index
    %get3A_189 = arith.constant 0 : index
    %get3A_190 = vector.load %arg38[%get3A_188, %get3A_189] : memref<1x32xf32, #tpu.memory_space<vmem>>, vector<1x32xf32>
    %add3A_191 = vector.broadcast %get3A_190 : vector<1x32xf32> to vector<100x32xf32>
    %add3A_192 = arith.addf %add3A_187, %add3A_191 : vector<100x32xf32>
    %max3A_193 = arith.constant 0.000000e+00 : f32
    %max3A_194 = vector.broadcast %max3A_193 : f32 to vector<100x32xf32>
    %max3A_195 = arith.maximumf %add3A_192, %max3A_194 : vector<100x32xf32>
    %iota3A_196 = tpu.iota {dimensions = array<i32: 1>} : vector<512x100xi32>
    %get3A_197 = arith.constant 0 : index
    %get3A_198 = arith.constant 0 : index
    %get3A_199 = vector.load %arg10[%get3A_197, %get3A_198] : memref<512x1xi32, #tpu.memory_space<vmem>>, vector<512x1xi32>
    %eq3A_200 = vector.broadcast %get3A_199 : vector<512x1xi32> to vector<512x100xi32>
    %eq3A_201 = arith.cmpi eq, %iota3A_196, %eq3A_200 : vector<512x100xi32>
    %convert_element_type3A_202 = arith.extui %eq3A_201 : vector<512x100xi1> to vector<512x100xi32>
    %convert_element_type3A_203 = arith.sitofp %convert_element_type3A_202 : vector<512x100xi32> to vector<512x100xf32>
    %convert_element_type3A_204 = arith.truncf %max3A_195 : vector<100x32xf32> to vector<100x32xbf16>
    %convert_element_type3A_205 = arith.extf %convert_element_type3A_204 : vector<100x32xbf16> to vector<100x32xf32>
    %sub3A_206 = arith.subf %max3A_195, %convert_element_type3A_205 : vector<100x32xf32>
    %convert_element_type3A_207 = arith.truncf %sub3A_206 : vector<100x32xf32> to vector<100x32xbf16>
    %convert_element_type3A_208 = arith.truncf %convert_element_type3A_203 : vector<512x100xf32> to vector<512x100xbf16>
    %dot_general3A_209 = arith.constant dense<0.000000e+00> : vector<512x32xf32>
    %dot_general3A_210 = tpu.matmul %convert_element_type3A_208, %convert_element_type3A_204, %dot_general3A_209 {dimension_numbers = #tpu.dot_dimension_numbers<[1], [0], [0], [1], [0, 0, 1, 1], [], []>, transpose_lhs_hint = false} : vector<512x100xbf16>, vector<100x32xbf16>, vector<512x32xf32> -> vector<512x32xf32>
    %dot_general3A_211 = arith.constant dense<0.000000e+00> : vector<512x32xf32>
    %dot_general3A_212 = tpu.matmul %convert_element_type3A_208, %convert_element_type3A_207, %dot_general3A_211 {dimension_numbers = #tpu.dot_dimension_numbers<[1], [0], [0], [1], [0, 0, 1, 1], [], []>, transpose_lhs_hint = false} : vector<512x100xbf16>, vector<100x32xbf16>, vector<512x32xf32> -> vector<512x32xf32>
    %add3A_213 = arith.addf %dot_general3A_210, %dot_general3A_212 : vector<512x32xf32>
    %get3A_214 = arith.constant 0 : index
    %get3A_215 = arith.constant 0 : index
    %get3A_216 = vector.load %arg22[%get3A_214, %get3A_215] : memref<1000x32xf32, #tpu.memory_space<vmem>>, vector<1000x32xf32>
    %get3A_217 = arith.constant 0 : index
    %get3A_218 = arith.constant 0 : index
    %get3A_219 = vector.load %arg39[%get3A_217, %get3A_218] : memref<32x32xf32, #tpu.memory_space<vmem>>, vector<32x32xf32>
    %convert_element_type3A_220 = arith.truncf %get3A_219 : vector<32x32xf32> to vector<32x32xbf16>
    %convert_element_type3A_221 = arith.extf %convert_element_type3A_220 : vector<32x32xbf16> to vector<32x32xf32>
    %sub3A_222 = arith.subf %get3A_219, %convert_element_type3A_221 : vector<32x32xf32>
    %convert_element_type3A_223 = arith.truncf %sub3A_222 : vector<32x32xf32> to vector<32x32xbf16>
    %convert_element_type3A_224 = arith.truncf %get3A_216 : vector<1000x32xf32> to vector<1000x32xbf16>
    %dot_general3A_225 = arith.constant dense<0.000000e+00> : vector<1000x32xf32>
    %dot_general3A_226 = tpu.matmul %convert_element_type3A_224, %convert_element_type3A_220, %dot_general3A_225 {dimension_numbers = #tpu.dot_dimension_numbers<[1], [0], [0], [1], [0, 0, 1, 1], [], []>, transpose_lhs_hint = false} : vector<1000x32xbf16>, vector<32x32xbf16>, vector<1000x32xf32> -> vector<1000x32xf32>
    %dot_general3A_227 = arith.constant dense<0.000000e+00> : vector<1000x32xf32>
    %dot_general3A_228 = tpu.matmul %convert_element_type3A_224, %convert_element_type3A_223, %dot_general3A_227 {dimension_numbers = #tpu.dot_dimension_numbers<[1], [0], [0], [1], [0, 0, 1, 1], [], []>, transpose_lhs_hint = false} : vector<1000x32xbf16>, vector<32x32xbf16>, vector<1000x32xf32> -> vector<1000x32xf32>
    %add3A_229 = arith.addf %dot_general3A_226, %dot_general3A_228 : vector<1000x32xf32>
    %convert_element_type3A_230 = arith.extf %convert_element_type3A_224 : vector<1000x32xbf16> to vector<1000x32xf32>
    %sub3A_231 = arith.subf %get3A_216, %convert_element_type3A_230 : vector<1000x32xf32>
    %convert_element_type3A_232 = arith.truncf %sub3A_231 : vector<1000x32xf32> to vector<1000x32xbf16>
    %dot_general3A_233 = arith.constant dense<0.000000e+00> : vector<1000x32xf32>
    %dot_general3A_234 = tpu.matmul %convert_element_type3A_232, %convert_element_type3A_220, %dot_general3A_233 {dimension_numbers = #tpu.dot_dimension_numbers<[1], [0], [0], [1], [0, 0, 1, 1], [], []>, transpose_lhs_hint = false} : vector<1000x32xbf16>, vector<32x32xbf16>, vector<1000x32xf32> -> vector<1000x32xf32>
    %add3A_235 = arith.addf %add3A_229, %dot_general3A_234 : vector<1000x32xf32>
    %get3A_236 = arith.constant 0 : index
    %get3A_237 = arith.constant 0 : index
    %get3A_238 = vector.load %arg40[%get3A_236, %get3A_237] : memref<1x32xf32, #tpu.memory_space<vmem>>, vector<1x32xf32>
    %add3A_239 = vector.broadcast %get3A_238 : vector<1x32xf32> to vector<1000x32xf32>
    %add3A_240 = arith.addf %add3A_235, %add3A_239 : vector<1000x32xf32>
    %max3A_241 = arith.constant 0.000000e+00 : f32
    %max3A_242 = vector.broadcast %max3A_241 : f32 to vector<1000x32xf32>
    %max3A_243 = arith.maximumf %add3A_240, %max3A_242 : vector<1000x32xf32>
    %iota3A_244 = tpu.iota {dimensions = array<i32: 1>} : vector<512x1000xi32>
    %get3A_245 = arith.constant 0 : index
    %get3A_246 = arith.constant 0 : index
    %get3A_247 = vector.load %arg11[%get3A_245, %get3A_246] : memref<512x1xi32, #tpu.memory_space<vmem>>, vector<512x1xi32>
    %eq3A_248 = vector.broadcast %get3A_247 : vector<512x1xi32> to vector<512x1000xi32>
    %eq3A_249 = arith.cmpi eq, %iota3A_244, %eq3A_248 : vector<512x1000xi32>
    %convert_element_type3A_250 = arith.extui %eq3A_249 : vector<512x1000xi1> to vector<512x1000xi32>
    %convert_element_type3A_251 = arith.sitofp %convert_element_type3A_250 : vector<512x1000xi32> to vector<512x1000xf32>
    %convert_element_type3A_252 = arith.truncf %max3A_243 : vector<1000x32xf32> to vector<1000x32xbf16>
    %convert_element_type3A_253 = arith.extf %convert_element_type3A_252 : vector<1000x32xbf16> to vector<1000x32xf32>
    %sub3A_254 = arith.subf %max3A_243, %convert_element_type3A_253 : vector<1000x32xf32>
    %convert_element_type3A_255 = arith.truncf %sub3A_254 : vector<1000x32xf32> to vector<1000x32xbf16>
    %convert_element_type3A_256 = arith.truncf %convert_element_type3A_251 : vector<512x1000xf32> to vector<512x1000xbf16>
    %dot_general3A_257 = arith.constant dense<0.000000e+00> : vector<512x32xf32>
    %dot_general3A_258 = tpu.matmul %convert_element_type3A_256, %convert_element_type3A_252, %dot_general3A_257 {dimension_numbers = #tpu.dot_dimension_numbers<[1], [0], [0], [1], [0, 0, 1, 1], [], []>, transpose_lhs_hint = false} : vector<512x1000xbf16>, vector<1000x32xbf16>, vector<512x32xf32> -> vector<512x32xf32>
    %dot_general3A_259 = arith.constant dense<0.000000e+00> : vector<512x32xf32>
    %dot_general3A_260 = tpu.matmul %convert_element_type3A_256, %convert_element_type3A_255, %dot_general3A_259 {dimension_numbers = #tpu.dot_dimension_numbers<[1], [0], [0], [1], [0, 0, 1, 1], [], []>, transpose_lhs_hint = false} : vector<512x1000xbf16>, vector<1000x32xbf16>, vector<512x32xf32> -> vector<512x32xf32>
    %add3A_261 = arith.addf %dot_general3A_258, %dot_general3A_260 : vector<512x32xf32>
    %get3A_262 = arith.constant 0 : index
    %get3A_263 = arith.constant 0 : index
    %get3A_264 = vector.load %arg23[%get3A_262, %get3A_263] : memref<200x32xf32, #tpu.memory_space<vmem>>, vector<200x32xf32>
    %get3A_265 = arith.constant 0 : index
    %get3A_266 = arith.constant 0 : index
    %get3A_267 = vector.load %arg41[%get3A_265, %get3A_266] : memref<32x32xf32, #tpu.memory_space<vmem>>, vector<32x32xf32>
    %convert_element_type3A_268 = arith.truncf %get3A_267 : vector<32x32xf32> to vector<32x32xbf16>
    %convert_element_type3A_269 = arith.extf %convert_element_type3A_268 : vector<32x32xbf16> to vector<32x32xf32>
    %sub3A_270 = arith.subf %get3A_267, %convert_element_type3A_269 : vector<32x32xf32>
    %convert_element_type3A_271 = arith.truncf %sub3A_270 : vector<32x32xf32> to vector<32x32xbf16>
    %convert_element_type3A_272 = arith.truncf %get3A_264 : vector<200x32xf32> to vector<200x32xbf16>
    %dot_general3A_273 = arith.constant dense<0.000000e+00> : vector<200x32xf32>
    %dot_general3A_274 = tpu.matmul %convert_element_type3A_272, %convert_element_type3A_268, %dot_general3A_273 {dimension_numbers = #tpu.dot_dimension_numbers<[1], [0], [0], [1], [0, 0, 1, 1], [], []>, transpose_lhs_hint = false} : vector<200x32xbf16>, vector<32x32xbf16>, vector<200x32xf32> -> vector<200x32xf32>
    %dot_general3A_275 = arith.constant dense<0.000000e+00> : vector<200x32xf32>
    %dot_general3A_276 = tpu.matmul %convert_element_type3A_272, %convert_element_type3A_271, %dot_general3A_275 {dimension_numbers = #tpu.dot_dimension_numbers<[1], [0], [0], [1], [0, 0, 1, 1], [], []>, transpose_lhs_hint = false} : vector<200x32xbf16>, vector<32x32xbf16>, vector<200x32xf32> -> vector<200x32xf32>
    %add3A_277 = arith.addf %dot_general3A_274, %dot_general3A_276 : vector<200x32xf32>
    %convert_element_type3A_278 = arith.extf %convert_element_type3A_272 : vector<200x32xbf16> to vector<200x32xf32>
    %sub3A_279 = arith.subf %get3A_264, %convert_element_type3A_278 : vector<200x32xf32>
    %convert_element_type3A_280 = arith.truncf %sub3A_279 : vector<200x32xf32> to vector<200x32xbf16>
    %dot_general3A_281 = arith.constant dense<0.000000e+00> : vector<200x32xf32>
    %dot_general3A_282 = tpu.matmul %convert_element_type3A_280, %convert_element_type3A_268, %dot_general3A_281 {dimension_numbers = #tpu.dot_dimension_numbers<[1], [0], [0], [1], [0, 0, 1, 1], [], []>, transpose_lhs_hint = false} : vector<200x32xbf16>, vector<32x32xbf16>, vector<200x32xf32> -> vector<200x32xf32>
    %add3A_283 = arith.addf %add3A_277, %dot_general3A_282 : vector<200x32xf32>
    %get3A_284 = arith.constant 0 : index
    %get3A_285 = arith.constant 0 : index
    %get3A_286 = vector.load %arg42[%get3A_284, %get3A_285] : memref<1x32xf32, #tpu.memory_space<vmem>>, vector<1x32xf32>
    %add3A_287 = vector.broadcast %get3A_286 : vector<1x32xf32> to vector<200x32xf32>
    %add3A_288 = arith.addf %add3A_283, %add3A_287 : vector<200x32xf32>
    %iota3A_289 = tpu.iota {dimensions = array<i32: 1>} : vector<512x200xi32>
    %get3A_290 = arith.constant 0 : index
    %get3A_291 = arith.constant 0 : index
    %get3A_292 = vector.load %arg12[%get3A_290, %get3A_291] : memref<512x1xi32, #tpu.memory_space<vmem>>, vector<512x1xi32>
    %eq3A_293 = vector.broadcast %get3A_292 : vector<512x1xi32> to vector<512x200xi32>
    %eq3A_294 = arith.cmpi eq, %iota3A_289, %eq3A_293 : vector<512x200xi32>
    %convert_element_type3A_295 = arith.extui %eq3A_294 : vector<512x200xi1> to vector<512x200xi32>
    %convert_element_type3A_296 = arith.sitofp %convert_element_type3A_295 : vector<512x200xi32> to vector<512x200xf32>
    %convert_element_type3A_297 = arith.truncf %add3A_288 : vector<200x32xf32> to vector<200x32xbf16>
    %convert_element_type3A_298 = arith.extf %convert_element_type3A_297 : vector<200x32xbf16> to vector<200x32xf32>
    %sub3A_299 = arith.subf %add3A_288, %convert_element_type3A_298 : vector<200x32xf32>
    %convert_element_type3A_300 = arith.truncf %sub3A_299 : vector<200x32xf32> to vector<200x32xbf16>
    %convert_element_type3A_301 = arith.truncf %convert_element_type3A_296 : vector<512x200xf32> to vector<512x200xbf16>
    %dot_general3A_302 = arith.constant dense<0.000000e+00> : vector<512x32xf32>
    %dot_general3A_303 = tpu.matmul %convert_element_type3A_301, %convert_element_type3A_297, %dot_general3A_302 {dimension_numbers = #tpu.dot_dimension_numbers<[1], [0], [0], [1], [0, 0, 1, 1], [], []>, transpose_lhs_hint = false} : vector<512x200xbf16>, vector<200x32xbf16>, vector<512x32xf32> -> vector<512x32xf32>
    %dot_general3A_304 = arith.constant dense<0.000000e+00> : vector<512x32xf32>
    %dot_general3A_305 = tpu.matmul %convert_element_type3A_301, %convert_element_type3A_300, %dot_general3A_304 {dimension_numbers = #tpu.dot_dimension_numbers<[1], [0], [0], [1], [0, 0, 1, 1], [], []>, transpose_lhs_hint = false} : vector<512x200xbf16>, vector<200x32xbf16>, vector<512x32xf32> -> vector<512x32xf32>
    %add3A_306 = arith.addf %dot_general3A_303, %dot_general3A_305 : vector<512x32xf32>
    %get3A_307 = arith.constant 0 : index
    %get3A_308 = arith.constant 0 : index
    %get3A_309 = vector.load %arg24[%get3A_307, %get3A_308] : memref<40x16xf32, #tpu.memory_space<vmem>>, vector<40x16xf32>
    %get3A_310 = arith.constant 0 : index
    %get3A_311 = arith.constant 0 : index
    %get3A_312 = vector.load %arg43[%get3A_310, %get3A_311] : memref<16x32xf32, #tpu.memory_space<vmem>>, vector<16x32xf32>
    %convert_element_type3A_313 = arith.truncf %get3A_312 : vector<16x32xf32> to vector<16x32xbf16>
    %convert_element_type3A_314 = arith.extf %convert_element_type3A_313 : vector<16x32xbf16> to vector<16x32xf32>
    %sub3A_315 = arith.subf %get3A_312, %convert_element_type3A_314 : vector<16x32xf32>
    %convert_element_type3A_316 = arith.truncf %sub3A_315 : vector<16x32xf32> to vector<16x32xbf16>
    %convert_element_type3A_317 = arith.truncf %get3A_309 : vector<40x16xf32> to vector<40x16xbf16>
    %dot_general3A_318 = arith.constant dense<0.000000e+00> : vector<40x32xf32>
    %dot_general3A_319 = tpu.matmul %convert_element_type3A_317, %convert_element_type3A_313, %dot_general3A_318 {dimension_numbers = #tpu.dot_dimension_numbers<[1], [0], [0], [1], [0, 0, 1, 1], [], []>, transpose_lhs_hint = false} : vector<40x16xbf16>, vector<16x32xbf16>, vector<40x32xf32> -> vector<40x32xf32>
    %dot_general3A_320 = arith.constant dense<0.000000e+00> : vector<40x32xf32>
    %dot_general3A_321 = tpu.matmul %convert_element_type3A_317, %convert_element_type3A_316, %dot_general3A_320 {dimension_numbers = #tpu.dot_dimension_numbers<[1], [0], [0], [1], [0, 0, 1, 1], [], []>, transpose_lhs_hint = false} : vector<40x16xbf16>, vector<16x32xbf16>, vector<40x32xf32> -> vector<40x32xf32>
    %add3A_322 = arith.addf %dot_general3A_319, %dot_general3A_321 : vector<40x32xf32>
    %convert_element_type3A_323 = arith.extf %convert_element_type3A_317 : vector<40x16xbf16> to vector<40x16xf32>
    %sub3A_324 = arith.subf %get3A_309, %convert_element_type3A_323 : vector<40x16xf32>
    %convert_element_type3A_325 = arith.truncf %sub3A_324 : vector<40x16xf32> to vector<40x16xbf16>
    %dot_general3A_326 = arith.constant dense<0.000000e+00> : vector<40x32xf32>
    %dot_general3A_327 = tpu.matmul %convert_element_type3A_325, %convert_element_type3A_313, %dot_general3A_326 {dimension_numbers = #tpu.dot_dimension_numbers<[1], [0], [0], [1], [0, 0, 1, 1], [], []>, transpose_lhs_hint = false} : vector<40x16xbf16>, vector<16x32xbf16>, vector<40x32xf32> -> vector<40x32xf32>
    %add3A_328 = arith.addf %add3A_322, %dot_general3A_327 : vector<40x32xf32>
    %get3A_329 = arith.constant 0 : index
    %get3A_330 = arith.constant 0 : index
    %get3A_331 = vector.load %arg44[%get3A_329, %get3A_330] : memref<1x32xf32, #tpu.memory_space<vmem>>, vector<1x32xf32>
    %add3A_332 = vector.broadcast %get3A_331 : vector<1x32xf32> to vector<40x32xf32>
    %add3A_333 = arith.addf %add3A_328, %add3A_332 : vector<40x32xf32>
    %iota3A_334 = tpu.iota {dimensions = array<i32: 1>} : vector<512x40xi32>
    %get3A_335 = arith.constant 0 : index
    %get3A_336 = arith.constant 0 : index
    %get3A_337 = vector.load %arg13[%get3A_335, %get3A_336] : memref<512x1xi32, #tpu.memory_space<vmem>>, vector<512x1xi32>
    %eq3A_338 = vector.broadcast %get3A_337 : vector<512x1xi32> to vector<512x40xi32>
    %eq3A_339 = arith.cmpi eq, %iota3A_334, %eq3A_338 : vector<512x40xi32>
    %convert_element_type3A_340 = arith.extui %eq3A_339 : vector<512x40xi1> to vector<512x40xi32>
    %convert_element_type3A_341 = arith.sitofp %convert_element_type3A_340 : vector<512x40xi32> to vector<512x40xf32>
    %convert_element_type3A_342 = arith.truncf %add3A_333 : vector<40x32xf32> to vector<40x32xbf16>
    %convert_element_type3A_343 = arith.extf %convert_element_type3A_342 : vector<40x32xbf16> to vector<40x32xf32>
    %sub3A_344 = arith.subf %add3A_333, %convert_element_type3A_343 : vector<40x32xf32>
    %convert_element_type3A_345 = arith.truncf %sub3A_344 : vector<40x32xf32> to vector<40x32xbf16>
    %convert_element_type3A_346 = arith.truncf %convert_element_type3A_341 : vector<512x40xf32> to vector<512x40xbf16>
    %dot_general3A_347 = arith.constant dense<0.000000e+00> : vector<512x32xf32>
    %dot_general3A_348 = tpu.matmul %convert_element_type3A_346, %convert_element_type3A_342, %dot_general3A_347 {dimension_numbers = #tpu.dot_dimension_numbers<[1], [0], [0], [1], [0, 0, 1, 1], [], []>, transpose_lhs_hint = false} : vector<512x40xbf16>, vector<40x32xbf16>, vector<512x32xf32> -> vector<512x32xf32>
    %dot_general3A_349 = arith.constant dense<0.000000e+00> : vector<512x32xf32>
    %dot_general3A_350 = tpu.matmul %convert_element_type3A_346, %convert_element_type3A_345, %dot_general3A_349 {dimension_numbers = #tpu.dot_dimension_numbers<[1], [0], [0], [1], [0, 0, 1, 1], [], []>, transpose_lhs_hint = false} : vector<512x40xbf16>, vector<40x32xbf16>, vector<512x32xf32> -> vector<512x32xf32>
    %add3A_351 = arith.addf %dot_general3A_348, %dot_general3A_350 : vector<512x32xf32>
    %get3A_352 = arith.constant 0 : index
    %get3A_353 = arith.constant 0 : index
    %get3A_354 = vector.load %arg25[%get3A_352, %get3A_353] : memref<1000x32xf32, #tpu.memory_space<vmem>>, vector<1000x32xf32>
    %get3A_355 = arith.constant 0 : index
    %get3A_356 = arith.constant 0 : index
    %get3A_357 = vector.load %arg45[%get3A_355, %get3A_356] : memref<32x32xf32, #tpu.memory_space<vmem>>, vector<32x32xf32>
    %convert_element_type3A_358 = arith.truncf %get3A_357 : vector<32x32xf32> to vector<32x32xbf16>
    %convert_element_type3A_359 = arith.extf %convert_element_type3A_358 : vector<32x32xbf16> to vector<32x32xf32>
    %sub3A_360 = arith.subf %get3A_357, %convert_element_type3A_359 : vector<32x32xf32>
    %convert_element_type3A_361 = arith.truncf %sub3A_360 : vector<32x32xf32> to vector<32x32xbf16>
    %convert_element_type3A_362 = arith.truncf %get3A_354 : vector<1000x32xf32> to vector<1000x32xbf16>
    %dot_general3A_363 = arith.constant dense<0.000000e+00> : vector<1000x32xf32>
    %dot_general3A_364 = tpu.matmul %convert_element_type3A_362, %convert_element_type3A_358, %dot_general3A_363 {dimension_numbers = #tpu.dot_dimension_numbers<[1], [0], [0], [1], [0, 0, 1, 1], [], []>, transpose_lhs_hint = false} : vector<1000x32xbf16>, vector<32x32xbf16>, vector<1000x32xf32> -> vector<1000x32xf32>
    %dot_general3A_365 = arith.constant dense<0.000000e+00> : vector<1000x32xf32>
    %dot_general3A_366 = tpu.matmul %convert_element_type3A_362, %convert_element_type3A_361, %dot_general3A_365 {dimension_numbers = #tpu.dot_dimension_numbers<[1], [0], [0], [1], [0, 0, 1, 1], [], []>, transpose_lhs_hint = false} : vector<1000x32xbf16>, vector<32x32xbf16>, vector<1000x32xf32> -> vector<1000x32xf32>
    %add3A_367 = arith.addf %dot_general3A_364, %dot_general3A_366 : vector<1000x32xf32>
    %convert_element_type3A_368 = arith.extf %convert_element_type3A_362 : vector<1000x32xbf16> to vector<1000x32xf32>
    %sub3A_369 = arith.subf %get3A_354, %convert_element_type3A_368 : vector<1000x32xf32>
    %convert_element_type3A_370 = arith.truncf %sub3A_369 : vector<1000x32xf32> to vector<1000x32xbf16>
    %dot_general3A_371 = arith.constant dense<0.000000e+00> : vector<1000x32xf32>
    %dot_general3A_372 = tpu.matmul %convert_element_type3A_370, %convert_element_type3A_358, %dot_general3A_371 {dimension_numbers = #tpu.dot_dimension_numbers<[1], [0], [0], [1], [0, 0, 1, 1], [], []>, transpose_lhs_hint = false} : vector<1000x32xbf16>, vector<32x32xbf16>, vector<1000x32xf32> -> vector<1000x32xf32>
    %add3A_373 = arith.addf %add3A_367, %dot_general3A_372 : vector<1000x32xf32>
    %get3A_374 = arith.constant 0 : index
    %get3A_375 = arith.constant 0 : index
    %get3A_376 = vector.load %arg46[%get3A_374, %get3A_375] : memref<1x32xf32, #tpu.memory_space<vmem>>, vector<1x32xf32>
    %add3A_377 = vector.broadcast %get3A_376 : vector<1x32xf32> to vector<1000x32xf32>
    %add3A_378 = arith.addf %add3A_373, %add3A_377 : vector<1000x32xf32>
    %iota3A_379 = tpu.iota {dimensions = array<i32: 1>} : vector<512x1000xi32>
    %get3A_380 = arith.constant 0 : index
    %get3A_381 = arith.constant 0 : index
    %get3A_382 = vector.load %arg14[%get3A_380, %get3A_381] : memref<512x1xi32, #tpu.memory_space<vmem>>, vector<512x1xi32>
    %eq3A_383 = vector.broadcast %get3A_382 : vector<512x1xi32> to vector<512x1000xi32>
    %eq3A_384 = arith.cmpi eq, %iota3A_379, %eq3A_383 : vector<512x1000xi32>
    %convert_element_type3A_385 = arith.extui %eq3A_384 : vector<512x1000xi1> to vector<512x1000xi32>
    %convert_element_type3A_386 = arith.sitofp %convert_element_type3A_385 : vector<512x1000xi32> to vector<512x1000xf32>
    %convert_element_type3A_387 = arith.truncf %add3A_378 : vector<1000x32xf32> to vector<1000x32xbf16>
    %convert_element_type3A_388 = arith.extf %convert_element_type3A_387 : vector<1000x32xbf16> to vector<1000x32xf32>
    %sub3A_389 = arith.subf %add3A_378, %convert_element_type3A_388 : vector<1000x32xf32>
    %convert_element_type3A_390 = arith.truncf %sub3A_389 : vector<1000x32xf32> to vector<1000x32xbf16>
    %convert_element_type3A_391 = arith.truncf %convert_element_type3A_386 : vector<512x1000xf32> to vector<512x1000xbf16>
    %dot_general3A_392 = arith.constant dense<0.000000e+00> : vector<512x32xf32>
    %dot_general3A_393 = tpu.matmul %convert_element_type3A_391, %convert_element_type3A_387, %dot_general3A_392 {dimension_numbers = #tpu.dot_dimension_numbers<[1], [0], [0], [1], [0, 0, 1, 1], [], []>, transpose_lhs_hint = false} : vector<512x1000xbf16>, vector<1000x32xbf16>, vector<512x32xf32> -> vector<512x32xf32>
    %dot_general3A_394 = arith.constant dense<0.000000e+00> : vector<512x32xf32>
    %dot_general3A_395 = tpu.matmul %convert_element_type3A_391, %convert_element_type3A_390, %dot_general3A_394 {dimension_numbers = #tpu.dot_dimension_numbers<[1], [0], [0], [1], [0, 0, 1, 1], [], []>, transpose_lhs_hint = false} : vector<512x1000xbf16>, vector<1000x32xbf16>, vector<512x32xf32> -> vector<512x32xf32>
    %add3A_396 = arith.addf %dot_general3A_393, %dot_general3A_395 : vector<512x32xf32>
    %concatenate3A = tpu.concatenate %add3A_306, %add3A_351, %add3A_396 in 1 : vector<512x32xf32>, vector<512x32xf32>, vector<512x32xf32> -> vector<512x96xf32>
    %get3A_397 = arith.constant 0 : index
    %get3A_398 = arith.constant 0 : index
    %get3A_399 = vector.load %arg47[%get3A_397, %get3A_398] : memref<96x32xf32, #tpu.memory_space<vmem>>, vector<96x32xf32>
    %convert_element_type3A_400 = arith.truncf %get3A_399 : vector<96x32xf32> to vector<96x32xbf16>
    %convert_element_type3A_401 = arith.extf %convert_element_type3A_400 : vector<96x32xbf16> to vector<96x32xf32>
    %sub3A_402 = arith.subf %get3A_399, %convert_element_type3A_401 : vector<96x32xf32>
    %convert_element_type3A_403 = arith.truncf %sub3A_402 : vector<96x32xf32> to vector<96x32xbf16>
    %convert_element_type3A_404 = arith.truncf %concatenate3A : vector<512x96xf32> to vector<512x96xbf16>
    %dot_general3A_405 = arith.constant dense<0.000000e+00> : vector<512x32xf32>
    %dot_general3A_406 = tpu.matmul %convert_element_type3A_404, %convert_element_type3A_400, %dot_general3A_405 {dimension_numbers = #tpu.dot_dimension_numbers<[1], [0], [0], [1], [0, 0, 1, 1], [], []>, transpose_lhs_hint = false} : vector<512x96xbf16>, vector<96x32xbf16>, vector<512x32xf32> -> vector<512x32xf32>
    %dot_general3A_407 = arith.constant dense<0.000000e+00> : vector<512x32xf32>
    %dot_general3A_408 = tpu.matmul %convert_element_type3A_404, %convert_element_type3A_403, %dot_general3A_407 {dimension_numbers = #tpu.dot_dimension_numbers<[1], [0], [0], [1], [0, 0, 1, 1], [], []>, transpose_lhs_hint = false} : vector<512x96xbf16>, vector<96x32xbf16>, vector<512x32xf32> -> vector<512x32xf32>
    %add3A_409 = arith.addf %dot_general3A_406, %dot_general3A_408 : vector<512x32xf32>
    %convert_element_type3A_410 = arith.extf %convert_element_type3A_404 : vector<512x96xbf16> to vector<512x96xf32>
    %sub3A_411 = arith.subf %concatenate3A, %convert_element_type3A_410 : vector<512x96xf32>
    %convert_element_type3A_412 = arith.truncf %sub3A_411 : vector<512x96xf32> to vector<512x96xbf16>
    %dot_general3A_413 = arith.constant dense<0.000000e+00> : vector<512x32xf32>
    %dot_general3A_414 = tpu.matmul %convert_element_type3A_412, %convert_element_type3A_400, %dot_general3A_413 {dimension_numbers = #tpu.dot_dimension_numbers<[1], [0], [0], [1], [0, 0, 1, 1], [], []>, transpose_lhs_hint = false} : vector<512x96xbf16>, vector<96x32xbf16>, vector<512x32xf32> -> vector<512x32xf32>
    %add3A_415 = arith.addf %add3A_409, %dot_general3A_414 : vector<512x32xf32>
    %get3A_416 = arith.constant 0 : index
    %get3A_417 = arith.constant 0 : index
    %get3A_418 = vector.load %arg48[%get3A_416, %get3A_417] : memref<1x32xf32, #tpu.memory_space<vmem>>, vector<1x32xf32>
    %add3A_419 = vector.broadcast %get3A_418 : vector<1x32xf32> to vector<512x32xf32>
    %add3A_420 = arith.addf %add3A_415, %add3A_419 : vector<512x32xf32>
    %max3A_421 = arith.constant 0.000000e+00 : f32
    %max3A_422 = vector.broadcast %max3A_421 : f32 to vector<512x32xf32>
    %max3A_423 = arith.maximumf %add3A_420, %max3A_422 : vector<512x32xf32>
    %get3A_424 = arith.constant 0 : index
    %get3A_425 = arith.constant 0 : index
    %get3A_426 = vector.load %arg2[%get3A_424, %get3A_425] : memref<512x32xf32, #tpu.memory_space<vmem>>, vector<512x32xf32>
    %get3A_427 = arith.constant 0 : index
    %get3A_428 = arith.constant 0 : index
    %get3A_429 = vector.load %arg49[%get3A_427, %get3A_428] : memref<32x32xf32, #tpu.memory_space<vmem>>, vector<32x32xf32>
    %convert_element_type3A_430 = arith.truncf %get3A_429 : vector<32x32xf32> to vector<32x32xbf16>
    %convert_element_type3A_431 = arith.extf %convert_element_type3A_430 : vector<32x32xbf16> to vector<32x32xf32>
    %sub3A_432 = arith.subf %get3A_429, %convert_element_type3A_431 : vector<32x32xf32>
    %convert_element_type3A_433 = arith.truncf %sub3A_432 : vector<32x32xf32> to vector<32x32xbf16>
    %convert_element_type3A_434 = arith.truncf %get3A_426 : vector<512x32xf32> to vector<512x32xbf16>
    %dot_general3A_435 = arith.constant dense<0.000000e+00> : vector<512x32xf32>
    %dot_general3A_436 = tpu.matmul %convert_element_type3A_434, %convert_element_type3A_430, %dot_general3A_435 {dimension_numbers = #tpu.dot_dimension_numbers<[1], [0], [0], [1], [0, 0, 1, 1], [], []>, transpose_lhs_hint = false} : vector<512x32xbf16>, vector<32x32xbf16>, vector<512x32xf32> -> vector<512x32xf32>
    %dot_general3A_437 = arith.constant dense<0.000000e+00> : vector<512x32xf32>
    %dot_general3A_438 = tpu.matmul %convert_element_type3A_434, %convert_element_type3A_433, %dot_general3A_437 {dimension_numbers = #tpu.dot_dimension_numbers<[1], [0], [0], [1], [0, 0, 1, 1], [], []>, transpose_lhs_hint = false} : vector<512x32xbf16>, vector<32x32xbf16>, vector<512x32xf32> -> vector<512x32xf32>
    %add3A_439 = arith.addf %dot_general3A_436, %dot_general3A_438 : vector<512x32xf32>
    %convert_element_type3A_440 = arith.extf %convert_element_type3A_434 : vector<512x32xbf16> to vector<512x32xf32>
    %sub3A_441 = arith.subf %get3A_426, %convert_element_type3A_440 : vector<512x32xf32>
    %convert_element_type3A_442 = arith.truncf %sub3A_441 : vector<512x32xf32> to vector<512x32xbf16>
    %dot_general3A_443 = arith.constant dense<0.000000e+00> : vector<512x32xf32>
    %dot_general3A_444 = tpu.matmul %convert_element_type3A_442, %convert_element_type3A_430, %dot_general3A_443 {dimension_numbers = #tpu.dot_dimension_numbers<[1], [0], [0], [1], [0, 0, 1, 1], [], []>, transpose_lhs_hint = false} : vector<512x32xbf16>, vector<32x32xbf16>, vector<512x32xf32> -> vector<512x32xf32>
    %add3A_445 = arith.addf %add3A_439, %dot_general3A_444 : vector<512x32xf32>
    %get3A_446 = arith.constant 0 : index
    %get3A_447 = arith.constant 0 : index
    %get3A_448 = vector.load %arg50[%get3A_446, %get3A_447] : memref<1x32xf32, #tpu.memory_space<vmem>>, vector<1x32xf32>
    %add3A_449 = vector.broadcast %get3A_448 : vector<1x32xf32> to vector<512x32xf32>
    %add3A_450 = arith.addf %add3A_445, %add3A_449 : vector<512x32xf32>
    %max3A_451 = arith.constant 0.000000e+00 : f32
    %max3A_452 = vector.broadcast %max3A_451 : f32 to vector<512x32xf32>
    %max3A_453 = arith.maximumf %add3A_450, %max3A_452 : vector<512x32xf32>
    %get3A_454 = arith.constant 0 : index
    %get3A_455 = arith.constant 0 : index
    %get3A_456 = vector.load %arg3[%get3A_454, %get3A_455] : memref<512x32xf32, #tpu.memory_space<vmem>>, vector<512x32xf32>
    %get3A_457 = arith.constant 0 : index
    %get3A_458 = arith.constant 0 : index
    %get3A_459 = vector.load %arg51[%get3A_457, %get3A_458] : memref<32x32xf32, #tpu.memory_space<vmem>>, vector<32x32xf32>
    %convert_element_type3A_460 = arith.truncf %get3A_459 : vector<32x32xf32> to vector<32x32xbf16>
    %convert_element_type3A_461 = arith.extf %convert_element_type3A_460 : vector<32x32xbf16> to vector<32x32xf32>
    %sub3A_462 = arith.subf %get3A_459, %convert_element_type3A_461 : vector<32x32xf32>
    %convert_element_type3A_463 = arith.truncf %sub3A_462 : vector<32x32xf32> to vector<32x32xbf16>
    %convert_element_type3A_464 = arith.truncf %get3A_456 : vector<512x32xf32> to vector<512x32xbf16>
    %dot_general3A_465 = arith.constant dense<0.000000e+00> : vector<512x32xf32>
    %dot_general3A_466 = tpu.matmul %convert_element_type3A_464, %convert_element_type3A_460, %dot_general3A_465 {dimension_numbers = #tpu.dot_dimension_numbers<[1], [0], [0], [1], [0, 0, 1, 1], [], []>, transpose_lhs_hint = false} : vector<512x32xbf16>, vector<32x32xbf16>, vector<512x32xf32> -> vector<512x32xf32>
    %dot_general3A_467 = arith.constant dense<0.000000e+00> : vector<512x32xf32>
    %dot_general3A_468 = tpu.matmul %convert_element_type3A_464, %convert_element_type3A_463, %dot_general3A_467 {dimension_numbers = #tpu.dot_dimension_numbers<[1], [0], [0], [1], [0, 0, 1, 1], [], []>, transpose_lhs_hint = false} : vector<512x32xbf16>, vector<32x32xbf16>, vector<512x32xf32> -> vector<512x32xf32>
    %add3A_469 = arith.addf %dot_general3A_466, %dot_general3A_468 : vector<512x32xf32>
    %convert_element_type3A_470 = arith.extf %convert_element_type3A_464 : vector<512x32xbf16> to vector<512x32xf32>
    %sub3A_471 = arith.subf %get3A_456, %convert_element_type3A_470 : vector<512x32xf32>
    %convert_element_type3A_472 = arith.truncf %sub3A_471 : vector<512x32xf32> to vector<512x32xbf16>
    %dot_general3A_473 = arith.constant dense<0.000000e+00> : vector<512x32xf32>
    %dot_general3A_474 = tpu.matmul %convert_element_type3A_472, %convert_element_type3A_460, %dot_general3A_473 {dimension_numbers = #tpu.dot_dimension_numbers<[1], [0], [0], [1], [0, 0, 1, 1], [], []>, transpose_lhs_hint = false} : vector<512x32xbf16>, vector<32x32xbf16>, vector<512x32xf32> -> vector<512x32xf32>
    %add3A_475 = arith.addf %add3A_469, %dot_general3A_474 : vector<512x32xf32>
    %get3A_476 = arith.constant 0 : index
    %get3A_477 = arith.constant 0 : index
    %get3A_478 = vector.load %arg52[%get3A_476, %get3A_477] : memref<1x32xf32, #tpu.memory_space<vmem>>, vector<1x32xf32>
    %add3A_479 = vector.broadcast %get3A_478 : vector<1x32xf32> to vector<512x32xf32>
    %add3A_480 = arith.addf %add3A_475, %add3A_479 : vector<512x32xf32>
    %max3A_481 = arith.constant 0.000000e+00 : f32
    %max3A_482 = vector.broadcast %max3A_481 : f32 to vector<512x32xf32>
    %max3A_483 = arith.maximumf %add3A_480, %max3A_482 : vector<512x32xf32>
    %get3A_484 = arith.constant 0 : index
    %get3A_485 = arith.constant 0 : index
    %get3A_486 = vector.load %arg4[%get3A_484, %get3A_485] : memref<512x32xf32, #tpu.memory_space<vmem>>, vector<512x32xf32>
    %get3A_487 = arith.constant 0 : index
    %get3A_488 = arith.constant 0 : index
    %get3A_489 = vector.load %arg53[%get3A_487, %get3A_488] : memref<32x32xf32, #tpu.memory_space<vmem>>, vector<32x32xf32>
    %convert_element_type3A_490 = arith.truncf %get3A_489 : vector<32x32xf32> to vector<32x32xbf16>
    %convert_element_type3A_491 = arith.extf %convert_element_type3A_490 : vector<32x32xbf16> to vector<32x32xf32>
    %sub3A_492 = arith.subf %get3A_489, %convert_element_type3A_491 : vector<32x32xf32>
    %convert_element_type3A_493 = arith.truncf %sub3A_492 : vector<32x32xf32> to vector<32x32xbf16>
    %convert_element_type3A_494 = arith.truncf %get3A_486 : vector<512x32xf32> to vector<512x32xbf16>
    %dot_general3A_495 = arith.constant dense<0.000000e+00> : vector<512x32xf32>
    %dot_general3A_496 = tpu.matmul %convert_element_type3A_494, %convert_element_type3A_490, %dot_general3A_495 {dimension_numbers = #tpu.dot_dimension_numbers<[1], [0], [0], [1], [0, 0, 1, 1], [], []>, transpose_lhs_hint = false} : vector<512x32xbf16>, vector<32x32xbf16>, vector<512x32xf32> -> vector<512x32xf32>
    %dot_general3A_497 = arith.constant dense<0.000000e+00> : vector<512x32xf32>
    %dot_general3A_498 = tpu.matmul %convert_element_type3A_494, %convert_element_type3A_493, %dot_general3A_497 {dimension_numbers = #tpu.dot_dimension_numbers<[1], [0], [0], [1], [0, 0, 1, 1], [], []>, transpose_lhs_hint = false} : vector<512x32xbf16>, vector<32x32xbf16>, vector<512x32xf32> -> vector<512x32xf32>
    %add3A_499 = arith.addf %dot_general3A_496, %dot_general3A_498 : vector<512x32xf32>
    %convert_element_type3A_500 = arith.extf %convert_element_type3A_494 : vector<512x32xbf16> to vector<512x32xf32>
    %sub3A_501 = arith.subf %get3A_486, %convert_element_type3A_500 : vector<512x32xf32>
    %convert_element_type3A_502 = arith.truncf %sub3A_501 : vector<512x32xf32> to vector<512x32xbf16>
    %dot_general3A_503 = arith.constant dense<0.000000e+00> : vector<512x32xf32>
    %dot_general3A_504 = tpu.matmul %convert_element_type3A_502, %convert_element_type3A_490, %dot_general3A_503 {dimension_numbers = #tpu.dot_dimension_numbers<[1], [0], [0], [1], [0, 0, 1, 1], [], []>, transpose_lhs_hint = false} : vector<512x32xbf16>, vector<32x32xbf16>, vector<512x32xf32> -> vector<512x32xf32>
    %add3A_505 = arith.addf %add3A_499, %dot_general3A_504 : vector<512x32xf32>
    %get3A_506 = arith.constant 0 : index
    %get3A_507 = arith.constant 0 : index
    %get3A_508 = vector.load %arg54[%get3A_506, %get3A_507] : memref<1x32xf32, #tpu.memory_space<vmem>>, vector<1x32xf32>
    %add3A_509 = vector.broadcast %get3A_508 : vector<1x32xf32> to vector<512x32xf32>
    %add3A_510 = arith.addf %add3A_505, %add3A_509 : vector<512x32xf32>
    %max3A_511 = arith.constant 0.000000e+00 : f32
    %max3A_512 = vector.broadcast %max3A_511 : f32 to vector<512x32xf32>
    %max3A_513 = arith.maximumf %add3A_510, %max3A_512 : vector<512x32xf32>
    %get3A_514 = arith.constant 0 : index
    %get3A_515 = arith.constant 0 : index
    %get3A_516 = vector.load %arg26[%get3A_514, %get3A_515] : memref<1000x32xf32, #tpu.memory_space<vmem>>, vector<1000x32xf32>
    %get3A_517 = arith.constant 0 : index
    %get3A_518 = arith.constant 0 : index
    %get3A_519 = vector.load %arg55[%get3A_517, %get3A_518] : memref<32x32xf32, #tpu.memory_space<vmem>>, vector<32x32xf32>
    %convert_element_type3A_520 = arith.truncf %get3A_519 : vector<32x32xf32> to vector<32x32xbf16>
    %convert_element_type3A_521 = arith.extf %convert_element_type3A_520 : vector<32x32xbf16> to vector<32x32xf32>
    %sub3A_522 = arith.subf %get3A_519, %convert_element_type3A_521 : vector<32x32xf32>
    %convert_element_type3A_523 = arith.truncf %sub3A_522 : vector<32x32xf32> to vector<32x32xbf16>
    %convert_element_type3A_524 = arith.truncf %get3A_516 : vector<1000x32xf32> to vector<1000x32xbf16>
    %dot_general3A_525 = arith.constant dense<0.000000e+00> : vector<1000x32xf32>
    %dot_general3A_526 = tpu.matmul %convert_element_type3A_524, %convert_element_type3A_520, %dot_general3A_525 {dimension_numbers = #tpu.dot_dimension_numbers<[1], [0], [0], [1], [0, 0, 1, 1], [], []>, transpose_lhs_hint = false} : vector<1000x32xbf16>, vector<32x32xbf16>, vector<1000x32xf32> -> vector<1000x32xf32>
    %dot_general3A_527 = arith.constant dense<0.000000e+00> : vector<1000x32xf32>
    %dot_general3A_528 = tpu.matmul %convert_element_type3A_524, %convert_element_type3A_523, %dot_general3A_527 {dimension_numbers = #tpu.dot_dimension_numbers<[1], [0], [0], [1], [0, 0, 1, 1], [], []>, transpose_lhs_hint = false} : vector<1000x32xbf16>, vector<32x32xbf16>, vector<1000x32xf32> -> vector<1000x32xf32>
    %add3A_529 = arith.addf %dot_general3A_526, %dot_general3A_528 : vector<1000x32xf32>
    %convert_element_type3A_530 = arith.extf %convert_element_type3A_524 : vector<1000x32xbf16> to vector<1000x32xf32>
    %sub3A_531 = arith.subf %get3A_516, %convert_element_type3A_530 : vector<1000x32xf32>
    %convert_element_type3A_532 = arith.truncf %sub3A_531 : vector<1000x32xf32> to vector<1000x32xbf16>
    %dot_general3A_533 = arith.constant dense<0.000000e+00> : vector<1000x32xf32>
    %dot_general3A_534 = tpu.matmul %convert_element_type3A_532, %convert_element_type3A_520, %dot_general3A_533 {dimension_numbers = #tpu.dot_dimension_numbers<[1], [0], [0], [1], [0, 0, 1, 1], [], []>, transpose_lhs_hint = false} : vector<1000x32xbf16>, vector<32x32xbf16>, vector<1000x32xf32> -> vector<1000x32xf32>
    %add3A_535 = arith.addf %add3A_529, %dot_general3A_534 : vector<1000x32xf32>
    %get3A_536 = arith.constant 0 : index
    %get3A_537 = arith.constant 0 : index
    %get3A_538 = vector.load %arg56[%get3A_536, %get3A_537] : memref<1x32xf32, #tpu.memory_space<vmem>>, vector<1x32xf32>
    %add3A_539 = vector.broadcast %get3A_538 : vector<1x32xf32> to vector<1000x32xf32>
    %add3A_540 = arith.addf %add3A_535, %add3A_539 : vector<1000x32xf32>
    %max3A_541 = arith.constant 0.000000e+00 : f32
    %max3A_542 = vector.broadcast %max3A_541 : f32 to vector<1000x32xf32>
    %max3A_543 = arith.maximumf %add3A_540, %max3A_542 : vector<1000x32xf32>
    %iota3A_544 = tpu.iota {dimensions = array<i32: 1>} : vector<512x1000xi32>
    %get3A_545 = arith.constant 0 : index
    %get3A_546 = arith.constant 0 : index
    %get3A_547 = vector.load %arg15[%get3A_545, %get3A_546] : memref<512x1xi32, #tpu.memory_space<vmem>>, vector<512x1xi32>
    %eq3A_548 = vector.broadcast %get3A_547 : vector<512x1xi32> to vector<512x1000xi32>
    %eq3A_549 = arith.cmpi eq, %iota3A_544, %eq3A_548 : vector<512x1000xi32>
    %convert_element_type3A_550 = arith.extui %eq3A_549 : vector<512x1000xi1> to vector<512x1000xi32>
    %convert_element_type3A_551 = arith.sitofp %convert_element_type3A_550 : vector<512x1000xi32> to vector<512x1000xf32>
    %convert_element_type3A_552 = arith.truncf %max3A_543 : vector<1000x32xf32> to vector<1000x32xbf16>
    %convert_element_type3A_553 = arith.extf %convert_element_type3A_552 : vector<1000x32xbf16> to vector<1000x32xf32>
    %sub3A_554 = arith.subf %max3A_543, %convert_element_type3A_553 : vector<1000x32xf32>
    %convert_element_type3A_555 = arith.truncf %sub3A_554 : vector<1000x32xf32> to vector<1000x32xbf16>
    %convert_element_type3A_556 = arith.truncf %convert_element_type3A_551 : vector<512x1000xf32> to vector<512x1000xbf16>
    %dot_general3A_557 = arith.constant dense<0.000000e+00> : vector<512x32xf32>
    %dot_general3A_558 = tpu.matmul %convert_element_type3A_556, %convert_element_type3A_552, %dot_general3A_557 {dimension_numbers = #tpu.dot_dimension_numbers<[1], [0], [0], [1], [0, 0, 1, 1], [], []>, transpose_lhs_hint = false} : vector<512x1000xbf16>, vector<1000x32xbf16>, vector<512x32xf32> -> vector<512x32xf32>
    %dot_general3A_559 = arith.constant dense<0.000000e+00> : vector<512x32xf32>
    %dot_general3A_560 = tpu.matmul %convert_element_type3A_556, %convert_element_type3A_555, %dot_general3A_559 {dimension_numbers = #tpu.dot_dimension_numbers<[1], [0], [0], [1], [0, 0, 1, 1], [], []>, transpose_lhs_hint = false} : vector<512x1000xbf16>, vector<1000x32xbf16>, vector<512x32xf32> -> vector<512x32xf32>
    %add3A_561 = arith.addf %dot_general3A_558, %dot_general3A_560 : vector<512x32xf32>
    %get3A_562 = arith.constant 0 : index
    %get3A_563 = arith.constant 0 : index
    %get3A_564 = vector.load %arg27[%get3A_562, %get3A_563] : memref<1000x32xf32, #tpu.memory_space<vmem>>, vector<1000x32xf32>
    %get3A_565 = arith.constant 0 : index
    %get3A_566 = arith.constant 0 : index
    %get3A_567 = vector.load %arg57[%get3A_565, %get3A_566] : memref<32x32xf32, #tpu.memory_space<vmem>>, vector<32x32xf32>
    %convert_element_type3A_568 = arith.truncf %get3A_567 : vector<32x32xf32> to vector<32x32xbf16>
    %convert_element_type3A_569 = arith.extf %convert_element_type3A_568 : vector<32x32xbf16> to vector<32x32xf32>
    %sub3A_570 = arith.subf %get3A_567, %convert_element_type3A_569 : vector<32x32xf32>
    %convert_element_type3A_571 = arith.truncf %sub3A_570 : vector<32x32xf32> to vector<32x32xbf16>
    %convert_element_type3A_572 = arith.truncf %get3A_564 : vector<1000x32xf32> to vector<1000x32xbf16>
    %dot_general3A_573 = arith.constant dense<0.000000e+00> : vector<1000x32xf32>
    %dot_general3A_574 = tpu.matmul %convert_element_type3A_572, %convert_element_type3A_568, %dot_general3A_573 {dimension_numbers = #tpu.dot_dimension_numbers<[1], [0], [0], [1], [0, 0, 1, 1], [], []>, transpose_lhs_hint = false} : vector<1000x32xbf16>, vector<32x32xbf16>, vector<1000x32xf32> -> vector<1000x32xf32>
    %dot_general3A_575 = arith.constant dense<0.000000e+00> : vector<1000x32xf32>
    %dot_general3A_576 = tpu.matmul %convert_element_type3A_572, %convert_element_type3A_571, %dot_general3A_575 {dimension_numbers = #tpu.dot_dimension_numbers<[1], [0], [0], [1], [0, 0, 1, 1], [], []>, transpose_lhs_hint = false} : vector<1000x32xbf16>, vector<32x32xbf16>, vector<1000x32xf32> -> vector<1000x32xf32>
    %add3A_577 = arith.addf %dot_general3A_574, %dot_general3A_576 : vector<1000x32xf32>
    %convert_element_type3A_578 = arith.extf %convert_element_type3A_572 : vector<1000x32xbf16> to vector<1000x32xf32>
    %sub3A_579 = arith.subf %get3A_564, %convert_element_type3A_578 : vector<1000x32xf32>
    %convert_element_type3A_580 = arith.truncf %sub3A_579 : vector<1000x32xf32> to vector<1000x32xbf16>
    %dot_general3A_581 = arith.constant dense<0.000000e+00> : vector<1000x32xf32>
    %dot_general3A_582 = tpu.matmul %convert_element_type3A_580, %convert_element_type3A_568, %dot_general3A_581 {dimension_numbers = #tpu.dot_dimension_numbers<[1], [0], [0], [1], [0, 0, 1, 1], [], []>, transpose_lhs_hint = false} : vector<1000x32xbf16>, vector<32x32xbf16>, vector<1000x32xf32> -> vector<1000x32xf32>
    %add3A_583 = arith.addf %add3A_577, %dot_general3A_582 : vector<1000x32xf32>
    %get3A_584 = arith.constant 0 : index
    %get3A_585 = arith.constant 0 : index
    %get3A_586 = vector.load %arg58[%get3A_584, %get3A_585] : memref<1x32xf32, #tpu.memory_space<vmem>>, vector<1x32xf32>
    %add3A_587 = vector.broadcast %get3A_586 : vector<1x32xf32> to vector<1000x32xf32>
    %add3A_588 = arith.addf %add3A_583, %add3A_587 : vector<1000x32xf32>
    %max3A_589 = arith.constant 0.000000e+00 : f32
    %max3A_590 = vector.broadcast %max3A_589 : f32 to vector<1000x32xf32>
    %max3A_591 = arith.maximumf %add3A_588, %max3A_590 : vector<1000x32xf32>
    %iota3A_592 = tpu.iota {dimensions = array<i32: 1>} : vector<512x1000xi32>
    %get3A_593 = arith.constant 0 : index
    %get3A_594 = arith.constant 0 : index
    %get3A_595 = vector.load %arg16[%get3A_593, %get3A_594] : memref<512x1xi32, #tpu.memory_space<vmem>>, vector<512x1xi32>
    %eq3A_596 = vector.broadcast %get3A_595 : vector<512x1xi32> to vector<512x1000xi32>
    %eq3A_597 = arith.cmpi eq, %iota3A_592, %eq3A_596 : vector<512x1000xi32>
    %convert_element_type3A_598 = arith.extui %eq3A_597 : vector<512x1000xi1> to vector<512x1000xi32>
    %convert_element_type3A_599 = arith.sitofp %convert_element_type3A_598 : vector<512x1000xi32> to vector<512x1000xf32>
    %convert_element_type3A_600 = arith.truncf %max3A_591 : vector<1000x32xf32> to vector<1000x32xbf16>
    %convert_element_type3A_601 = arith.extf %convert_element_type3A_600 : vector<1000x32xbf16> to vector<1000x32xf32>
    %sub3A_602 = arith.subf %max3A_591, %convert_element_type3A_601 : vector<1000x32xf32>
    %convert_element_type3A_603 = arith.truncf %sub3A_602 : vector<1000x32xf32> to vector<1000x32xbf16>
    %convert_element_type3A_604 = arith.truncf %convert_element_type3A_599 : vector<512x1000xf32> to vector<512x1000xbf16>
    %dot_general3A_605 = arith.constant dense<0.000000e+00> : vector<512x32xf32>
    %dot_general3A_606 = tpu.matmul %convert_element_type3A_604, %convert_element_type3A_600, %dot_general3A_605 {dimension_numbers = #tpu.dot_dimension_numbers<[1], [0], [0], [1], [0, 0, 1, 1], [], []>, transpose_lhs_hint = false} : vector<512x1000xbf16>, vector<1000x32xbf16>, vector<512x32xf32> -> vector<512x32xf32>
    %dot_general3A_607 = arith.constant dense<0.000000e+00> : vector<512x32xf32>
    %dot_general3A_608 = tpu.matmul %convert_element_type3A_604, %convert_element_type3A_603, %dot_general3A_607 {dimension_numbers = #tpu.dot_dimension_numbers<[1], [0], [0], [1], [0, 0, 1, 1], [], []>, transpose_lhs_hint = false} : vector<512x1000xbf16>, vector<1000x32xbf16>, vector<512x32xf32> -> vector<512x32xf32>
    %add3A_609 = arith.addf %dot_general3A_606, %dot_general3A_608 : vector<512x32xf32>
    %get3A_610 = arith.constant 0 : index
    %get3A_611 = arith.constant 0 : index
    %get3A_612 = vector.load %arg28[%get3A_610, %get3A_611] : memref<500x16xf32, #tpu.memory_space<vmem>>, vector<500x16xf32>
    %get3A_613 = arith.constant 0 : index
    %get3A_614 = arith.constant 0 : index
    %get3A_615 = vector.load %arg59[%get3A_613, %get3A_614] : memref<16x32xf32, #tpu.memory_space<vmem>>, vector<16x32xf32>
    %convert_element_type3A_616 = arith.truncf %get3A_615 : vector<16x32xf32> to vector<16x32xbf16>
    %convert_element_type3A_617 = arith.extf %convert_element_type3A_616 : vector<16x32xbf16> to vector<16x32xf32>
    %sub3A_618 = arith.subf %get3A_615, %convert_element_type3A_617 : vector<16x32xf32>
    %convert_element_type3A_619 = arith.truncf %sub3A_618 : vector<16x32xf32> to vector<16x32xbf16>
    %convert_element_type3A_620 = arith.truncf %get3A_612 : vector<500x16xf32> to vector<500x16xbf16>
    %dot_general3A_621 = arith.constant dense<0.000000e+00> : vector<500x32xf32>
    %dot_general3A_622 = tpu.matmul %convert_element_type3A_620, %convert_element_type3A_616, %dot_general3A_621 {dimension_numbers = #tpu.dot_dimension_numbers<[1], [0], [0], [1], [0, 0, 1, 1], [], []>, transpose_lhs_hint = false} : vector<500x16xbf16>, vector<16x32xbf16>, vector<500x32xf32> -> vector<500x32xf32>
    %dot_general3A_623 = arith.constant dense<0.000000e+00> : vector<500x32xf32>
    %dot_general3A_624 = tpu.matmul %convert_element_type3A_620, %convert_element_type3A_619, %dot_general3A_623 {dimension_numbers = #tpu.dot_dimension_numbers<[1], [0], [0], [1], [0, 0, 1, 1], [], []>, transpose_lhs_hint = false} : vector<500x16xbf16>, vector<16x32xbf16>, vector<500x32xf32> -> vector<500x32xf32>
    %add3A_625 = arith.addf %dot_general3A_622, %dot_general3A_624 : vector<500x32xf32>
    %convert_element_type3A_626 = arith.extf %convert_element_type3A_620 : vector<500x16xbf16> to vector<500x16xf32>
    %sub3A_627 = arith.subf %get3A_612, %convert_element_type3A_626 : vector<500x16xf32>
    %convert_element_type3A_628 = arith.truncf %sub3A_627 : vector<500x16xf32> to vector<500x16xbf16>
    %dot_general3A_629 = arith.constant dense<0.000000e+00> : vector<500x32xf32>
    %dot_general3A_630 = tpu.matmul %convert_element_type3A_628, %convert_element_type3A_616, %dot_general3A_629 {dimension_numbers = #tpu.dot_dimension_numbers<[1], [0], [0], [1], [0, 0, 1, 1], [], []>, transpose_lhs_hint = false} : vector<500x16xbf16>, vector<16x32xbf16>, vector<500x32xf32> -> vector<500x32xf32>
    %add3A_631 = arith.addf %add3A_625, %dot_general3A_630 : vector<500x32xf32>
    %get3A_632 = arith.constant 0 : index
    %get3A_633 = arith.constant 0 : index
    %get3A_634 = vector.load %arg60[%get3A_632, %get3A_633] : memref<1x32xf32, #tpu.memory_space<vmem>>, vector<1x32xf32>
    %add3A_635 = vector.broadcast %get3A_634 : vector<1x32xf32> to vector<500x32xf32>
    %add3A_636 = arith.addf %add3A_631, %add3A_635 : vector<500x32xf32>
    %max3A_637 = arith.constant 0.000000e+00 : f32
    %max3A_638 = vector.broadcast %max3A_637 : f32 to vector<500x32xf32>
    %max3A_639 = arith.maximumf %add3A_636, %max3A_638 : vector<500x32xf32>
    %iota3A_640 = tpu.iota {dimensions = array<i32: 1>} : vector<512x500xi32>
    %get3A_641 = arith.constant 0 : index
    %get3A_642 = arith.constant 0 : index
    %get3A_643 = vector.load %arg17[%get3A_641, %get3A_642] : memref<512x1xi32, #tpu.memory_space<vmem>>, vector<512x1xi32>
    %eq3A_644 = vector.broadcast %get3A_643 : vector<512x1xi32> to vector<512x500xi32>
    %eq3A_645 = arith.cmpi eq, %iota3A_640, %eq3A_644 : vector<512x500xi32>
    %convert_element_type3A_646 = arith.extui %eq3A_645 : vector<512x500xi1> to vector<512x500xi32>
    %convert_element_type3A_647 = arith.sitofp %convert_element_type3A_646 : vector<512x500xi32> to vector<512x500xf32>
    %convert_element_type3A_648 = arith.truncf %max3A_639 : vector<500x32xf32> to vector<500x32xbf16>
    %convert_element_type3A_649 = arith.extf %convert_element_type3A_648 : vector<500x32xbf16> to vector<500x32xf32>
    %sub3A_650 = arith.subf %max3A_639, %convert_element_type3A_649 : vector<500x32xf32>
    %convert_element_type3A_651 = arith.truncf %sub3A_650 : vector<500x32xf32> to vector<500x32xbf16>
    %convert_element_type3A_652 = arith.truncf %convert_element_type3A_647 : vector<512x500xf32> to vector<512x500xbf16>
    %dot_general3A_653 = arith.constant dense<0.000000e+00> : vector<512x32xf32>
    %dot_general3A_654 = tpu.matmul %convert_element_type3A_652, %convert_element_type3A_648, %dot_general3A_653 {dimension_numbers = #tpu.dot_dimension_numbers<[1], [0], [0], [1], [0, 0, 1, 1], [], []>, transpose_lhs_hint = false} : vector<512x500xbf16>, vector<500x32xbf16>, vector<512x32xf32> -> vector<512x32xf32>
    %dot_general3A_655 = arith.constant dense<0.000000e+00> : vector<512x32xf32>
    %dot_general3A_656 = tpu.matmul %convert_element_type3A_652, %convert_element_type3A_651, %dot_general3A_655 {dimension_numbers = #tpu.dot_dimension_numbers<[1], [0], [0], [1], [0, 0, 1, 1], [], []>, transpose_lhs_hint = false} : vector<512x500xbf16>, vector<500x32xbf16>, vector<512x32xf32> -> vector<512x32xf32>
    %add3A_657 = arith.addf %dot_general3A_654, %dot_general3A_656 : vector<512x32xf32>
    %get3A_658 = arith.constant 0 : index
    %get3A_659 = arith.constant 0 : index
    %get3A_660 = vector.load %arg5[%get3A_658, %get3A_659] : memref<512x1600xf32, #tpu.memory_space<vmem>>, vector<512x1600xf32>
    %slice3A = vector.extract_strided_slice %get3A_660 {offsets = [0, 0], sizes = [512, 32], strides = [1, 1]} : vector<512x1600xf32> to vector<512x32xf32>
    %slice3A_661 = vector.extract_strided_slice %get3A_660 {offsets = [0, 32], sizes = [512, 32], strides = [1, 1]} : vector<512x1600xf32> to vector<512x32xf32>
    %add3A_662 = arith.addf %slice3A, %slice3A_661 : vector<512x32xf32>
    %slice3A_663 = vector.extract_strided_slice %get3A_660 {offsets = [0, 64], sizes = [512, 32], strides = [1, 1]} : vector<512x1600xf32> to vector<512x32xf32>
    %add3A_664 = arith.addf %add3A_662, %slice3A_663 : vector<512x32xf32>
    %slice3A_665 = vector.extract_strided_slice %get3A_660 {offsets = [0, 96], sizes = [512, 32], strides = [1, 1]} : vector<512x1600xf32> to vector<512x32xf32>
    %add3A_666 = arith.addf %add3A_664, %slice3A_665 : vector<512x32xf32>
    %slice3A_667 = vector.extract_strided_slice %get3A_660 {offsets = [0, 128], sizes = [512, 32], strides = [1, 1]} : vector<512x1600xf32> to vector<512x32xf32>
    %add3A_668 = arith.addf %add3A_666, %slice3A_667 : vector<512x32xf32>
    %slice3A_669 = vector.extract_strided_slice %get3A_660 {offsets = [0, 160], sizes = [512, 32], strides = [1, 1]} : vector<512x1600xf32> to vector<512x32xf32>
    %add3A_670 = arith.addf %add3A_668, %slice3A_669 : vector<512x32xf32>
    %slice3A_671 = vector.extract_strided_slice %get3A_660 {offsets = [0, 192], sizes = [512, 32], strides = [1, 1]} : vector<512x1600xf32> to vector<512x32xf32>
    %add3A_672 = arith.addf %add3A_670, %slice3A_671 : vector<512x32xf32>
    %slice3A_673 = vector.extract_strided_slice %get3A_660 {offsets = [0, 224], sizes = [512, 32], strides = [1, 1]} : vector<512x1600xf32> to vector<512x32xf32>
    %add3A_674 = arith.addf %add3A_672, %slice3A_673 : vector<512x32xf32>
    %slice3A_675 = vector.extract_strided_slice %get3A_660 {offsets = [0, 256], sizes = [512, 32], strides = [1, 1]} : vector<512x1600xf32> to vector<512x32xf32>
    %add3A_676 = arith.addf %add3A_674, %slice3A_675 : vector<512x32xf32>
    %slice3A_677 = vector.extract_strided_slice %get3A_660 {offsets = [0, 288], sizes = [512, 32], strides = [1, 1]} : vector<512x1600xf32> to vector<512x32xf32>
    %add3A_678 = arith.addf %add3A_676, %slice3A_677 : vector<512x32xf32>
    %slice3A_679 = vector.extract_strided_slice %get3A_660 {offsets = [0, 320], sizes = [512, 32], strides = [1, 1]} : vector<512x1600xf32> to vector<512x32xf32>
    %add3A_680 = arith.addf %add3A_678, %slice3A_679 : vector<512x32xf32>
    %slice3A_681 = vector.extract_strided_slice %get3A_660 {offsets = [0, 352], sizes = [512, 32], strides = [1, 1]} : vector<512x1600xf32> to vector<512x32xf32>
    %add3A_682 = arith.addf %add3A_680, %slice3A_681 : vector<512x32xf32>
    %slice3A_683 = vector.extract_strided_slice %get3A_660 {offsets = [0, 384], sizes = [512, 32], strides = [1, 1]} : vector<512x1600xf32> to vector<512x32xf32>
    %add3A_684 = arith.addf %add3A_682, %slice3A_683 : vector<512x32xf32>
    %slice3A_685 = vector.extract_strided_slice %get3A_660 {offsets = [0, 416], sizes = [512, 32], strides = [1, 1]} : vector<512x1600xf32> to vector<512x32xf32>
    %add3A_686 = arith.addf %add3A_684, %slice3A_685 : vector<512x32xf32>
    %slice3A_687 = vector.extract_strided_slice %get3A_660 {offsets = [0, 448], sizes = [512, 32], strides = [1, 1]} : vector<512x1600xf32> to vector<512x32xf32>
    %add3A_688 = arith.addf %add3A_686, %slice3A_687 : vector<512x32xf32>
    %slice3A_689 = vector.extract_strided_slice %get3A_660 {offsets = [0, 480], sizes = [512, 32], strides = [1, 1]} : vector<512x1600xf32> to vector<512x32xf32>
    %add3A_690 = arith.addf %add3A_688, %slice3A_689 : vector<512x32xf32>
    %slice3A_691 = vector.extract_strided_slice %get3A_660 {offsets = [0, 512], sizes = [512, 32], strides = [1, 1]} : vector<512x1600xf32> to vector<512x32xf32>
    %add3A_692 = arith.addf %add3A_690, %slice3A_691 : vector<512x32xf32>
    %slice3A_693 = vector.extract_strided_slice %get3A_660 {offsets = [0, 544], sizes = [512, 32], strides = [1, 1]} : vector<512x1600xf32> to vector<512x32xf32>
    %add3A_694 = arith.addf %add3A_692, %slice3A_693 : vector<512x32xf32>
    %slice3A_695 = vector.extract_strided_slice %get3A_660 {offsets = [0, 576], sizes = [512, 32], strides = [1, 1]} : vector<512x1600xf32> to vector<512x32xf32>
    %add3A_696 = arith.addf %add3A_694, %slice3A_695 : vector<512x32xf32>
    %slice3A_697 = vector.extract_strided_slice %get3A_660 {offsets = [0, 608], sizes = [512, 32], strides = [1, 1]} : vector<512x1600xf32> to vector<512x32xf32>
    %add3A_698 = arith.addf %add3A_696, %slice3A_697 : vector<512x32xf32>
    %slice3A_699 = vector.extract_strided_slice %get3A_660 {offsets = [0, 640], sizes = [512, 32], strides = [1, 1]} : vector<512x1600xf32> to vector<512x32xf32>
    %add3A_700 = arith.addf %add3A_698, %slice3A_699 : vector<512x32xf32>
    %slice3A_701 = vector.extract_strided_slice %get3A_660 {offsets = [0, 672], sizes = [512, 32], strides = [1, 1]} : vector<512x1600xf32> to vector<512x32xf32>
    %add3A_702 = arith.addf %add3A_700, %slice3A_701 : vector<512x32xf32>
    %slice3A_703 = vector.extract_strided_slice %get3A_660 {offsets = [0, 704], sizes = [512, 32], strides = [1, 1]} : vector<512x1600xf32> to vector<512x32xf32>
    %add3A_704 = arith.addf %add3A_702, %slice3A_703 : vector<512x32xf32>
    %slice3A_705 = vector.extract_strided_slice %get3A_660 {offsets = [0, 736], sizes = [512, 32], strides = [1, 1]} : vector<512x1600xf32> to vector<512x32xf32>
    %add3A_706 = arith.addf %add3A_704, %slice3A_705 : vector<512x32xf32>
    %slice3A_707 = vector.extract_strided_slice %get3A_660 {offsets = [0, 768], sizes = [512, 32], strides = [1, 1]} : vector<512x1600xf32> to vector<512x32xf32>
    %add3A_708 = arith.addf %add3A_706, %slice3A_707 : vector<512x32xf32>
    %slice3A_709 = vector.extract_strided_slice %get3A_660 {offsets = [0, 800], sizes = [512, 32], strides = [1, 1]} : vector<512x1600xf32> to vector<512x32xf32>
    %add3A_710 = arith.addf %add3A_708, %slice3A_709 : vector<512x32xf32>
    %slice3A_711 = vector.extract_strided_slice %get3A_660 {offsets = [0, 832], sizes = [512, 32], strides = [1, 1]} : vector<512x1600xf32> to vector<512x32xf32>
    %add3A_712 = arith.addf %add3A_710, %slice3A_711 : vector<512x32xf32>
    %slice3A_713 = vector.extract_strided_slice %get3A_660 {offsets = [0, 864], sizes = [512, 32], strides = [1, 1]} : vector<512x1600xf32> to vector<512x32xf32>
    %add3A_714 = arith.addf %add3A_712, %slice3A_713 : vector<512x32xf32>
    %slice3A_715 = vector.extract_strided_slice %get3A_660 {offsets = [0, 896], sizes = [512, 32], strides = [1, 1]} : vector<512x1600xf32> to vector<512x32xf32>
    %add3A_716 = arith.addf %add3A_714, %slice3A_715 : vector<512x32xf32>
    %slice3A_717 = vector.extract_strided_slice %get3A_660 {offsets = [0, 928], sizes = [512, 32], strides = [1, 1]} : vector<512x1600xf32> to vector<512x32xf32>
    %add3A_718 = arith.addf %add3A_716, %slice3A_717 : vector<512x32xf32>
    %slice3A_719 = vector.extract_strided_slice %get3A_660 {offsets = [0, 960], sizes = [512, 32], strides = [1, 1]} : vector<512x1600xf32> to vector<512x32xf32>
    %add3A_720 = arith.addf %add3A_718, %slice3A_719 : vector<512x32xf32>
    %slice3A_721 = vector.extract_strided_slice %get3A_660 {offsets = [0, 992], sizes = [512, 32], strides = [1, 1]} : vector<512x1600xf32> to vector<512x32xf32>
    %add3A_722 = arith.addf %add3A_720, %slice3A_721 : vector<512x32xf32>
    %slice3A_723 = vector.extract_strided_slice %get3A_660 {offsets = [0, 1024], sizes = [512, 32], strides = [1, 1]} : vector<512x1600xf32> to vector<512x32xf32>
    %add3A_724 = arith.addf %add3A_722, %slice3A_723 : vector<512x32xf32>
    %slice3A_725 = vector.extract_strided_slice %get3A_660 {offsets = [0, 1056], sizes = [512, 32], strides = [1, 1]} : vector<512x1600xf32> to vector<512x32xf32>
    %add3A_726 = arith.addf %add3A_724, %slice3A_725 : vector<512x32xf32>
    %slice3A_727 = vector.extract_strided_slice %get3A_660 {offsets = [0, 1088], sizes = [512, 32], strides = [1, 1]} : vector<512x1600xf32> to vector<512x32xf32>
    %add3A_728 = arith.addf %add3A_726, %slice3A_727 : vector<512x32xf32>
    %slice3A_729 = vector.extract_strided_slice %get3A_660 {offsets = [0, 1120], sizes = [512, 32], strides = [1, 1]} : vector<512x1600xf32> to vector<512x32xf32>
    %add3A_730 = arith.addf %add3A_728, %slice3A_729 : vector<512x32xf32>
    %slice3A_731 = vector.extract_strided_slice %get3A_660 {offsets = [0, 1152], sizes = [512, 32], strides = [1, 1]} : vector<512x1600xf32> to vector<512x32xf32>
    %add3A_732 = arith.addf %add3A_730, %slice3A_731 : vector<512x32xf32>
    %slice3A_733 = vector.extract_strided_slice %get3A_660 {offsets = [0, 1184], sizes = [512, 32], strides = [1, 1]} : vector<512x1600xf32> to vector<512x32xf32>
    %add3A_734 = arith.addf %add3A_732, %slice3A_733 : vector<512x32xf32>
    %slice3A_735 = vector.extract_strided_slice %get3A_660 {offsets = [0, 1216], sizes = [512, 32], strides = [1, 1]} : vector<512x1600xf32> to vector<512x32xf32>
    %add3A_736 = arith.addf %add3A_734, %slice3A_735 : vector<512x32xf32>
    %slice3A_737 = vector.extract_strided_slice %get3A_660 {offsets = [0, 1248], sizes = [512, 32], strides = [1, 1]} : vector<512x1600xf32> to vector<512x32xf32>
    %add3A_738 = arith.addf %add3A_736, %slice3A_737 : vector<512x32xf32>
    %slice3A_739 = vector.extract_strided_slice %get3A_660 {offsets = [0, 1280], sizes = [512, 32], strides = [1, 1]} : vector<512x1600xf32> to vector<512x32xf32>
    %add3A_740 = arith.addf %add3A_738, %slice3A_739 : vector<512x32xf32>
    %slice3A_741 = vector.extract_strided_slice %get3A_660 {offsets = [0, 1312], sizes = [512, 32], strides = [1, 1]} : vector<512x1600xf32> to vector<512x32xf32>
    %add3A_742 = arith.addf %add3A_740, %slice3A_741 : vector<512x32xf32>
    %slice3A_743 = vector.extract_strided_slice %get3A_660 {offsets = [0, 1344], sizes = [512, 32], strides = [1, 1]} : vector<512x1600xf32> to vector<512x32xf32>
    %add3A_744 = arith.addf %add3A_742, %slice3A_743 : vector<512x32xf32>
    %slice3A_745 = vector.extract_strided_slice %get3A_660 {offsets = [0, 1376], sizes = [512, 32], strides = [1, 1]} : vector<512x1600xf32> to vector<512x32xf32>
    %add3A_746 = arith.addf %add3A_744, %slice3A_745 : vector<512x32xf32>
    %slice3A_747 = vector.extract_strided_slice %get3A_660 {offsets = [0, 1408], sizes = [512, 32], strides = [1, 1]} : vector<512x1600xf32> to vector<512x32xf32>
    %add3A_748 = arith.addf %add3A_746, %slice3A_747 : vector<512x32xf32>
    %slice3A_749 = vector.extract_strided_slice %get3A_660 {offsets = [0, 1440], sizes = [512, 32], strides = [1, 1]} : vector<512x1600xf32> to vector<512x32xf32>
    %add3A_750 = arith.addf %add3A_748, %slice3A_749 : vector<512x32xf32>
    %slice3A_751 = vector.extract_strided_slice %get3A_660 {offsets = [0, 1472], sizes = [512, 32], strides = [1, 1]} : vector<512x1600xf32> to vector<512x32xf32>
    %add3A_752 = arith.addf %add3A_750, %slice3A_751 : vector<512x32xf32>
    %slice3A_753 = vector.extract_strided_slice %get3A_660 {offsets = [0, 1504], sizes = [512, 32], strides = [1, 1]} : vector<512x1600xf32> to vector<512x32xf32>
    %add3A_754 = arith.addf %add3A_752, %slice3A_753 : vector<512x32xf32>
    %slice3A_755 = vector.extract_strided_slice %get3A_660 {offsets = [0, 1536], sizes = [512, 32], strides = [1, 1]} : vector<512x1600xf32> to vector<512x32xf32>
    %add3A_756 = arith.addf %add3A_754, %slice3A_755 : vector<512x32xf32>
    %slice3A_757 = vector.extract_strided_slice %get3A_660 {offsets = [0, 1568], sizes = [512, 32], strides = [1, 1]} : vector<512x1600xf32> to vector<512x32xf32>
    %add3A_758 = arith.addf %add3A_756, %slice3A_757 : vector<512x32xf32>
    %get3A_759 = arith.constant 0 : index
    %get3A_760 = arith.constant 0 : index
    %get3A_761 = vector.load %arg6[%get3A_759, %get3A_760] : memref<512x640xf32, #tpu.memory_space<vmem>>, vector<512x640xf32>
    %slice3A_762 = vector.extract_strided_slice %get3A_761 {offsets = [0, 0], sizes = [512, 32], strides = [1, 1]} : vector<512x640xf32> to vector<512x32xf32>
    %slice3A_763 = vector.extract_strided_slice %get3A_761 {offsets = [0, 32], sizes = [512, 32], strides = [1, 1]} : vector<512x640xf32> to vector<512x32xf32>
    %add3A_764 = arith.addf %slice3A_762, %slice3A_763 : vector<512x32xf32>
    %slice3A_765 = vector.extract_strided_slice %get3A_761 {offsets = [0, 64], sizes = [512, 32], strides = [1, 1]} : vector<512x640xf32> to vector<512x32xf32>
    %add3A_766 = arith.addf %add3A_764, %slice3A_765 : vector<512x32xf32>
    %slice3A_767 = vector.extract_strided_slice %get3A_761 {offsets = [0, 96], sizes = [512, 32], strides = [1, 1]} : vector<512x640xf32> to vector<512x32xf32>
    %add3A_768 = arith.addf %add3A_766, %slice3A_767 : vector<512x32xf32>
    %slice3A_769 = vector.extract_strided_slice %get3A_761 {offsets = [0, 128], sizes = [512, 32], strides = [1, 1]} : vector<512x640xf32> to vector<512x32xf32>
    %add3A_770 = arith.addf %add3A_768, %slice3A_769 : vector<512x32xf32>
    %slice3A_771 = vector.extract_strided_slice %get3A_761 {offsets = [0, 160], sizes = [512, 32], strides = [1, 1]} : vector<512x640xf32> to vector<512x32xf32>
    %add3A_772 = arith.addf %add3A_770, %slice3A_771 : vector<512x32xf32>
    %slice3A_773 = vector.extract_strided_slice %get3A_761 {offsets = [0, 192], sizes = [512, 32], strides = [1, 1]} : vector<512x640xf32> to vector<512x32xf32>
    %add3A_774 = arith.addf %add3A_772, %slice3A_773 : vector<512x32xf32>
    %slice3A_775 = vector.extract_strided_slice %get3A_761 {offsets = [0, 224], sizes = [512, 32], strides = [1, 1]} : vector<512x640xf32> to vector<512x32xf32>
    %add3A_776 = arith.addf %add3A_774, %slice3A_775 : vector<512x32xf32>
    %slice3A_777 = vector.extract_strided_slice %get3A_761 {offsets = [0, 256], sizes = [512, 32], strides = [1, 1]} : vector<512x640xf32> to vector<512x32xf32>
    %add3A_778 = arith.addf %add3A_776, %slice3A_777 : vector<512x32xf32>
    %slice3A_779 = vector.extract_strided_slice %get3A_761 {offsets = [0, 288], sizes = [512, 32], strides = [1, 1]} : vector<512x640xf32> to vector<512x32xf32>
    %add3A_780 = arith.addf %add3A_778, %slice3A_779 : vector<512x32xf32>
    %slice3A_781 = vector.extract_strided_slice %get3A_761 {offsets = [0, 320], sizes = [512, 32], strides = [1, 1]} : vector<512x640xf32> to vector<512x32xf32>
    %add3A_782 = arith.addf %add3A_780, %slice3A_781 : vector<512x32xf32>
    %slice3A_783 = vector.extract_strided_slice %get3A_761 {offsets = [0, 352], sizes = [512, 32], strides = [1, 1]} : vector<512x640xf32> to vector<512x32xf32>
    %add3A_784 = arith.addf %add3A_782, %slice3A_783 : vector<512x32xf32>
    %slice3A_785 = vector.extract_strided_slice %get3A_761 {offsets = [0, 384], sizes = [512, 32], strides = [1, 1]} : vector<512x640xf32> to vector<512x32xf32>
    %add3A_786 = arith.addf %add3A_784, %slice3A_785 : vector<512x32xf32>
    %slice3A_787 = vector.extract_strided_slice %get3A_761 {offsets = [0, 416], sizes = [512, 32], strides = [1, 1]} : vector<512x640xf32> to vector<512x32xf32>
    %add3A_788 = arith.addf %add3A_786, %slice3A_787 : vector<512x32xf32>
    %slice3A_789 = vector.extract_strided_slice %get3A_761 {offsets = [0, 448], sizes = [512, 32], strides = [1, 1]} : vector<512x640xf32> to vector<512x32xf32>
    %add3A_790 = arith.addf %add3A_788, %slice3A_789 : vector<512x32xf32>
    %slice3A_791 = vector.extract_strided_slice %get3A_761 {offsets = [0, 480], sizes = [512, 32], strides = [1, 1]} : vector<512x640xf32> to vector<512x32xf32>
    %add3A_792 = arith.addf %add3A_790, %slice3A_791 : vector<512x32xf32>
    %slice3A_793 = vector.extract_strided_slice %get3A_761 {offsets = [0, 512], sizes = [512, 32], strides = [1, 1]} : vector<512x640xf32> to vector<512x32xf32>
    %add3A_794 = arith.addf %add3A_792, %slice3A_793 : vector<512x32xf32>
    %slice3A_795 = vector.extract_strided_slice %get3A_761 {offsets = [0, 544], sizes = [512, 32], strides = [1, 1]} : vector<512x640xf32> to vector<512x32xf32>
    %add3A_796 = arith.addf %add3A_794, %slice3A_795 : vector<512x32xf32>
    %slice3A_797 = vector.extract_strided_slice %get3A_761 {offsets = [0, 576], sizes = [512, 32], strides = [1, 1]} : vector<512x640xf32> to vector<512x32xf32>
    %add3A_798 = arith.addf %add3A_796, %slice3A_797 : vector<512x32xf32>
    %slice3A_799 = vector.extract_strided_slice %get3A_761 {offsets = [0, 608], sizes = [512, 32], strides = [1, 1]} : vector<512x640xf32> to vector<512x32xf32>
    %add3A_800 = arith.addf %add3A_798, %slice3A_799 : vector<512x32xf32>
    %get3A_801 = arith.constant 0 : index
    %get3A_802 = arith.constant 0 : index
    %get3A_803 = vector.load %arg61[%get3A_801, %get3A_802] : memref<32x32xf32, #tpu.memory_space<vmem>>, vector<32x32xf32>
    %convert_element_type3A_804 = arith.truncf %get3A_803 : vector<32x32xf32> to vector<32x32xbf16>
    %convert_element_type3A_805 = arith.extf %convert_element_type3A_804 : vector<32x32xbf16> to vector<32x32xf32>
    %sub3A_806 = arith.subf %get3A_803, %convert_element_type3A_805 : vector<32x32xf32>
    %convert_element_type3A_807 = arith.truncf %sub3A_806 : vector<32x32xf32> to vector<32x32xbf16>
    %convert_element_type3A_808 = arith.truncf %add3A_758 : vector<512x32xf32> to vector<512x32xbf16>
    %dot_general3A_809 = arith.constant dense<0.000000e+00> : vector<512x32xf32>
    %dot_general3A_810 = tpu.matmul %convert_element_type3A_808, %convert_element_type3A_804, %dot_general3A_809 {dimension_numbers = #tpu.dot_dimension_numbers<[1], [0], [0], [1], [0, 0, 1, 1], [], []>, transpose_lhs_hint = false} : vector<512x32xbf16>, vector<32x32xbf16>, vector<512x32xf32> -> vector<512x32xf32>
    %dot_general3A_811 = arith.constant dense<0.000000e+00> : vector<512x32xf32>
    %dot_general3A_812 = tpu.matmul %convert_element_type3A_808, %convert_element_type3A_807, %dot_general3A_811 {dimension_numbers = #tpu.dot_dimension_numbers<[1], [0], [0], [1], [0, 0, 1, 1], [], []>, transpose_lhs_hint = false} : vector<512x32xbf16>, vector<32x32xbf16>, vector<512x32xf32> -> vector<512x32xf32>
    %add3A_813 = arith.addf %dot_general3A_810, %dot_general3A_812 : vector<512x32xf32>
    %convert_element_type3A_814 = arith.extf %convert_element_type3A_808 : vector<512x32xbf16> to vector<512x32xf32>
    %sub3A_815 = arith.subf %add3A_758, %convert_element_type3A_814 : vector<512x32xf32>
    %convert_element_type3A_816 = arith.truncf %sub3A_815 : vector<512x32xf32> to vector<512x32xbf16>
    %dot_general3A_817 = arith.constant dense<0.000000e+00> : vector<512x32xf32>
    %dot_general3A_818 = tpu.matmul %convert_element_type3A_816, %convert_element_type3A_804, %dot_general3A_817 {dimension_numbers = #tpu.dot_dimension_numbers<[1], [0], [0], [1], [0, 0, 1, 1], [], []>, transpose_lhs_hint = false} : vector<512x32xbf16>, vector<32x32xbf16>, vector<512x32xf32> -> vector<512x32xf32>
    %add3A_819 = arith.addf %add3A_813, %dot_general3A_818 : vector<512x32xf32>
    %get3A_820 = arith.constant 0 : index
    %get3A_821 = arith.constant 0 : index
    %get3A_822 = vector.load %arg62[%get3A_820, %get3A_821] : memref<1x32xf32, #tpu.memory_space<vmem>>, vector<1x32xf32>
    %add3A_823 = vector.broadcast %get3A_822 : vector<1x32xf32> to vector<512x32xf32>
    %add3A_824 = arith.addf %add3A_819, %add3A_823 : vector<512x32xf32>
    %max3A_825 = arith.constant 0.000000e+00 : f32
    %max3A_826 = vector.broadcast %max3A_825 : f32 to vector<512x32xf32>
    %max3A_827 = arith.maximumf %add3A_824, %max3A_826 : vector<512x32xf32>
    %get3A_828 = arith.constant 0 : index
    %get3A_829 = arith.constant 0 : index
    %get3A_830 = vector.load %arg63[%get3A_828, %get3A_829] : memref<32x32xf32, #tpu.memory_space<vmem>>, vector<32x32xf32>
    %convert_element_type3A_831 = arith.truncf %get3A_830 : vector<32x32xf32> to vector<32x32xbf16>
    %convert_element_type3A_832 = arith.extf %convert_element_type3A_831 : vector<32x32xbf16> to vector<32x32xf32>
    %sub3A_833 = arith.subf %get3A_830, %convert_element_type3A_832 : vector<32x32xf32>
    %convert_element_type3A_834 = arith.truncf %sub3A_833 : vector<32x32xf32> to vector<32x32xbf16>
    %convert_element_type3A_835 = arith.truncf %add3A_800 : vector<512x32xf32> to vector<512x32xbf16>
    %dot_general3A_836 = arith.constant dense<0.000000e+00> : vector<512x32xf32>
    %dot_general3A_837 = tpu.matmul %convert_element_type3A_835, %convert_element_type3A_831, %dot_general3A_836 {dimension_numbers = #tpu.dot_dimension_numbers<[1], [0], [0], [1], [0, 0, 1, 1], [], []>, transpose_lhs_hint = false} : vector<512x32xbf16>, vector<32x32xbf16>, vector<512x32xf32> -> vector<512x32xf32>
    %dot_general3A_838 = arith.constant dense<0.000000e+00> : vector<512x32xf32>
    %dot_general3A_839 = tpu.matmul %convert_element_type3A_835, %convert_element_type3A_834, %dot_general3A_838 {dimension_numbers = #tpu.dot_dimension_numbers<[1], [0], [0], [1], [0, 0, 1, 1], [], []>, transpose_lhs_hint = false} : vector<512x32xbf16>, vector<32x32xbf16>, vector<512x32xf32> -> vector<512x32xf32>
    %add3A_840 = arith.addf %dot_general3A_837, %dot_general3A_839 : vector<512x32xf32>
    %convert_element_type3A_841 = arith.extf %convert_element_type3A_835 : vector<512x32xbf16> to vector<512x32xf32>
    %sub3A_842 = arith.subf %add3A_800, %convert_element_type3A_841 : vector<512x32xf32>
    %convert_element_type3A_843 = arith.truncf %sub3A_842 : vector<512x32xf32> to vector<512x32xbf16>
    %dot_general3A_844 = arith.constant dense<0.000000e+00> : vector<512x32xf32>
    %dot_general3A_845 = tpu.matmul %convert_element_type3A_843, %convert_element_type3A_831, %dot_general3A_844 {dimension_numbers = #tpu.dot_dimension_numbers<[1], [0], [0], [1], [0, 0, 1, 1], [], []>, transpose_lhs_hint = false} : vector<512x32xbf16>, vector<32x32xbf16>, vector<512x32xf32> -> vector<512x32xf32>
    %add3A_846 = arith.addf %add3A_840, %dot_general3A_845 : vector<512x32xf32>
    %get3A_847 = arith.constant 0 : index
    %get3A_848 = arith.constant 0 : index
    %get3A_849 = vector.load %arg64[%get3A_847, %get3A_848] : memref<1x32xf32, #tpu.memory_space<vmem>>, vector<1x32xf32>
    %add3A_850 = vector.broadcast %get3A_849 : vector<1x32xf32> to vector<512x32xf32>
    %add3A_851 = arith.addf %add3A_846, %add3A_850 : vector<512x32xf32>
    %max3A_852 = arith.constant 0.000000e+00 : f32
    %max3A_853 = vector.broadcast %max3A_852 : f32 to vector<512x32xf32>
    %max3A_854 = arith.maximumf %add3A_851, %max3A_853 : vector<512x32xf32>
    %concatenate3A_855 = tpu.concatenate %max3A_23, %add3A_69, %add3A_117, %add3A_165, %add3A_213, %max3A_423, %add3A_261, %max3A_453, %max3A_483, %max3A_513, %add3A_561, %add3A_609, %add3A_657, %max3A_827, %max3A_854 in 1 : vector<512x32xf32>, vector<512x32xf32>, vector<512x32xf32>, vector<512x32xf32>, vector<512x32xf32>, vector<512x32xf32>, vector<512x32xf32>, vector<512x32xf32>, vector<512x32xf32>, vector<512x32xf32>, vector<512x32xf32>, vector<512x32xf32>, vector<512x32xf32>, vector<512x32xf32>, vector<512x32xf32> -> vector<512x480xf32>
    %swap3A = arith.constant 0 : index
    %swap3A_856 = arith.constant 0 : index
    %swap3A_857 = vector.load %arg65[%swap3A, %swap3A_856] : memref<512x480xf32, #tpu.memory_space<vmem>>, vector<512x480xf32>
    tpu.vector_store %arg65[%swap3A, %swap3A_856], %concatenate3A_855 {strides = array<i32>} : memref<512x480xf32, #tpu.memory_space<vmem>>, vector<512x480xf32>,
    %reduce_sum3A = arith.constant dense<0.000000e+00> : vector<480xf32>
    %reduce_sum3A_858 = vector.multi_reduction <add>, %concatenate3A_855, %reduce_sum3A [0] : vector<512x480xf32> to vector<480xf32>
    %broadcast_in_dim3A = vector.shape_cast %reduce_sum3A_858 : vector<480xf32> to vector<1x480xf32>
    %mul3A = arith.mulf %concatenate3A_855, %concatenate3A_855 : vector<512x480xf32>
    %reduce_sum3A_859 = arith.constant dense<0.000000e+00> : vector<480xf32>
    %reduce_sum3A_860 = vector.multi_reduction <add>, %mul3A, %reduce_sum3A_859 [0] : vector<512x480xf32> to vector<480xf32>
    %broadcast_in_dim3A_861 = vector.shape_cast %reduce_sum3A_860 : vector<480xf32> to vector<1x480xf32>
    %concatenate3A_862 = tpu.concatenate %broadcast_in_dim3A, %broadcast_in_dim3A_861 in 0 : vector<1x480xf32>, vector<1x480xf32> -> vector<2x480xf32>
    %eq3A_863 = arith.constant 0 : i32
    %eq3A_864 = arith.cmpi eq, %arg0, %eq3A_863 : i32
    %convert_element_type3A_865 = arith.extui %eq3A_864 : i1 to i32
    %cond3A = arith.constant 0 : i32
    %cond3A_866 = arith.cmpi ne, %convert_element_type3A_865, %cond3A : i32
    scf.if %cond3A_866 {
      %swap3A_871 = arith.constant 0 : index
      %swap3A_872 = arith.constant 0 : index
      %swap3A_873 = vector.load %arg66[%swap3A_871, %swap3A_872] : memref<2x480xf32, #tpu.memory_space<vmem>>, vector<2x480xf32>
      tpu.vector_store %arg66[%swap3A_871, %swap3A_872], %concatenate3A_862 {strides = array<i32>} : memref<2x480xf32, #tpu.memory_space<vmem>>, vector<2x480xf32>,
    } else {
    }
    %ne3A = arith.constant 0 : i32
    %ne3A_867 = arith.cmpi ne, %arg0, %ne3A : i32
    %convert_element_type3A_868 = arith.extui %ne3A_867 : i1 to i32
    %cond3A_869 = arith.constant 0 : i32
    %cond3A_870 = arith.cmpi ne, %convert_element_type3A_868, %cond3A_869 : i32
    scf.if %cond3A_870 {
      %get3A_871 = arith.constant 0 : index
      %get3A_872 = arith.constant 0 : index
      %get3A_873 = vector.load %arg66[%get3A_871, %get3A_872] : memref<2x480xf32, #tpu.memory_space<vmem>>, vector<2x480xf32>
      %add3A_874 = arith.addf %get3A_873, %concatenate3A_862 : vector<2x480xf32>
      %swap3A_875 = arith.constant 0 : index
      %swap3A_876 = arith.constant 0 : index
      %swap3A_877 = vector.load %arg66[%swap3A_875, %swap3A_876] : memref<2x480xf32, #tpu.memory_space<vmem>>, vector<2x480xf32>
      tpu.vector_store %arg66[%swap3A_875, %swap3A_876], %add3A_874 {strides = array<i32>} : memref<2x480xf32, #tpu.memory_space<vmem>>, vector<2x480xf32>,
    } else {
    }
    return
  }
  func.func @transform_0(%arg0: i32) -> (i32, i32) {
    %c0_i32 = arith.constant 0 : i32
    %c0_i32_0 = arith.constant 0 : i32
    return %arg0, %c0_i32 : i32, i32
  }
  func.func @transform_1(%arg0: i32) -> (i32, i32) {
    %c0_i32 = arith.constant 0 : i32
    %c0_i32_0 = arith.constant 0 : i32
    return %arg0, %c0_i32 : i32, i32
  }
  func.func @transform_2(%arg0: i32) -> (i32, i32) {
    %c0_i32 = arith.constant 0 : i32
    %c0_i32_0 = arith.constant 0 : i32
    return %arg0, %c0_i32 : i32, i32
  }
  func.func @transform_3(%arg0: i32) -> (i32, i32) {
    %c0_i32 = arith.constant 0 : i32
    %c0_i32_0 = arith.constant 0 : i32
    return %arg0, %c0_i32 : i32, i32
  }
  func.func @transform_4(%arg0: i32) -> (i32, i32) {
    %c0_i32 = arith.constant 0 : i32
    %c0_i32_0 = arith.constant 0 : i32
    return %arg0, %c0_i32 : i32, i32
  }
  func.func @transform_5(%arg0: i32) -> (i32, i32) {
    %c0_i32 = arith.constant 0 : i32
    %c0_i32_0 = arith.constant 0 : i32
    return %arg0, %c0_i32 : i32, i32
  }
  func.func @transform_6(%arg0: i32) -> (i32, i32) {
    %c0_i32 = arith.constant 0 : i32
    %c0_i32_0 = arith.constant 0 : i32
    return %arg0, %c0_i32 : i32, i32
  }
  func.func @transform_7(%arg0: i32) -> (i32, i32) {
    %c0_i32 = arith.constant 0 : i32
    %c0_i32_0 = arith.constant 0 : i32
    return %arg0, %c0_i32 : i32, i32
  }
  func.func @transform_8(%arg0: i32) -> (i32, i32) {
    %c0_i32 = arith.constant 0 : i32
    %c0_i32_0 = arith.constant 0 : i32
    return %arg0, %c0_i32 : i32, i32
  }
  func.func @transform_9(%arg0: i32) -> (i32, i32) {
    %c0_i32 = arith.constant 0 : i32
    %c0_i32_0 = arith.constant 0 : i32
    return %arg0, %c0_i32 : i32, i32
  }
  func.func @transform_10(%arg0: i32) -> (i32, i32) {
    %c0_i32 = arith.constant 0 : i32
    %c0_i32_0 = arith.constant 0 : i32
    return %arg0, %c0_i32 : i32, i32
  }
  func.func @transform_11(%arg0: i32) -> (i32, i32) {
    %c0_i32 = arith.constant 0 : i32
    %c0_i32_0 = arith.constant 0 : i32
    return %arg0, %c0_i32 : i32, i32
  }
  func.func @transform_12(%arg0: i32) -> (i32, i32) {
    %c0_i32 = arith.constant 0 : i32
    %c0_i32_0 = arith.constant 0 : i32
    return %arg0, %c0_i32 : i32, i32
  }
  func.func @transform_13(%arg0: i32) -> (i32, i32) {
    %c0_i32 = arith.constant 0 : i32
    %c0_i32_0 = arith.constant 0 : i32
    return %arg0, %c0_i32 : i32, i32
  }
  func.func @transform_14(%arg0: i32) -> (i32, i32) {
    %c0_i32 = arith.constant 0 : i32
    %c0_i32_0 = arith.constant 0 : i32
    return %arg0, %c0_i32 : i32, i32
  }
  func.func @transform_15(%arg0: i32) -> (i32, i32) {
    %c0_i32 = arith.constant 0 : i32
    %c0_i32_0 = arith.constant 0 : i32
    return %arg0, %c0_i32 : i32, i32
  }
  func.func @transform_16(%arg0: i32) -> (i32, i32) {
    %c0_i32 = arith.constant 0 : i32
    %c0_i32_0 = arith.constant 0 : i32
    return %arg0, %c0_i32 : i32, i32
  }
  func.func @transform_17(%arg0: i32) -> (i32, i32) {
    %c0_i32 = arith.constant 0 : i32
    %c0_i32_0 = arith.constant 0 : i32
    %c0_i32_1 = arith.constant 0 : i32
    return %c0_i32, %c0_i32_0 : i32, i32
  }
  func.func @transform_18(%arg0: i32) -> (i32, i32) {
    %c0_i32 = arith.constant 0 : i32
    %c0_i32_0 = arith.constant 0 : i32
    %c0_i32_1 = arith.constant 0 : i32
    return %c0_i32, %c0_i32_0 : i32, i32
  }
  func.func @transform_19(%arg0: i32) -> (i32, i32) {
    %c0_i32 = arith.constant 0 : i32
    %c0_i32_0 = arith.constant 0 : i32
    %c0_i32_1 = arith.constant 0 : i32
    return %c0_i32, %c0_i32_0 : i32, i32
  }
  func.func @transform_20(%arg0: i32) -> (i32, i32) {
    %c0_i32 = arith.constant 0 : i32
    %c0_i32_0 = arith.constant 0 : i32
    %c0_i32_1 = arith.constant 0 : i32
    return %c0_i32, %c0_i32_0 : i32, i32
  }
  func.func @transform_21(%arg0: i32) -> (i32, i32) {
    %c0_i32 = arith.constant 0 : i32
    %c0_i32_0 = arith.constant 0 : i32
    %c0_i32_1 = arith.constant 0 : i32
    return %c0_i32, %c0_i32_0 : i32, i32
  }
  func.func @transform_22(%arg0: i32) -> (i32, i32) {
    %c0_i32 = arith.constant 0 : i32
    %c0_i32_0 = arith.constant 0 : i32
    %c0_i32_1 = arith.constant 0 : i32
    return %c0_i32, %c0_i32_0 : i32, i32
  }
  func.func @transform_23(%arg0: i32) -> (i32, i32) {
    %c0_i32 = arith.constant 0 : i32
    %c0_i32_0 = arith.constant 0 : i32
    %c0_i32_1 = arith.constant 0 : i32
    return %c0_i32, %c0_i32_0 : i32, i32
  }
  func.func @transform_24(%arg0: i32) -> (i32, i32) {
    %c0_i32 = arith.constant 0 : i32
    %c0_i32_0 = arith.constant 0 : i32
    %c0_i32_1 = arith.constant 0 : i32
    return %c0_i32, %c0_i32_0 : i32, i32
  }
  func.func @transform_25(%arg0: i32) -> (i32, i32) {
    %c0_i32 = arith.constant 0 : i32
    %c0_i32_0 = arith.constant 0 : i32
    %c0_i32_1 = arith.constant 0 : i32
    return %c0_i32, %c0_i32_0 : i32, i32
  }
  func.func @transform_26(%arg0: i32) -> (i32, i32) {
    %c0_i32 = arith.constant 0 : i32
    %c0_i32_0 = arith.constant 0 : i32
    %c0_i32_1 = arith.constant 0 : i32
    return %c0_i32, %c0_i32_0 : i32, i32
  }
  func.func @transform_27(%arg0: i32) -> (i32, i32) {
    %c0_i32 = arith.constant 0 : i32
    %c0_i32_0 = arith.constant 0 : i32
    %c0_i32_1 = arith.constant 0 : i32
    return %c0_i32, %c0_i32_0 : i32, i32
  }
  func.func @transform_28(%arg0: i32) -> (i32, i32) {
    %c0_i32 = arith.constant 0 : i32
    %c0_i32_0 = arith.constant 0 : i32
    %c0_i32_1 = arith.constant 0 : i32
    return %c0_i32, %c0_i32_0 : i32, i32
  }
  func.func @transform_29(%arg0: i32) -> (i32, i32) {
    %c0_i32 = arith.constant 0 : i32
    %c0_i32_0 = arith.constant 0 : i32
    %c0_i32_1 = arith.constant 0 : i32
    return %c0_i32, %c0_i32_0 : i32, i32
  }
  func.func @transform_30(%arg0: i32) -> (i32, i32) {
    %c0_i32 = arith.constant 0 : i32
    %c0_i32_0 = arith.constant 0 : i32
    %c0_i32_1 = arith.constant 0 : i32
    return %c0_i32, %c0_i32_0 : i32, i32
  }
  func.func @transform_31(%arg0: i32) -> (i32, i32) {
    %c0_i32 = arith.constant 0 : i32
    %c0_i32_0 = arith.constant 0 : i32
    %c0_i32_1 = arith.constant 0 : i32
    return %c0_i32, %c0_i32_0 : i32, i32
  }
  func.func @transform_32(%arg0: i32) -> (i32, i32) {
    %c0_i32 = arith.constant 0 : i32
    %c0_i32_0 = arith.constant 0 : i32
    %c0_i32_1 = arith.constant 0 : i32
    return %c0_i32, %c0_i32_0 : i32, i32
  }
  func.func @transform_33(%arg0: i32) -> (i32, i32) {
    %c0_i32 = arith.constant 0 : i32
    %c0_i32_0 = arith.constant 0 : i32
    %c0_i32_1 = arith.constant 0 : i32
    return %c0_i32, %c0_i32_0 : i32, i32
  }
  func.func @transform_34(%arg0: i32) -> (i32, i32) {
    %c0_i32 = arith.constant 0 : i32
    %c0_i32_0 = arith.constant 0 : i32
    %c0_i32_1 = arith.constant 0 : i32
    return %c0_i32, %c0_i32_0 : i32, i32
  }
  func.func @transform_35(%arg0: i32) -> (i32, i32) {
    %c0_i32 = arith.constant 0 : i32
    %c0_i32_0 = arith.constant 0 : i32
    %c0_i32_1 = arith.constant 0 : i32
    return %c0_i32, %c0_i32_0 : i32, i32
  }
  func.func @transform_36(%arg0: i32) -> (i32, i32) {
    %c0_i32 = arith.constant 0 : i32
    %c0_i32_0 = arith.constant 0 : i32
    %c0_i32_1 = arith.constant 0 : i32
    return %c0_i32, %c0_i32_0 : i32, i32
  }
  func.func @transform_37(%arg0: i32) -> (i32, i32) {
    %c0_i32 = arith.constant 0 : i32
    %c0_i32_0 = arith.constant 0 : i32
    %c0_i32_1 = arith.constant 0 : i32
    return %c0_i32, %c0_i32_0 : i32, i32
  }
  func.func @transform_38(%arg0: i32) -> (i32, i32) {
    %c0_i32 = arith.constant 0 : i32
    %c0_i32_0 = arith.constant 0 : i32
    %c0_i32_1 = arith.constant 0 : i32
    return %c0_i32, %c0_i32_0 : i32, i32
  }
  func.func @transform_39(%arg0: i32) -> (i32, i32) {
    %c0_i32 = arith.constant 0 : i32
    %c0_i32_0 = arith.constant 0 : i32
    %c0_i32_1 = arith.constant 0 : i32
    return %c0_i32, %c0_i32_0 : i32, i32
  }
  func.func @transform_40(%arg0: i32) -> (i32, i32) {
    %c0_i32 = arith.constant 0 : i32
    %c0_i32_0 = arith.constant 0 : i32
    %c0_i32_1 = arith.constant 0 : i32
    return %c0_i32, %c0_i32_0 : i32, i32
  }
  func.func @transform_41(%arg0: i32) -> (i32, i32) {
    %c0_i32 = arith.constant 0 : i32
    %c0_i32_0 = arith.constant 0 : i32
    %c0_i32_1 = arith.constant 0 : i32
    return %c0_i32, %c0_i32_0 : i32, i32
  }
  func.func @transform_42(%arg0: i32) -> (i32, i32) {
    %c0_i32 = arith.constant 0 : i32
    %c0_i32_0 = arith.constant 0 : i32
    %c0_i32_1 = arith.constant 0 : i32
    return %c0_i32, %c0_i32_0 : i32, i32
  }
  func.func @transform_43(%arg0: i32) -> (i32, i32) {
    %c0_i32 = arith.constant 0 : i32
    %c0_i32_0 = arith.constant 0 : i32
    %c0_i32_1 = arith.constant 0 : i32
    return %c0_i32, %c0_i32_0 : i32, i32
  }
  func.func @transform_44(%arg0: i32) -> (i32, i32) {
    %c0_i32 = arith.constant 0 : i32
    %c0_i32_0 = arith.constant 0 : i32
    %c0_i32_1 = arith.constant 0 : i32
    return %c0_i32, %c0_i32_0 : i32, i32
  }
  func.func @transform_45(%arg0: i32) -> (i32, i32) {
    %c0_i32 = arith.constant 0 : i32
    %c0_i32_0 = arith.constant 0 : i32
    %c0_i32_1 = arith.constant 0 : i32
    return %c0_i32, %c0_i32_0 : i32, i32
  }
  func.func @transform_46(%arg0: i32) -> (i32, i32) {
    %c0_i32 = arith.constant 0 : i32
    %c0_i32_0 = arith.constant 0 : i32
    %c0_i32_1 = arith.constant 0 : i32
    return %c0_i32, %c0_i32_0 : i32, i32
  }
  func.func @transform_47(%arg0: i32) -> (i32, i32) {
    %c0_i32 = arith.constant 0 : i32
    %c0_i32_0 = arith.constant 0 : i32
    %c0_i32_1 = arith.constant 0 : i32
    return %c0_i32, %c0_i32_0 : i32, i32
  }
  func.func @transform_48(%arg0: i32) -> (i32, i32) {
    %c0_i32 = arith.constant 0 : i32
    %c0_i32_0 = arith.constant 0 : i32
    %c0_i32_1 = arith.constant 0 : i32
    return %c0_i32, %c0_i32_0 : i32, i32
  }
  func.func @transform_49(%arg0: i32) -> (i32, i32) {
    %c0_i32 = arith.constant 0 : i32
    %c0_i32_0 = arith.constant 0 : i32
    %c0_i32_1 = arith.constant 0 : i32
    return %c0_i32, %c0_i32_0 : i32, i32
  }
  func.func @transform_50(%arg0: i32) -> (i32, i32) {
    %c0_i32 = arith.constant 0 : i32
    %c0_i32_0 = arith.constant 0 : i32
    %c0_i32_1 = arith.constant 0 : i32
    return %c0_i32, %c0_i32_0 : i32, i32
  }
  func.func @transform_51(%arg0: i32) -> (i32, i32) {
    %c0_i32 = arith.constant 0 : i32
    %c0_i32_0 = arith.constant 0 : i32
    %c0_i32_1 = arith.constant 0 : i32
    return %c0_i32, %c0_i32_0 : i32, i32
  }
  func.func @transform_52(%arg0: i32) -> (i32, i32) {
    %c0_i32 = arith.constant 0 : i32
    %c0_i32_0 = arith.constant 0 : i32
    %c0_i32_1 = arith.constant 0 : i32
    return %c0_i32, %c0_i32_0 : i32, i32
  }
  func.func @transform_53(%arg0: i32) -> (i32, i32) {
    %c0_i32 = arith.constant 0 : i32
    %c0_i32_0 = arith.constant 0 : i32
    %c0_i32_1 = arith.constant 0 : i32
    return %c0_i32, %c0_i32_0 : i32, i32
  }
  func.func @transform_54(%arg0: i32) -> (i32, i32) {
    %c0_i32 = arith.constant 0 : i32
    %c0_i32_0 = arith.constant 0 : i32
    %c0_i32_1 = arith.constant 0 : i32
    return %c0_i32, %c0_i32_0 : i32, i32
  }
  func.func @transform_55(%arg0: i32) -> (i32, i32) {
    %c0_i32 = arith.constant 0 : i32
    %c0_i32_0 = arith.constant 0 : i32
    %c0_i32_1 = arith.constant 0 : i32
    return %c0_i32, %c0_i32_0 : i32, i32
  }
  func.func @transform_56(%arg0: i32) -> (i32, i32) {
    %c0_i32 = arith.constant 0 : i32
    %c0_i32_0 = arith.constant 0 : i32
    %c0_i32_1 = arith.constant 0 : i32
    return %c0_i32, %c0_i32_0 : i32, i32
  }
  func.func @transform_57(%arg0: i32) -> (i32, i32) {
    %c0_i32 = arith.constant 0 : i32
    %c0_i32_0 = arith.constant 0 : i32
    %c0_i32_1 = arith.constant 0 : i32
    return %c0_i32, %c0_i32_0 : i32, i32
  }
  func.func @transform_58(%arg0: i32) -> (i32, i32) {
    %c0_i32 = arith.constant 0 : i32
    %c0_i32_0 = arith.constant 0 : i32
    %c0_i32_1 = arith.constant 0 : i32
    return %c0_i32, %c0_i32_0 : i32, i32
  }
  func.func @transform_59(%arg0: i32) -> (i32, i32) {
    %c0_i32 = arith.constant 0 : i32
    %c0_i32_0 = arith.constant 0 : i32
    %c0_i32_1 = arith.constant 0 : i32
    return %c0_i32, %c0_i32_0 : i32, i32
  }
  func.func @transform_60(%arg0: i32) -> (i32, i32) {
    %c0_i32 = arith.constant 0 : i32
    %c0_i32_0 = arith.constant 0 : i32
    %c0_i32_1 = arith.constant 0 : i32
    return %c0_i32, %c0_i32_0 : i32, i32
  }
  func.func @transform_61(%arg0: i32) -> (i32, i32) {
    %c0_i32 = arith.constant 0 : i32
    %c0_i32_0 = arith.constant 0 : i32
    %c0_i32_1 = arith.constant 0 : i32
    return %c0_i32, %c0_i32_0 : i32, i32
  }
  func.func @transform_62(%arg0: i32) -> (i32, i32) {
    %c0_i32 = arith.constant 0 : i32
    %c0_i32_0 = arith.constant 0 : i32
    %c0_i32_1 = arith.constant 0 : i32
    return %c0_i32, %c0_i32_0 : i32, i32
  }
  func.func @transform_63(%arg0: i32) -> (i32, i32) {
    %c0_i32 = arith.constant 0 : i32
    %c0_i32_0 = arith.constant 0 : i32
    %c0_i32_1 = arith.constant 0 : i32
    return %c0_i32, %c0_i32_0 : i32, i32
  }
  func.func @transform_64(%arg0: i32) -> (i32, i32) {
    %c0_i32 = arith.constant 0 : i32
    %c0_i32_0 = arith.constant 0 : i32
    return %arg0, %c0_i32 : i32, i32
  }
  func.func @transform_65(%arg0: i32) -> (i32, i32) {
    %c0_i32 = arith.constant 0 : i32
    %c0_i32_0 = arith.constant 0 : i32
    %c0_i32_1 = arith.constant 0 : i32
    return %c0_i32, %c0_i32_0 : i32, i32
  }
}

module attributes {stable_mosaic.version = 14 : i64} {
  func.func @_tc_b_body(%arg0: i32, %arg1: memref<512x480xf32, #tpu.memory_space<vmem>>, %arg2: memref<2x480xf32, #tpu.memory_space<vmem>>, %arg3: memref<480x16xf32, #tpu.memory_space<vmem>>, %arg4: memref<16x480xf32, #tpu.memory_space<vmem>>, %arg5: memref<1x480xf32, #tpu.memory_space<vmem>>, %arg6: memref<1x480xf32, #tpu.memory_space<vmem>>, %arg7: memref<480x200xf32, #tpu.memory_space<vmem>>, %arg8: memref<1x200xf32, #tpu.memory_space<vmem>>, %arg9: memref<480x200xf32, #tpu.memory_space<vmem>>, %arg10: memref<1x200xf32, #tpu.memory_space<vmem>>, %arg11: memref<512x200xf32, #tpu.memory_space<vmem>>, %arg12: memref<512x200xf32, #tpu.memory_space<vmem>>, %arg13: memref<512x1xf32, #tpu.memory_space<vmem>>) attributes {dimension_semantics = [#tpu.dimension_semantics<arbitrary>], iteration_bounds = array<i64: 8>, scalar_prefetch = 0 : i64, scratch_operands = 0 : i64, tpu.core_type = #tpu.core_type<tc>, window_params = [{transform_indices = @transform_0, window_bounds = array<i64: 512, 480>}, {pipeline_mode = #tpu.pipeline_mode<synchronous>, transform_indices = @transform_1, window_bounds = array<i64: 2, 480>}, {pipeline_mode = #tpu.pipeline_mode<synchronous>, transform_indices = @transform_2, window_bounds = array<i64: 480, 16>}, {pipeline_mode = #tpu.pipeline_mode<synchronous>, transform_indices = @transform_3, window_bounds = array<i64: 16, 480>}, {pipeline_mode = #tpu.pipeline_mode<synchronous>, transform_indices = @transform_4, window_bounds = array<i64: 1, 480>}, {pipeline_mode = #tpu.pipeline_mode<synchronous>, transform_indices = @transform_5, window_bounds = array<i64: 1, 480>}, {pipeline_mode = #tpu.pipeline_mode<synchronous>, transform_indices = @transform_6, window_bounds = array<i64: 480, 200>}, {pipeline_mode = #tpu.pipeline_mode<synchronous>, transform_indices = @transform_7, window_bounds = array<i64: 1, 200>}, {pipeline_mode = #tpu.pipeline_mode<synchronous>, transform_indices = @transform_8, window_bounds = array<i64: 480, 200>}, {pipeline_mode = #tpu.pipeline_mode<synchronous>, transform_indices = @transform_9, window_bounds = array<i64: 1, 200>}, {transform_indices = @transform_10, window_bounds = array<i64: 512, 200>}, {transform_indices = @transform_11, window_bounds = array<i64: 512, 200>}, {transform_indices = @transform_12, window_bounds = array<i64: 512, 1>}]} {
    %get3A = arith.constant 0 : index
    %get3A_0 = arith.constant 0 : index
    %get3A_1 = vector.load %arg2[%get3A, %get3A_0] : memref<2x480xf32, #tpu.memory_space<vmem>>, vector<2x480xf32>
    %get3A_2 = arith.constant 0 : index
    %get3A_3 = arith.constant 0 : index
    %get3A_4 = vector.load %arg3[%get3A_2, %get3A_3] : memref<480x16xf32, #tpu.memory_space<vmem>>, vector<480x16xf32>
    %convert_element_type3A = arith.truncf %get3A_4 : vector<480x16xf32> to vector<480x16xbf16>
    %convert_element_type3A_5 = arith.extf %convert_element_type3A : vector<480x16xbf16> to vector<480x16xf32>
    %sub3A = arith.subf %get3A_4, %convert_element_type3A_5 : vector<480x16xf32>
    %convert_element_type3A_6 = arith.truncf %sub3A : vector<480x16xf32> to vector<480x16xbf16>
    %convert_element_type3A_7 = arith.truncf %get3A_1 : vector<2x480xf32> to vector<2x480xbf16>
    %dot_general3A = arith.constant dense<0.000000e+00> : vector<2x16xf32>
    %dot_general3A_8 = tpu.matmul %convert_element_type3A_7, %convert_element_type3A, %dot_general3A {dimension_numbers = #tpu.dot_dimension_numbers<[1], [0], [0], [1], [0, 0, 1, 1], [], []>, transpose_lhs_hint = false} : vector<2x480xbf16>, vector<480x16xbf16>, vector<2x16xf32> -> vector<2x16xf32>
    %dot_general3A_9 = arith.constant dense<0.000000e+00> : vector<2x16xf32>
    %dot_general3A_10 = tpu.matmul %convert_element_type3A_7, %convert_element_type3A_6, %dot_general3A_9 {dimension_numbers = #tpu.dot_dimension_numbers<[1], [0], [0], [1], [0, 0, 1, 1], [], []>, transpose_lhs_hint = false} : vector<2x480xbf16>, vector<480x16xbf16>, vector<2x16xf32> -> vector<2x16xf32>
    %add3A = arith.addf %dot_general3A_8, %dot_general3A_10 : vector<2x16xf32>
    %convert_element_type3A_11 = arith.extf %convert_element_type3A_7 : vector<2x480xbf16> to vector<2x480xf32>
    %sub3A_12 = arith.subf %get3A_1, %convert_element_type3A_11 : vector<2x480xf32>
    %convert_element_type3A_13 = arith.truncf %sub3A_12 : vector<2x480xf32> to vector<2x480xbf16>
    %dot_general3A_14 = arith.constant dense<0.000000e+00> : vector<2x16xf32>
    %dot_general3A_15 = tpu.matmul %convert_element_type3A_13, %convert_element_type3A, %dot_general3A_14 {dimension_numbers = #tpu.dot_dimension_numbers<[1], [0], [0], [1], [0, 0, 1, 1], [], []>, transpose_lhs_hint = false} : vector<2x480xbf16>, vector<480x16xbf16>, vector<2x16xf32> -> vector<2x16xf32>
    %add3A_16 = arith.addf %add3A, %dot_general3A_15 : vector<2x16xf32>
    %slice3A = vector.extract_strided_slice %add3A_16 {offsets = [0, 0], sizes = [1, 16], strides = [1, 1]} : vector<2x16xf32> to vector<1x16xf32>
    %mul3A = arith.constant 7.62939453E-6 : f32
    %mul3A_17 = vector.broadcast %mul3A : f32 to vector<1x16xf32>
    %mul3A_18 = arith.mulf %slice3A, %mul3A_17 : vector<1x16xf32>
    %slice3A_19 = vector.extract_strided_slice %add3A_16 {offsets = [1, 0], sizes = [1, 16], strides = [1, 1]} : vector<2x16xf32> to vector<1x16xf32>
    %mul3A_20 = arith.constant 7.62939453E-6 : f32
    %mul3A_21 = vector.broadcast %mul3A_20 : f32 to vector<1x16xf32>
    %mul3A_22 = arith.mulf %slice3A_19, %mul3A_21 : vector<1x16xf32>
    %mul3A_23 = arith.mulf %mul3A_18, %mul3A_18 : vector<1x16xf32>
    %sub3A_24 = arith.subf %mul3A_22, %mul3A_23 : vector<1x16xf32>
    %add3A_25 = arith.constant 9.99999974E-6 : f32
    %add3A_26 = vector.broadcast %add3A_25 : f32 to vector<1x16xf32>
    %add3A_27 = arith.addf %sub3A_24, %add3A_26 : vector<1x16xf32>
    %rsqrt3A = math.rsqrt %add3A_27 : vector<1x16xf32>
    %get3A_28 = arith.constant 0 : index
    %get3A_29 = arith.constant 0 : index
    %get3A_30 = vector.load %arg4[%get3A_28, %get3A_29] : memref<16x480xf32, #tpu.memory_space<vmem>>, vector<16x480xf32>
    %convert_element_type3A_31 = arith.truncf %get3A_30 : vector<16x480xf32> to vector<16x480xbf16>
    %convert_element_type3A_32 = arith.extf %convert_element_type3A_31 : vector<16x480xbf16> to vector<16x480xf32>
    %sub3A_33 = arith.subf %get3A_30, %convert_element_type3A_32 : vector<16x480xf32>
    %convert_element_type3A_34 = arith.truncf %sub3A_33 : vector<16x480xf32> to vector<16x480xbf16>
    %convert_element_type3A_35 = arith.truncf %rsqrt3A : vector<1x16xf32> to vector<1x16xbf16>
    %dot_general3A_36 = arith.constant dense<0.000000e+00> : vector<1x480xf32>
    %dot_general3A_37 = tpu.matmul %convert_element_type3A_35, %convert_element_type3A_31, %dot_general3A_36 {dimension_numbers = #tpu.dot_dimension_numbers<[1], [0], [0], [1], [0, 0, 1, 1], [], []>, transpose_lhs_hint = false} : vector<1x16xbf16>, vector<16x480xbf16>, vector<1x480xf32> -> vector<1x480xf32>
    %dot_general3A_38 = arith.constant dense<0.000000e+00> : vector<1x480xf32>
    %dot_general3A_39 = tpu.matmul %convert_element_type3A_35, %convert_element_type3A_34, %dot_general3A_38 {dimension_numbers = #tpu.dot_dimension_numbers<[1], [0], [0], [1], [0, 0, 1, 1], [], []>, transpose_lhs_hint = false} : vector<1x16xbf16>, vector<16x480xbf16>, vector<1x480xf32> -> vector<1x480xf32>
    %add3A_40 = arith.addf %dot_general3A_37, %dot_general3A_39 : vector<1x480xf32>
    %convert_element_type3A_41 = arith.extf %convert_element_type3A_35 : vector<1x16xbf16> to vector<1x16xf32>
    %sub3A_42 = arith.subf %rsqrt3A, %convert_element_type3A_41 : vector<1x16xf32>
    %convert_element_type3A_43 = arith.truncf %sub3A_42 : vector<1x16xf32> to vector<1x16xbf16>
    %dot_general3A_44 = arith.constant dense<0.000000e+00> : vector<1x480xf32>
    %dot_general3A_45 = tpu.matmul %convert_element_type3A_43, %convert_element_type3A_31, %dot_general3A_44 {dimension_numbers = #tpu.dot_dimension_numbers<[1], [0], [0], [1], [0, 0, 1, 1], [], []>, transpose_lhs_hint = false} : vector<1x16xbf16>, vector<16x480xbf16>, vector<1x480xf32> -> vector<1x480xf32>
    %add3A_46 = arith.addf %add3A_40, %dot_general3A_45 : vector<1x480xf32>
    %get3A_47 = arith.constant 0 : index
    %get3A_48 = arith.constant 0 : index
    %get3A_49 = vector.load %arg5[%get3A_47, %get3A_48] : memref<1x480xf32, #tpu.memory_space<vmem>>, vector<1x480xf32>
    %mul3A_50 = arith.mulf %add3A_46, %get3A_49 : vector<1x480xf32>
    %get3A_51 = arith.constant 0 : index
    %get3A_52 = arith.constant 0 : index
    %get3A_53 = vector.load %arg6[%get3A_51, %get3A_52] : memref<1x480xf32, #tpu.memory_space<vmem>>, vector<1x480xf32>
    %mul3A_54 = arith.mulf %mul3A_18, %rsqrt3A : vector<1x16xf32>
    %get3A_55 = arith.constant 0 : index
    %get3A_56 = arith.constant 0 : index
    %get3A_57 = vector.load %arg4[%get3A_55, %get3A_56] : memref<16x480xf32, #tpu.memory_space<vmem>>, vector<16x480xf32>
    %convert_element_type3A_58 = arith.truncf %get3A_57 : vector<16x480xf32> to vector<16x480xbf16>
    %convert_element_type3A_59 = arith.extf %convert_element_type3A_58 : vector<16x480xbf16> to vector<16x480xf32>
    %sub3A_60 = arith.subf %get3A_57, %convert_element_type3A_59 : vector<16x480xf32>
    %convert_element_type3A_61 = arith.truncf %sub3A_60 : vector<16x480xf32> to vector<16x480xbf16>
    %convert_element_type3A_62 = arith.truncf %mul3A_54 : vector<1x16xf32> to vector<1x16xbf16>
    %dot_general3A_63 = arith.constant dense<0.000000e+00> : vector<1x480xf32>
    %dot_general3A_64 = tpu.matmul %convert_element_type3A_62, %convert_element_type3A_58, %dot_general3A_63 {dimension_numbers = #tpu.dot_dimension_numbers<[1], [0], [0], [1], [0, 0, 1, 1], [], []>, transpose_lhs_hint = false} : vector<1x16xbf16>, vector<16x480xbf16>, vector<1x480xf32> -> vector<1x480xf32>
    %dot_general3A_65 = arith.constant dense<0.000000e+00> : vector<1x480xf32>
    %dot_general3A_66 = tpu.matmul %convert_element_type3A_62, %convert_element_type3A_61, %dot_general3A_65 {dimension_numbers = #tpu.dot_dimension_numbers<[1], [0], [0], [1], [0, 0, 1, 1], [], []>, transpose_lhs_hint = false} : vector<1x16xbf16>, vector<16x480xbf16>, vector<1x480xf32> -> vector<1x480xf32>
    %add3A_67 = arith.addf %dot_general3A_64, %dot_general3A_66 : vector<1x480xf32>
    %convert_element_type3A_68 = arith.extf %convert_element_type3A_62 : vector<1x16xbf16> to vector<1x16xf32>
    %sub3A_69 = arith.subf %mul3A_54, %convert_element_type3A_68 : vector<1x16xf32>
    %convert_element_type3A_70 = arith.truncf %sub3A_69 : vector<1x16xf32> to vector<1x16xbf16>
    %dot_general3A_71 = arith.constant dense<0.000000e+00> : vector<1x480xf32>
    %dot_general3A_72 = tpu.matmul %convert_element_type3A_70, %convert_element_type3A_58, %dot_general3A_71 {dimension_numbers = #tpu.dot_dimension_numbers<[1], [0], [0], [1], [0, 0, 1, 1], [], []>, transpose_lhs_hint = false} : vector<1x16xbf16>, vector<16x480xbf16>, vector<1x480xf32> -> vector<1x480xf32>
    %add3A_73 = arith.addf %add3A_67, %dot_general3A_72 : vector<1x480xf32>
    %get3A_74 = arith.constant 0 : index
    %get3A_75 = arith.constant 0 : index
    %get3A_76 = vector.load %arg5[%get3A_74, %get3A_75] : memref<1x480xf32, #tpu.memory_space<vmem>>, vector<1x480xf32>
    %mul3A_77 = arith.mulf %add3A_73, %get3A_76 : vector<1x480xf32>
    %sub3A_78 = arith.subf %get3A_53, %mul3A_77 : vector<1x480xf32>
    %get3A_79 = arith.constant 0 : index
    %get3A_80 = arith.constant 0 : index
    %get3A_81 = vector.load %arg1[%get3A_79, %get3A_80] : memref<512x480xf32, #tpu.memory_space<vmem>>, vector<512x480xf32>
    %mul3A_82 = vector.broadcast %mul3A_50 : vector<1x480xf32> to vector<512x480xf32>
    %mul3A_83 = arith.mulf %get3A_81, %mul3A_82 : vector<512x480xf32>
    %add3A_84 = vector.broadcast %sub3A_78 : vector<1x480xf32> to vector<512x480xf32>
    %add3A_85 = arith.addf %mul3A_83, %add3A_84 : vector<512x480xf32>
    %get3A_86 = arith.constant 0 : index
    %get3A_87 = arith.constant 0 : index
    %get3A_88 = vector.load %arg7[%get3A_86, %get3A_87] : memref<480x200xf32, #tpu.memory_space<vmem>>, vector<480x200xf32>
    %convert_element_type3A_89 = arith.truncf %get3A_88 : vector<480x200xf32> to vector<480x200xbf16>
    %convert_element_type3A_90 = arith.extf %convert_element_type3A_89 : vector<480x200xbf16> to vector<480x200xf32>
    %sub3A_91 = arith.subf %get3A_88, %convert_element_type3A_90 : vector<480x200xf32>
    %convert_element_type3A_92 = arith.truncf %sub3A_91 : vector<480x200xf32> to vector<480x200xbf16>
    %convert_element_type3A_93 = arith.truncf %add3A_85 : vector<512x480xf32> to vector<512x480xbf16>
    %dot_general3A_94 = arith.constant dense<0.000000e+00> : vector<512x200xf32>
    %dot_general3A_95 = tpu.matmul %convert_element_type3A_93, %convert_element_type3A_89, %dot_general3A_94 {dimension_numbers = #tpu.dot_dimension_numbers<[1], [0], [0], [1], [0, 0, 1, 1], [], []>, transpose_lhs_hint = false} : vector<512x480xbf16>, vector<480x200xbf16>, vector<512x200xf32> -> vector<512x200xf32>
    %dot_general3A_96 = arith.constant dense<0.000000e+00> : vector<512x200xf32>
    %dot_general3A_97 = tpu.matmul %convert_element_type3A_93, %convert_element_type3A_92, %dot_general3A_96 {dimension_numbers = #tpu.dot_dimension_numbers<[1], [0], [0], [1], [0, 0, 1, 1], [], []>, transpose_lhs_hint = false} : vector<512x480xbf16>, vector<480x200xbf16>, vector<512x200xf32> -> vector<512x200xf32>
    %add3A_98 = arith.addf %dot_general3A_95, %dot_general3A_97 : vector<512x200xf32>
    %convert_element_type3A_99 = arith.extf %convert_element_type3A_93 : vector<512x480xbf16> to vector<512x480xf32>
    %sub3A_100 = arith.subf %add3A_85, %convert_element_type3A_99 : vector<512x480xf32>
    %convert_element_type3A_101 = arith.truncf %sub3A_100 : vector<512x480xf32> to vector<512x480xbf16>
    %dot_general3A_102 = arith.constant dense<0.000000e+00> : vector<512x200xf32>
    %dot_general3A_103 = tpu.matmul %convert_element_type3A_101, %convert_element_type3A_89, %dot_general3A_102 {dimension_numbers = #tpu.dot_dimension_numbers<[1], [0], [0], [1], [0, 0, 1, 1], [], []>, transpose_lhs_hint = false} : vector<512x480xbf16>, vector<480x200xbf16>, vector<512x200xf32> -> vector<512x200xf32>
    %add3A_104 = arith.addf %add3A_98, %dot_general3A_103 : vector<512x200xf32>
    %get3A_105 = arith.constant 0 : index
    %get3A_106 = arith.constant 0 : index
    %get3A_107 = vector.load %arg8[%get3A_105, %get3A_106] : memref<1x200xf32, #tpu.memory_space<vmem>>, vector<1x200xf32>
    %add3A_108 = vector.broadcast %get3A_107 : vector<1x200xf32> to vector<512x200xf32>
    %add3A_109 = arith.addf %add3A_104, %add3A_108 : vector<512x200xf32>
    %tanh3A = math.tanh %add3A_109 : vector<512x200xf32>
    %get3A_110 = arith.constant 0 : index
    %get3A_111 = arith.constant 0 : index
    %get3A_112 = vector.load %arg9[%get3A_110, %get3A_111] : memref<480x200xf32, #tpu.memory_space<vmem>>, vector<480x200xf32>
    %convert_element_type3A_113 = arith.truncf %get3A_112 : vector<480x200xf32> to vector<480x200xbf16>
    %convert_element_type3A_114 = arith.extf %convert_element_type3A_113 : vector<480x200xbf16> to vector<480x200xf32>
    %sub3A_115 = arith.subf %get3A_112, %convert_element_type3A_114 : vector<480x200xf32>
    %convert_element_type3A_116 = arith.truncf %sub3A_115 : vector<480x200xf32> to vector<480x200xbf16>
    %convert_element_type3A_117 = arith.truncf %add3A_85 : vector<512x480xf32> to vector<512x480xbf16>
    %dot_general3A_118 = arith.constant dense<0.000000e+00> : vector<512x200xf32>
    %dot_general3A_119 = tpu.matmul %convert_element_type3A_117, %convert_element_type3A_113, %dot_general3A_118 {dimension_numbers = #tpu.dot_dimension_numbers<[1], [0], [0], [1], [0, 0, 1, 1], [], []>, transpose_lhs_hint = false} : vector<512x480xbf16>, vector<480x200xbf16>, vector<512x200xf32> -> vector<512x200xf32>
    %dot_general3A_120 = arith.constant dense<0.000000e+00> : vector<512x200xf32>
    %dot_general3A_121 = tpu.matmul %convert_element_type3A_117, %convert_element_type3A_116, %dot_general3A_120 {dimension_numbers = #tpu.dot_dimension_numbers<[1], [0], [0], [1], [0, 0, 1, 1], [], []>, transpose_lhs_hint = false} : vector<512x480xbf16>, vector<480x200xbf16>, vector<512x200xf32> -> vector<512x200xf32>
    %add3A_122 = arith.addf %dot_general3A_119, %dot_general3A_121 : vector<512x200xf32>
    %convert_element_type3A_123 = arith.extf %convert_element_type3A_117 : vector<512x480xbf16> to vector<512x480xf32>
    %sub3A_124 = arith.subf %add3A_85, %convert_element_type3A_123 : vector<512x480xf32>
    %convert_element_type3A_125 = arith.truncf %sub3A_124 : vector<512x480xf32> to vector<512x480xbf16>
    %dot_general3A_126 = arith.constant dense<0.000000e+00> : vector<512x200xf32>
    %dot_general3A_127 = tpu.matmul %convert_element_type3A_125, %convert_element_type3A_113, %dot_general3A_126 {dimension_numbers = #tpu.dot_dimension_numbers<[1], [0], [0], [1], [0, 0, 1, 1], [], []>, transpose_lhs_hint = false} : vector<512x480xbf16>, vector<480x200xbf16>, vector<512x200xf32> -> vector<512x200xf32>
    %add3A_128 = arith.addf %add3A_122, %dot_general3A_127 : vector<512x200xf32>
    %get3A_129 = arith.constant 0 : index
    %get3A_130 = arith.constant 0 : index
    %get3A_131 = vector.load %arg10[%get3A_129, %get3A_130] : memref<1x200xf32, #tpu.memory_space<vmem>>, vector<1x200xf32>
    %add3A_132 = vector.broadcast %get3A_131 : vector<1x200xf32> to vector<512x200xf32>
    %add3A_133 = arith.addf %add3A_128, %add3A_132 : vector<512x200xf32>
    %tanh3A_134 = math.tanh %add3A_133 : vector<512x200xf32>
    %swap3A = arith.constant 0 : index
    %swap3A_135 = arith.constant 0 : index
    %swap3A_136 = vector.load %arg11[%swap3A, %swap3A_135] : memref<512x200xf32, #tpu.memory_space<vmem>>, vector<512x200xf32>
    tpu.vector_store %arg11[%swap3A, %swap3A_135], %tanh3A {strides = array<i32>} : memref<512x200xf32, #tpu.memory_space<vmem>>, vector<512x200xf32>,
    %swap3A_137 = arith.constant 0 : index
    %swap3A_138 = arith.constant 0 : index
    %swap3A_139 = vector.load %arg12[%swap3A_137, %swap3A_138] : memref<512x200xf32, #tpu.memory_space<vmem>>, vector<512x200xf32>
    tpu.vector_store %arg12[%swap3A_137, %swap3A_138], %tanh3A_134 {strides = array<i32>} : memref<512x200xf32, #tpu.memory_space<vmem>>, vector<512x200xf32>,
    %mul3A_140 = arith.mulf %tanh3A, %tanh3A_134 : vector<512x200xf32>
    %reduce_sum3A = arith.constant dense<0.000000e+00> : vector<512xf32>
    %reduce_sum3A_141 = vector.multi_reduction <add>, %mul3A_140, %reduce_sum3A [1] : vector<512x200xf32> to vector<512xf32>
    %broadcast_in_dim3A = vector.shape_cast %reduce_sum3A_141 : vector<512xf32> to vector<512x1xf32>
    %swap3A_142 = arith.constant 0 : index
    %swap3A_143 = arith.constant 0 : index
    %swap3A_144 = vector.load %arg13[%swap3A_142, %swap3A_143] : memref<512x1xf32, #tpu.memory_space<vmem>>, vector<512x1xf32>
    tpu.vector_store %arg13[%swap3A_142, %swap3A_143], %broadcast_in_dim3A {strides = array<i32>} : memref<512x1xf32, #tpu.memory_space<vmem>>, vector<512x1xf32>,
    return
  }
  func.func @transform_0(%arg0: i32) -> (i32, i32) {
    %c0_i32 = arith.constant 0 : i32
    %c0_i32_0 = arith.constant 0 : i32
    return %arg0, %c0_i32 : i32, i32
  }
  func.func @transform_1(%arg0: i32) -> (i32, i32) {
    %c0_i32 = arith.constant 0 : i32
    %c0_i32_0 = arith.constant 0 : i32
    %c0_i32_1 = arith.constant 0 : i32
    return %c0_i32, %c0_i32_0 : i32, i32
  }
  func.func @transform_2(%arg0: i32) -> (i32, i32) {
    %c0_i32 = arith.constant 0 : i32
    %c0_i32_0 = arith.constant 0 : i32
    %c0_i32_1 = arith.constant 0 : i32
    return %c0_i32, %c0_i32_0 : i32, i32
  }
  func.func @transform_3(%arg0: i32) -> (i32, i32) {
    %c0_i32 = arith.constant 0 : i32
    %c0_i32_0 = arith.constant 0 : i32
    %c0_i32_1 = arith.constant 0 : i32
    return %c0_i32, %c0_i32_0 : i32, i32
  }
  func.func @transform_4(%arg0: i32) -> (i32, i32) {
    %c0_i32 = arith.constant 0 : i32
    %c0_i32_0 = arith.constant 0 : i32
    %c0_i32_1 = arith.constant 0 : i32
    return %c0_i32, %c0_i32_0 : i32, i32
  }
  func.func @transform_5(%arg0: i32) -> (i32, i32) {
    %c0_i32 = arith.constant 0 : i32
    %c0_i32_0 = arith.constant 0 : i32
    %c0_i32_1 = arith.constant 0 : i32
    return %c0_i32, %c0_i32_0 : i32, i32
  }
  func.func @transform_6(%arg0: i32) -> (i32, i32) {
    %c0_i32 = arith.constant 0 : i32
    %c0_i32_0 = arith.constant 0 : i32
    %c0_i32_1 = arith.constant 0 : i32
    return %c0_i32, %c0_i32_0 : i32, i32
  }
  func.func @transform_7(%arg0: i32) -> (i32, i32) {
    %c0_i32 = arith.constant 0 : i32
    %c0_i32_0 = arith.constant 0 : i32
    %c0_i32_1 = arith.constant 0 : i32
    return %c0_i32, %c0_i32_0 : i32, i32
  }
  func.func @transform_8(%arg0: i32) -> (i32, i32) {
    %c0_i32 = arith.constant 0 : i32
    %c0_i32_0 = arith.constant 0 : i32
    %c0_i32_1 = arith.constant 0 : i32
    return %c0_i32, %c0_i32_0 : i32, i32
  }
  func.func @transform_9(%arg0: i32) -> (i32, i32) {
    %c0_i32 = arith.constant 0 : i32
    %c0_i32_0 = arith.constant 0 : i32
    %c0_i32_1 = arith.constant 0 : i32
    return %c0_i32, %c0_i32_0 : i32, i32
  }
  func.func @transform_10(%arg0: i32) -> (i32, i32) {
    %c0_i32 = arith.constant 0 : i32
    %c0_i32_0 = arith.constant 0 : i32
    return %arg0, %c0_i32 : i32, i32
  }
  func.func @transform_11(%arg0: i32) -> (i32, i32) {
    %c0_i32 = arith.constant 0 : i32
    %c0_i32_0 = arith.constant 0 : i32
    return %arg0, %c0_i32 : i32, i32
  }
  func.func @transform_12(%arg0: i32) -> (i32, i32) {
    %c0_i32 = arith.constant 0 : i32
    %c0_i32_0 = arith.constant 0 : i32
    return %arg0, %c0_i32 : i32, i32
  }
}

</mosaic_0001>

<sc_bundles>
// kernel: kernel.5.cloned.1.call-start
scs
__scs_entry_jumppad:
0x0: {  	(pc) =	sbr.rel $0x88, $3  }
0x1: {  	(tag) =	ssettag $0x0;
	lr =	simm.s32 $0x1  }
0x2: {  	[smem:$0x3F39] =	sst lr;
	_ =	strace $0xD0000000  }
0x3: {  	_ = 	snop  }
0x4: {  	_ = 	snop  }
0x5: {  	_ = 	snop  }
0x6: {  	_ = 	snop  }
0x7: {  	_ = 	snop  }
__scs_overlays_trampoline_lowered:
0x8: {  	[smem:$0x3F48] =	sst s0  }
0x9: {  	[smem:$0x3F49] =	sst s1  }
0xa: {  	[smem:$0x3F4A] =	sst s2  }
0xb: {  	[smem:$0x3F4B] =	sst s3  }
0xc: {  	[smem:$0x3F4C] =	sst s4  }
0xd: {  	[smem:$0x3F4D] =	sst s5  }
0xe: {  	[smem:$0x3F4E] =	sst s6  }
0xf: {  	[smem:$0x3F4F] =	sst s7  }
0x10: {  	[smem:$0x3F50] =	sst s8  }
0x11: {  	[smem:$0x3F51] =	sst s9;
	s0 =	simm.s32 @!p0 $0x0  }
0x12: {  	s1 =	sld [smem:$0x3F37];
	s0 =	simm.s32 @p0 $0x1  }
0x13: {  	[smem:$0x3F52] =	sst s0;
	s0 =	simm.s32 @!p1 $0x0  }
0x14: {  	s2 =	sld [smem:$0x3F36];
	s0 =	simm.s32 @p1 $0x1  }
0x15: {  	[smem:$0x3F53] =	sst s0;
	s0 =	simm.s32 @!p2 $0x0  }
0x16: {  	s3 =	sld [smem:$0x3FDB];
	s0 =	simm.s32 @p2 $0x1  }
0x17: {  	s4 =	simm.s32 $0x1BF5;
	[smem:$0x3F55] =	sst s0  }
0x18: {  	s0 =	sld [smem:$0x3F38];
	_ =	swait.ge [sflag:s4], $0x0  }
0x19: {  	s7 =	sld [smem:$0x3F39]  }
0x1a: {  	s8 =	sadd.s32 $0xFFFFE003, lr  }
0x1b: {  	s9 =	sadd.s32 $0xFFFFFEF7, lr;
	s5 =	simm.s32 $0xFFFFFFFF;
	p2 =	slt.u32 s8, $0xFFFFF086  }
0x1c: {  	p1 =	slt.u32 s9, $0xF7A;
	s5 =	simm.s32 @!p2 $0x0  }
0x1d: {  	s5 =	simm.s32 @p1 $0x1;
	p0 =	seq.s32 s7, s2  }
0x1e: {  	s7 =	smul.u32 @!p0 $0xF7A, s2;
	p2 =	seq.s32 @!p0 s5, $0x0  }
0x1f: {  	s9 =	smul.u32 $0xF7A, s1;
	s8 =	simm.s32 @!p0 $0x1BF5;
	p2 =	por !p2, p0  }
0x20: {  	[sflag:s8] =	ssyncset.s32 @!p0 $0xFFFFF086;
	s6 =	sadd.s32 @!p0 s3, s7;
	s7 =	simm.s32 @!p0 $0x108  }
0x21: {  	s3 =	sadd.s32 s3, s9;
	s6 =	sadd.s32 @!p0 $0x88, s6;
	s7 =	simm.s32 @p2 $0x1082  }
0x22: {  	[simem:s7], [sflag:s8] =	dma.local @!p0 [hbm:s6], $0xF7A  }
0x23: {  	s9 =	sor.u32 $0xD0000000, s2;
	s6 =	simm.s32 $0x108;
	_ =	swait.ge @!p0 [sflag:s8], $0x0  }
0x24: {  	s3 =	sadd.s32 $0x88, s3;
	s6 =	simm.s32 @!p1 $0x1082;
	[sflag:s4] =	ssyncset.s32 $0xFFFFF086  }
0x25: {  	[simem:s6], [sflag:s4] =	dma.local [hbm:s3], $0xF7A  }
0x26: {  	[smem:$0x3F39] =	sst s1;
	(tag) =	ssettag s2;
	_ =	strace s9  }
0x27: {  	s1 =	sld [smem:$0x3F49]  }
0x28: {  	s2 =	sld [smem:$0x3F4A]  }
0x29: {  	s4 =	sld [smem:$0x3F4C]  }
0x2a: {  	p0 =	seq.s32 s5, $0x0;
	s5 =	sld [smem:$0x3F4D]  }
0x2b: {  	s6 =	sld [smem:$0x3F4E]  }
0x2c: {  	s7 =	sld [smem:$0x3F4F]  }
0x2d: {  	s3 =	simm.s32 $0x108;
	s8 =	sld [smem:$0x3F50]  }
0x2e: {  	s3 =	simm.s32 @!p0 $0x1082;
	s9 =	sld [smem:$0x3F51]  }
0x2f: {  	lr =	sadd.s32 s0, s3;
	s0 =	sld [smem:$0x3F48]  }
0x30: {  	s3 =	sld [smem:$0x3F4B]  }
0x31: {  	[smem:$0x3F54] =	sst s10  }
0x32: {  	s10 =	sld [smem:$0x3F52];
	_ =	sdelay $0x3  }
0x33: {  	p0 =	seq.s32 s10, $0x1;
	s10 =	sld [smem:$0x3F54];
	_ =	sdelay $0x3  }
0x34: {  	[smem:$0x3F54] =	sst s10  }
0x35: {  	s10 =	sld [smem:$0x3F53];
	_ =	sdelay $0x3  }
0x36: {  	p1 =	seq.s32 s10, $0x1;
	s10 =	sld [smem:$0x3F54];
	_ =	sdelay $0x3  }
0x37: {  	[smem:$0x3F54] =	sst s10  }
0x38: {  	s10 =	sld [smem:$0x3F55]  }
0x39: {  	_ = 	snop;
	(pc) =	sbr.ind lr, $3  }
0x3a: {  	_ = 	snop  }
0x3b: {  	_ = 	snop  }
0x3c: {  	p2 =	seq.s32 s10, $0x1;
	s10 =	sld [smem:$0x3F54]  }
0x3d: {  	_ =	shalt  }
0x3e: {  	_ =	shalt  }
0x3f: {  	_ =	shalt  }
0x40: {  	_ =	shalt  }
0x41: {  	_ =	shalt  }
0x42: {  	_ =	shalt  }
0x43: {  	_ =	shalt  }
0x44: {  	_ =	shalt  }
0x45: {  	_ =	shalt  }
0x46: {  	_ =	shalt  }
0x47: {  	_ =	shalt  }
0x48: {  	_ =	shalt  }
0x49: {  	_ =	shalt  }
0x4a: {  	_ =	shalt  }
0x4b: {  	_ =	shalt  }
0x4c: {  	_ =	shalt  }
0x4d: {  	_ =	shalt  }
0x4e: {  	_ =	shalt  }
0x4f: {  	_ =	shalt  }
0x50: {  	_ =	shalt  }
0x51: {  	_ =	shalt  }
0x52: {  	_ =	shalt  }
0x53: {  	_ =	shalt  }
0x54: {  	_ =	shalt  }
0x55: {  	_ =	shalt  }
0x56: {  	_ =	shalt  }
0x57: {  	_ =	shalt  }
0x58: {  	_ =	shalt  }
0x59: {  	_ =	shalt  }
0x5a: {  	_ =	shalt  }
0x5b: {  	_ =	shalt  }
0x5c: {  	_ =	shalt  }
0x5d: {  	_ =	shalt  }
0x5e: {  	_ =	shalt  }
0x5f: {  	_ =	shalt  }
0x60: {  	_ =	shalt  }
0x61: {  	_ =	shalt  }
0x62: {  	_ =	shalt  }
0x63: {  	_ =	shalt  }
0x64: {  	_ =	shalt  }
0x65: {  	_ =	shalt  }
0x66: {  	_ =	shalt  }
0x67: {  	_ =	shalt  }
0x68: {  	_ =	shalt  }
0x69: {  	_ =	shalt  }
0x6a: {  	_ =	shalt  }
0x6b: {  	_ =	shalt  }
0x6c: {  	_ =	shalt  }
0x6d: {  	_ =	shalt  }
0x6e: {  	_ =	shalt  }
0x6f: {  	_ =	shalt  }
0x70: {  	_ =	shalt  }
0x71: {  	_ =	shalt  }
0x72: {  	_ =	shalt  }
0x73: {  	_ =	shalt  }
0x74: {  	_ =	shalt  }
0x75: {  	_ =	shalt  }
0x76: {  	_ =	shalt  }
0x77: {  	_ =	shalt  }
0x78: {  	_ =	shalt  }
0x79: {  	_ =	shalt  }
0x7a: {  	_ =	shalt  }
0x7b: {  	_ =	shalt  }
0x7c: {  	_ =	shalt  }
0x7d: {  	_ =	shalt  }
0x7e: {  	_ =	shalt  }
0x7f: {  	_ =	shalt  }
0x80: {  	_ =	shalt  }
0x81: {  	_ =	shalt  }
0x82: {  	_ =	shalt  }
0x83: {  	_ =	shalt  }
0x84: {  	_ =	shalt  }
0x85: {  	_ =	shalt  }
0x86: {  	_ =	shalt  }
0x87: {  	_ =	shalt  }
.Lfunc_end0:
.L_simem_size_0:
called_computation_lowered:
.L_overlay_start_0:
0x88: {  	s2 =	sld [smem:$0x3FD9]  }
0x89: {  	s3 =	sld [smem:$0x3FFE];
	_ =	sdelay $0x1  }
0x8a: {  	s1 =	srdreg.scid  }
0x8b: {  	s0 =	sand.u32 $0x1, s1  }
0x8c: {  	s17 =	sshll.u32 s0, $0xA;
	s2 =	sadd.s32 s3, s2  }
0x8d: {  	s2 =	sadd.s32 s2, s17  }
0x8e: {  	[smem:$0x3F60] =	sst s2  }
0x8f: {  	_ = 	snop  }
0x90: {  	s2 =	sld [smem:$0x3F72]  }
0x91: {  	s18 =	sld [smem:$0x3F69]  }
0x92: {  	s4 =	sld [smem:$0x3F68]  }
0x93: {  	s5 =	sld [smem:$0x3F67];
	(tm) =	ssettm $0x1  }
0x94: {  	s6 =	sld [smem:$0x3FFB];
	_ =	sdelay $0x3  }
0x95: {  	_ =	strace s6  }
0x96: {  	s6 =	sld [smem:$0x3FFC];
	_ =	sdelay $0x3  }
0x97: {  	_ =	strace s6  }
0x98: {  	s6 =	sld [smem:$0x3FFD];
	_ =	sdelay $0x3  }
0x99: {  	_ =	strace s6  }
0x9a: {  	_ =	strace $0x8FFFFFFF  }
0x9b: {  	s19 =	sld [smem:$0x3FDB];
	_ =	sdelay $0x1  }
0x9c: {  	s7 =	simm.s32 $_scs_section_size  }
0x9d: {  	s8 =	simm.s32 $_size__tile_overlayer_lowered;
	s9 =	simm.s32 $_tile_overlayer_lowered  }
0x9e: {  	s22 =	simm.s32 $0x1BFF;
	s21 =	sshll.u32 s9, $0x1;
	s6 =	sadd.s32 s7, s19  }
0x9f: {  	s10 =	simm.s32 $0x0;
	s20 =	sshll.u32 s8, $0x1;
	s8 =	sadd.s32 s21, s6  }
0xa0: {  	[timem:s10], [sflag:s22] =	dma.local [hbm:s8], s20  }
0xa1: {  	_ =	swait.ge [sflag:s22], s20  }
0xa2: {  	s7 =	ssub.s32 $0x0, s20;
	[sflag:s22] =	ssyncset.done $0x0  }
0xa3: {  	[sflag:s22] =	ssyncadd.s32 s7;
	_ =	sdelay $0x1  }
0xa4: {  	s23 =	simm.s32 $0x1B8B  }
0xa5: {  	_ =	swait.ge [sflag:s23], $0x1  }
0xa6: {  	[sflag:s23] =	ssyncset.done $0x0  }
0xa7: {  	s25 =	simm.s32 $0x1B8E;
	s24 =	sld [smem:$0x3FFE];
	[sflag:s23] =	ssyncadd.s32 $0xFFFFFFFF  }
0xa8: {  	s26 =	simm.s32 $execute0_lowered;
	[smem:$0x3FD2] =	sst s25  }
0xa9: {  	s8 =	sshll.u32 s26, $0x1;
	_ =	strace $0x80000046;
	[dreg:$0x1] =	wrdreg $0xFFFFFFFF  }
0xaa: {  	s28 =	simm.s32 $_size_execute0_lowered;
	s6 =	sadd.s32 s6, s8;
	[dreg:$0x0] =	wrdreg $0x0  }
0xab: {  	s8 =	sshll.u32 s28, $0x1;
	[dreg:$0x2] =	wrdreg s6  }
0xac: {  	[dreg:$0x3] =	wrdreg s8  }
0xad: {  	[dreg:$0x4] =	wrdreg $0xC0  }
0xae: {  	_ =	task [dreg:s10], $0x5FFFF  }
0xaf: {  	[dreg:$0x1] =	wrdreg $0xFFFFFFFF  }
0xb0: {  	[dreg:$0x0] =	wrdreg $0x60  }
0xb1: {  	[dreg:$0x2] =	wrdreg s24  }
0xb2: {  	[dreg:$0x3] =	wrdreg s2  }
0xb3: {  	[dreg:$0x4] =	wrdreg s18  }
0xb4: {  	[dreg:$0x5] =	wrdreg s4  }
0xb5: {  	[dreg:$0x6] =	wrdreg s5  }
0xb6: {  	[dreg:$0x7] =	wrdreg $0x9  }
0xb7: {  	_ =	task.clear_ibuf [dreg:s10], $0x8FFFF;
	_ =	strace $0x90000046  }
0xb8: {  	s29 =	simm.s32 $0x9;
	_ =	strace $0x80000048  }
0xb9: {  	_ =	swait.ge [sflag:s29], $0x1  }
0xba: {  	[sflag:s29] =	ssyncadd.s32 $0xFFFFFFFF  }
0xbb: {  	_ =	strace $0x90000048  }
0xbc: {  	_ =	sfence  }
0xbd: {  	s30 =	sld [smem:$0x0];
	_ =	sdelay $0x2  }
0xbe: {  	s31 =	sshll.u32 s1, $0xD;
	s1 =	sshrl.u32 s1, $0x2  }
0xbf: {  	s3 =	sand.u32 $0x4000, s31;
	s1 =	sadd.s32 s1, s30  }
0xc0: {  	s0 =	sor.u32 s3, s0;
	s1 =	sshll.u32 s1, $0x11  }
0xc1: {  	s0 =	sor.u32 s1, s0  }
0xc2: {  	s0 =	sadd.s32 $0x8F2B, s0  }
0xc3: {  	[sflag:s0] =	ssyncadd.remote.s32 $0x1  }
0xc4: {  	_ =	sfence.sel $0xFFFF  }
0xc5: {  	[dreg:$0x0] =	wrdreg $0xFFFFFFFF;
	(pc) =	sbr.abs _section_cstart, $3  }
0xc6: {  	[dreg:$0x1] =	wrdreg $0xFFFFFFFF  }
0xc7: {  	_ =	task.clear_ibuf [dreg:s10], $0x2FFFF;
	_ =	strace $0x9FFFFFFF  }
0xc8: {  	(tm) =	ssettm $0x7FFFFFFF  }
0xc9: {  	_ =	shalt  }
tec
execute0_lowered:
.L_overlay_start_1:
0x0: {  	(tag) =	ssettag $0x1  }
0x1: {  	s0 =	rddreg [dreg:$0x0]  }
0x2: {  	s5 =	rddreg [dreg:$0x1]  }
0x3: {  	s6 =	rddreg [dreg:$0x2]  }
0x4: {  	s7 =	rddreg [dreg:$0x3]  }
0x5: {  	s8 =	rddreg [dreg:$0x4];
	s1 =	simm.s32 $0x0;
	s3 =	srdreg.scid  }
0x6: {  	s28 =	simm.s32 $0x80;
	s31 =	simm.s32 $0x2380;
	s30 =	simm.s32 $0x580  }
0x7: {  	s29 =	simm.s32 $0xA80;
	[smem:$0x7FF] =	sst s1;
	s2 =	sadd.s32 $0x2B8E00, s0  }
0x8: {  	p0 =	por $0x0, $0x0;
	s17 =	sadd.s32 $0x257200, s0;
	s18 =	sadd.s32 $0x1F5600, s0  }
0x9: {  	s4 =	sadd.s32 $0xD000, s0;
	s9 =	sand.u32 $0x1, s3;
	s3 =	sadd.s32 $0x1FA00, s0  }
0xa: {  	_ =	strace $0x80000047;
	[dreg:$0x6] =	wrdreg s2;
	s2 =	stileid.u32  }
0xb: {  	s15 =	sadd.s32 $0x20A00, s0;
	[dreg:$0x7] =	wrdreg s17;
	s19 =	sshll.u32 s2, $0x1  }
0xc: {  	[dreg:$0x8] =	wrdreg s18;
	s23 =	ssub.s32 $0x2, s9;
	s10 =	sor.u32 s9, s19  }
0xd: {  	[dreg:$0x9] =	wrdreg s4;
	s25 =	sshrl.u32 s23, $0x1;
	s11 =	smul.u32 $0x320, s10  }
0xe: {  	s4 =	sadd.s32 $0x193A00, s0;
	s9 =	ssub.s32 s23, s25;
	s12 =	smul.u32 $0x140, s10  }
0xf: {  	s13 =	sshll.u32 s10, $0x9;
	s14 =	sshll.u32 s10, $0x4;
	s16 =	smul.u32 $0x6400, s10  }
0x10: {  	s18 =	smul.u32 $0x14000, s10;
	s13 =	sadd.s32 s13, s0;
	s5 =	sadd.s32 s5, s14  }
0x11: {  	s21 =	sadd.s32 s6, s14;
	s24 =	sadd.s32 s7, s14;
	s8 =	sadd.s32 s8, s14  }
0x12: {  	s14 =	smul.u32 $0x32000, s10;
	s11 =	sadd.s32 s11, s0;
	[dreg:$0xa] =	wrdreg s5  }
0x13: {  	s12 =	sadd.s32 s12, s0;
	s20 =	sadd.s32 $0x144A00, s13;
	[dreg:$0xc] =	wrdreg s21  }
0x14: {  	s0 =	sadd.s32 $0xE8A00, s0;
	s22 =	sadd.s32 $0x140A00, s13;
	[dreg:$0xe] =	wrdreg s24  }
0x15: {  	s26 =	sadd.s32 $0x13CA00, s13;
	[dreg:$0x10] =	wrdreg s8;
	s25 =	sadd.s32 $0x138A00, s13  }
0x16: {  	s21 =	sadd.s32 s15, s16;
	s24 =	sshrl.u32 s18, $0x3;
	[dreg:$0xb] =	wrdreg s20  }
0x17: {  	s5 =	simm.s32 $0x5;
	s8 =	simm.s32 $0x1;
	[dreg:$0xd] =	wrdreg s22  }
0x18: {  	s18 =	simm.s32 $0x1980;
	s16 =	simm.s32 $0x2;
	[dreg:$0xf] =	wrdreg s26  }
0x19: {  	s23 =	sadd.s32 $0x16E00, s11;
	s17 =	sshrl.u32 s14, $0x3;
	s22 =	sadd.s32 $0x1D200, s12  }
0x1a: {  	s20 =	smul.u32 $0x2800, s10;
	s26 =	smax.u32 s9, $0x1;
	s14 =	simm.s32 $0x500  }
0x1b: {  	s9 =	simm.s32 $0x3380;
	s12 =	simm.s32 $0xD380;
	p1 =	sne.s32 s26, $0x1  }
.Ltmp0:
0x1c: {  	s11 =	simm.s32 $0x4;
	s6 =	sadd.s32 s15, s17;
	(pc) =	sbr.rel @!p1 .LBB2_5-.Ltmp0, $4  }
0x1d: {  	s15 =	simm.s32 $0x3;
	s19 =	sadd.s32 $0x1400, s6;
	s17 =	sadd.s32 $0x2800, s6  }
0x1e: {  	s13 =	sadd.s32 $0x3C00, s6;
	s10 =	sadd.s32 $0x5000, s6;
	s7 =	sadd.s32 s0, s20  }
0x1f: {  	s0 =	sadd.s32 s0, s24;
	s24 =	simm.s32 $0x1480;
	s20 =	simm.s32 $0x1E80  }
0x20: {  	s6 =	sadd.s32 $0x1400, s0;
	s0 =	sadd.s32 $0xFFFFFFFF, s26;
	s26 =	simm.s32 $0xF80  }
0x21: {  	s2 =	rddreg [dreg:$0xa]  }
0x22: {  	[tilespmem:s1], [sflag:$0x5] =	stream.linear.gather [hbm4b:s2+s1], $0x80, $0x38;
	[tilespmem:$0x17380] =	vst v63  }
0x23: {  	_ =	swait.ge [sflag:s5], $0x80  }
0x24: {  	[sflag:s5] =	ssyncset.done $0x0  }
0x25: {  	s2 =	rddreg [dreg:$0x6];
	[sflag:s5] =	ssyncadd.s32 $0xFFFFFF80  }
0x26: {  	[tilespmem:s31], [sflag:$0x1] =	stream.indirect.gather [hbm4b:s2+s28], $0x20, s1, s28, $0xb8;
	[tilespmem:$0x17380] =	vst v63  }
0x27: {  	_ =	swait.ge [sflag:s8], $0x1000  }
0x28: {  	[sflag:s8] =	ssyncset.done $0x0  }
0x29: {  	s2 =	rddreg [dreg:$0xb];
	[sflag:s8] =	ssyncadd.s32 $0xFFFFF000  }
0x2a: {  	[hbm4b:s2+s1] =	stream.linear.scatter [tilespmem:s31], [sflag:$0x5], $0x1000, $0x38;
	[tilespmem:$0x17380] =	vst v63  }
0x2b: {  	_ =	swait.ge [sflag:s5], $0x1000  }
0x2c: {  	[sflag:s5] =	ssyncset.done $0x0  }
0x2d: {  	s2 =	rddreg [dreg:$0xc];
	[sflag:s5] =	ssyncadd.s32 $0xFFFFF000  }
0x2e: {  	[tilespmem:s1], [sflag:$0x5] =	stream.linear.gather [hbm4b:s2+s1], $0x80, $0x38;
	[tilespmem:$0x17380] =	vst v63  }
0x2f: {  	_ =	swait.ge [sflag:s5], $0x80  }
0x30: {  	[sflag:s5] =	ssyncset.done $0x0  }
0x31: {  	s2 =	rddreg [dreg:$0x7];
	[sflag:s5] =	ssyncadd.s32 $0xFFFFFF80  }
0x32: {  	[tilespmem:s31], [sflag:$0x1] =	stream.indirect.gather [hbm4b:s2+s28], $0x20, s1, s28, $0xb8;
	[tilespmem:$0x17380] =	vst v63  }
0x33: {  	_ =	swait.ge [sflag:s8], $0x1000  }
0x34: {  	[sflag:s8] =	ssyncset.done $0x0  }
0x35: {  	s2 =	rddreg [dreg:$0xd];
	[sflag:s8] =	ssyncadd.s32 $0xFFFFF000  }
0x36: {  	[hbm4b:s2+s1] =	stream.linear.scatter [tilespmem:s31], [sflag:$0x5], $0x1000, $0x38;
	[tilespmem:$0x17380] =	vst v63  }
0x37: {  	_ =	swait.ge [sflag:s5], $0x1000  }
0x38: {  	[sflag:s5] =	ssyncset.done $0x0  }
0x39: {  	s2 =	rddreg [dreg:$0xe];
	[sflag:s5] =	ssyncadd.s32 $0xFFFFF000  }
0x3a: {  	[tilespmem:s1], [sflag:$0x5] =	stream.linear.gather [hbm4b:s2+s1], $0x80, $0x38;
	[tilespmem:$0x17380] =	vst v63  }
0x3b: {  	_ =	swait.ge [sflag:s5], $0x80  }
0x3c: {  	[sflag:s5] =	ssyncset.done $0x0  }
0x3d: {  	s2 =	rddreg [dreg:$0x8];
	[sflag:s5] =	ssyncadd.s32 $0xFFFFFF80  }
0x3e: {  	[tilespmem:s31], [sflag:$0x1] =	stream.indirect.gather [hbm4b:s2+s28], $0x20, s1, s28, $0xb8;
	[tilespmem:$0x17380] =	vst v63  }
0x3f: {  	_ =	swait.ge [sflag:s8], $0x1000  }
0x40: {  	[sflag:s8] =	ssyncset.done $0x0  }
0x41: {  	s2 =	rddreg [dreg:$0xf];
	[sflag:s8] =	ssyncadd.s32 $0xFFFFF000  }
0x42: {  	[hbm4b:s2+s1] =	stream.linear.scatter [tilespmem:s31], [sflag:$0x5], $0x1000, $0x38;
	[tilespmem:$0x17380] =	vst v63  }
0x43: {  	_ =	swait.ge [sflag:s5], $0x1000  }
0x44: {  	[sflag:s5] =	ssyncset.done $0x0  }
0x45: {  	s2 =	rddreg [dreg:$0x10];
	[sflag:s5] =	ssyncadd.s32 $0xFFFFF000  }
0x46: {  	[tilespmem:s1], [sflag:$0x5] =	stream.linear.gather [hbm4b:s2+s1], $0x80, $0x38;
	[tilespmem:$0x17380] =	vst v63  }
0x47: {  	_ =	swait.ge [sflag:s5], $0x80  }
0x48: {  	[sflag:s5] =	ssyncset.done $0x0  }
0x49: {  	s2 =	rddreg [dreg:$0x9];
	[sflag:s5] =	ssyncadd.s32 $0xFFFFFF80  }
0x4a: {  	[tilespmem:s31], [sflag:$0x1] =	stream.indirect.gather [hbm4b:s2+s28], $0x20, s1, s28, $0xb8;
	[tilespmem:$0x17380] =	vst v63  }
0x4b: {  	_ =	swait.ge [sflag:s8], $0x1000  }
0x4c: {  	[sflag:s8] =	ssyncset.done $0x0  }
0x4d: {  	[sflag:s8] =	ssyncadd.s32 $0xFFFFF000  }
0x4e: {  	[hbm4b:s25+s1] =	stream.linear.scatter [tilespmem:s31], [sflag:$0x5], $0x1000, $0x38;
	[tilespmem:$0x17380] =	vst v63  }
0x4f: {  	_ =	swait.ge [sflag:s5], $0x1000  }
0x50: {  	[sflag:s5] =	ssyncset.done $0x0  }
0x51: {  	[sflag:s5] =	ssyncadd.s32 $0xFFFFF000  }
0x52: {  	[tilespmem:s28], [sflag:$0x5] =	stream.linear.gather [hbm4b:s23+s1], $0x1900, $0x38;
	[tilespmem:$0x17380] =	vst v63  }
0x53: {  	_ =	swait.ge [sflag:s5], $0x1900  }
0x54: {  	[sflag:s5] =	ssyncset.done $0x0  }
0x55: {  	[sflag:s5] =	ssyncadd.s32 $0xFFFFE700  }
0x56: {  	[tilespmem:s18], [sflag:$0x5] =	stream.linear.gather [hbm4b:s22+s1], $0xA00, $0x38;
	[tilespmem:$0x17380] =	vst v63  }
0x57: {  	_ =	swait.ge [sflag:s5], $0xA00  }
0x58: {  	[sflag:s5] =	ssyncset.done $0x0  }
0x59: {  	[sflag:s5] =	ssyncadd.s32 $0xFFFFF600  }
0x5a: {  	[tilespmem:s9], [sflag:$0x1] =	stream.indirect.gather [hbm4b:s4+s14], $0x20, s28, s14, $0xb8;
	[tilespmem:$0x17380] =	vst v63  }
0x5b: {  	_ = 	snop  }
0x5c: {  	[tilespmem:s12], [sflag:$0x2] =	stream.indirect.gather [hbm4b:s4+s14], $0x20, s30, s14, $0xb8;
	[tilespmem:$0x17380] =	vst v63  }
0x5d: {  	_ =	swait.ge [sflag:s8], $0xA000  }
0x5e: {  	[sflag:s8] =	ssyncset.done $0x0  }
0x5f: {  	[sflag:s8] =	ssyncadd.s32 $0xFFFF6000  }
0x60: {  	[hbm4b:s21+s1] =	stream.linear.scatter [tilespmem:s9], [sflag:$0x3], $0xA000, $0x38;
	[tilespmem:$0x17380] =	vst v63  }
0x61: {  	_ =	swait.ge [sflag:s15], $0xA000  }
0x62: {  	[sflag:s15] =	ssyncset.done $0x0  }
0x63: {  	[sflag:s15] =	ssyncadd.s32 $0xFFFF6000  }
0x64: {  	[tilespmem:s9], [sflag:$0x1] =	stream.indirect.gather [hbm4b:s4+s14], $0x20, s29, s14, $0xb8;
	[tilespmem:$0x17380] =	vst v63  }
0x65: {  	_ =	swait.ge [sflag:s16], $0xA000  }
0x66: {  	[sflag:s16] =	ssyncset.done $0x0  }
0x67: {  	[sflag:s16] =	ssyncadd.s32 $0xFFFF6000  }
0x68: {  	[hbm4b:s19+s1] =	stream.linear.scatter [tilespmem:s12], [sflag:$0x4], $0xA000, $0x38;
	[tilespmem:$0x17380] =	vst v63  }
0x69: {  	_ =	swait.ge [sflag:s11], $0xA000  }
0x6a: {  	[sflag:s11] =	ssyncset.done $0x0  }
0x6b: {  	[sflag:s11] =	ssyncadd.s32 $0xFFFF6000  }
0x6c: {  	[tilespmem:s12], [sflag:$0x2] =	stream.indirect.gather [hbm4b:s4+s14], $0x20, s26, s14, $0xb8;
	[tilespmem:$0x17380] =	vst v63  }
0x6d: {  	_ =	swait.ge [sflag:s8], $0xA000  }
0x6e: {  	[sflag:s8] =	ssyncset.done $0x0  }
0x6f: {  	[sflag:s8] =	ssyncadd.s32 $0xFFFF6000  }
0x70: {  	[hbm4b:s17+s1] =	stream.linear.scatter [tilespmem:s9], [sflag:$0x3], $0xA000, $0x38;
	[tilespmem:$0x17380] =	vst v63  }
0x71: {  	_ =	swait.ge [sflag:s15], $0xA000  }
0x72: {  	[sflag:s15] =	ssyncset.done $0x0  }
0x73: {  	[sflag:s15] =	ssyncadd.s32 $0xFFFF6000  }
0x74: {  	[tilespmem:s9], [sflag:$0x1] =	stream.indirect.gather [hbm4b:s4+s14], $0x20, s24, s14, $0xb8;
	[tilespmem:$0x17380] =	vst v63  }
0x75: {  	_ =	swait.ge [sflag:s16], $0xA000  }
0x76: {  	[sflag:s16] =	ssyncset.done $0x0  }
0x77: {  	[sflag:s16] =	ssyncadd.s32 $0xFFFF6000  }
0x78: {  	[hbm4b:s13+s1] =	stream.linear.scatter [tilespmem:s12], [sflag:$0x4], $0xA000, $0x38;
	[tilespmem:$0x17380] =	vst v63  }
0x79: {  	_ =	swait.ge [sflag:s11], $0xA000  }
0x7a: {  	[sflag:s11] =	ssyncset.done $0x0  }
0x7b: {  	[sflag:s11] =	ssyncadd.s32 $0xFFFF6000  }
0x7c: {  	[tilespmem:s12], [sflag:$0x2] =	stream.indirect.gather [hbm4b:s3+s14], $0x20, s18, s14, $0xb8;
	[tilespmem:$0x17380] =	vst v63  }
0x7d: {  	_ =	swait.ge [sflag:s8], $0xA000  }
0x7e: {  	[sflag:s8] =	ssyncset.done $0x0  }
0x7f: {  	[sflag:s8] =	ssyncadd.s32 $0xFFFF6000  }
0x80: {  	[hbm4b:s10+s1] =	stream.linear.scatter [tilespmem:s9], [sflag:$0x3], $0xA000, $0x38;
	[tilespmem:$0x17380] =	vst v63  }
0x81: {  	_ =	swait.ge [sflag:s15], $0xA000  }
0x82: {  	[sflag:s15] =	ssyncset.done $0x0  }
0x83: {  	[sflag:s15] =	ssyncadd.s32 $0xFFFF6000  }
0x84: {  	[tilespmem:s9], [sflag:$0x1] =	stream.indirect.gather [hbm4b:s3+s14], $0x20, s20, s14, $0xb8;
	[tilespmem:$0x17380] =	vst v63  }
0x85: {  	_ =	swait.ge [sflag:s16], $0xA000  }
0x86: {  	[sflag:s16] =	ssyncset.done $0x0  }
0x87: {  	[sflag:s16] =	ssyncadd.s32 $0xFFFF6000  }
0x88: {  	[hbm4b:s7+s1] =	stream.linear.scatter [tilespmem:s12], [sflag:$0x4], $0xA000, $0x38;
	[tilespmem:$0x17380] =	vst v63  }
0x89: {  	_ =	swait.ge [sflag:s8], $0xA000  }
0x8a: {  	[sflag:s8] =	ssyncset.done $0x0  }
0x8b: {  	p1 =	sne.s32 s0, $0x1;
	[sflag:s8] =	ssyncadd.s32 $0xFFFF6000  }
0x8c: {  	[hbm4b:s6+s1] =	stream.linear.scatter [tilespmem:s9], [sflag:$0x5], $0xA000, $0x38;
	[tilespmem:$0x17380] =	vst v63  }
.Ltmp1:
0x8d: {  	_ =	swait.ge [sflag:s5], $0xA000;
	(pc) =	sbr.rel @!p1 .LBB2_2-.Ltmp1, $4  }
0x8e: {  	[sflag:s5] =	ssyncset.done $0x0  }
0x8f: {  	[sflag:s5] =	ssyncadd.s32 $0xFFFF6000  }
0x90: {  	_ =	swait.ge [sflag:s11], $0xA000  }
0x91: {  	s0 =	sadd.s32 $0xFFFFFFFF, s0;
	p0 =	por $0x1, $0x1;
	[sflag:s11] =	ssyncset.done $0x0  }
.LBB2_3:
0x92: {  	s2 =	rddreg [dreg:$0xa];
	[sflag:s11] =	ssyncadd.s32 $0xFFFF6000  }
0x93: {  	[tilespmem:s1], [sflag:$0x5] =	stream.linear.gather [hbm4b:s2+s1], $0x80, $0x38;
	[tilespmem:$0x17380] =	vst v63  }
0x94: {  	_ =	swait.ge [sflag:s5], $0x80  }
0x95: {  	[sflag:s5] =	ssyncset.done $0x0  }
0x96: {  	s2 =	rddreg [dreg:$0x6];
	[sflag:s5] =	ssyncadd.s32 $0xFFFFFF80  }
0x97: {  	[tilespmem:s31], [sflag:$0x1] =	stream.indirect.gather [hbm4b:s2+s28], $0x20, s1, s28, $0xb8;
	[tilespmem:$0x17380] =	vst v63  }
0x98: {  	_ =	swait.ge [sflag:s8], $0x1000  }
0x99: {  	[sflag:s8] =	ssyncset.done $0x0  }
0x9a: {  	s2 =	rddreg [dreg:$0xb];
	[sflag:s8] =	ssyncadd.s32 $0xFFFFF000  }
0x9b: {  	[hbm4b:s2+s1] =	stream.linear.scatter [tilespmem:s31], [sflag:$0x5], $0x1000, $0x38;
	[tilespmem:$0x17380] =	vst v63  }
0x9c: {  	_ =	swait.ge [sflag:s5], $0x1000  }
0x9d: {  	[sflag:s5] =	ssyncset.done $0x0  }
0x9e: {  	s2 =	rddreg [dreg:$0xc];
	[sflag:s5] =	ssyncadd.s32 $0xFFFFF000  }
0x9f: {  	[tilespmem:s1], [sflag:$0x5] =	stream.linear.gather [hbm4b:s2+s1], $0x80, $0x38;
	[tilespmem:$0x17380] =	vst v63  }
0xa0: {  	_ =	swait.ge [sflag:s5], $0x80  }
0xa1: {  	[sflag:s5] =	ssyncset.done $0x0  }
0xa2: {  	s2 =	rddreg [dreg:$0x7];
	[sflag:s5] =	ssyncadd.s32 $0xFFFFFF80  }
0xa3: {  	[tilespmem:s31], [sflag:$0x1] =	stream.indirect.gather [hbm4b:s2+s28], $0x20, s1, s28, $0xb8;
	[tilespmem:$0x17380] =	vst v63  }
0xa4: {  	_ =	swait.ge [sflag:s8], $0x1000  }
0xa5: {  	[sflag:s8] =	ssyncset.done $0x0  }
0xa6: {  	s2 =	rddreg [dreg:$0xd];
	[sflag:s8] =	ssyncadd.s32 $0xFFFFF000  }
0xa7: {  	[hbm4b:s2+s1] =	stream.linear.scatter [tilespmem:s31], [sflag:$0x5], $0x1000, $0x38;
	[tilespmem:$0x17380] =	vst v63  }
0xa8: {  	_ =	swait.ge [sflag:s5], $0x1000  }
0xa9: {  	[sflag:s5] =	ssyncset.done $0x0  }
0xaa: {  	s2 =	rddreg [dreg:$0xe];
	[sflag:s5] =	ssyncadd.s32 $0xFFFFF000  }
0xab: {  	[tilespmem:s1], [sflag:$0x5] =	stream.linear.gather [hbm4b:s2+s1], $0x80, $0x38;
	[tilespmem:$0x17380] =	vst v63  }
0xac: {  	_ =	swait.ge [sflag:s5], $0x80  }
0xad: {  	[sflag:s5] =	ssyncset.done $0x0  }
0xae: {  	s2 =	rddreg [dreg:$0x8];
	[sflag:s5] =	ssyncadd.s32 $0xFFFFFF80  }
0xaf: {  	[tilespmem:s31], [sflag:$0x1] =	stream.indirect.gather [hbm4b:s2+s28], $0x20, s1, s28, $0xb8;
	[tilespmem:$0x17380] =	vst v63  }
0xb0: {  	_ =	swait.ge [sflag:s8], $0x1000  }
0xb1: {  	[sflag:s8] =	ssyncset.done $0x0  }
0xb2: {  	s2 =	rddreg [dreg:$0xf];
	[sflag:s8] =	ssyncadd.s32 $0xFFFFF000  }
0xb3: {  	[hbm4b:s2+s1] =	stream.linear.scatter [tilespmem:s31], [sflag:$0x5], $0x1000, $0x38;
	[tilespmem:$0x17380] =	vst v63  }
0xb4: {  	_ =	swait.ge [sflag:s5], $0x1000  }
0xb5: {  	[sflag:s5] =	ssyncset.done $0x0  }
0xb6: {  	s2 =	rddreg [dreg:$0x10];
	[sflag:s5] =	ssyncadd.s32 $0xFFFFF000  }
0xb7: {  	[tilespmem:s1], [sflag:$0x5] =	stream.linear.gather [hbm4b:s2+s1], $0x80, $0x38;
	[tilespmem:$0x17380] =	vst v63  }
0xb8: {  	_ =	swait.ge [sflag:s5], $0x80  }
0xb9: {  	[sflag:s5] =	ssyncset.done $0x0  }
0xba: {  	s2 =	rddreg [dreg:$0x9];
	[sflag:s5] =	ssyncadd.s32 $0xFFFFFF80  }
0xbb: {  	[tilespmem:s31], [sflag:$0x1] =	stream.indirect.gather [hbm4b:s2+s28], $0x20, s1, s28, $0xb8;
	[tilespmem:$0x17380] =	vst v63  }
0xbc: {  	_ =	swait.ge [sflag:s8], $0x1000  }
0xbd: {  	[sflag:s8] =	ssyncset.done $0x0  }
0xbe: {  	[sflag:s8] =	ssyncadd.s32 $0xFFFFF000  }
0xbf: {  	[hbm4b:s25+s1] =	stream.linear.scatter [tilespmem:s31], [sflag:$0x5], $0x1000, $0x38;
	[tilespmem:$0x17380] =	vst v63  }
0xc0: {  	_ =	swait.ge [sflag:s5], $0x1000  }
0xc1: {  	[sflag:s5] =	ssyncset.done $0x0  }
0xc2: {  	[sflag:s5] =	ssyncadd.s32 $0xFFFFF000  }
0xc3: {  	[tilespmem:s28], [sflag:$0x5] =	stream.linear.gather [hbm4b:s23+s1], $0x1900, $0x38;
	[tilespmem:$0x17380] =	vst v63  }
0xc4: {  	_ =	swait.ge [sflag:s5], $0x1900  }
0xc5: {  	[sflag:s5] =	ssyncset.done $0x0  }
0xc6: {  	[sflag:s5] =	ssyncadd.s32 $0xFFFFE700  }
0xc7: {  	[tilespmem:s18], [sflag:$0x5] =	stream.linear.gather [hbm4b:s22+s1], $0xA00, $0x38;
	[tilespmem:$0x17380] =	vst v63  }
0xc8: {  	_ =	swait.ge [sflag:s5], $0xA00  }
0xc9: {  	[sflag:s5] =	ssyncset.done $0x0  }
0xca: {  	[sflag:s5] =	ssyncadd.s32 $0xFFFFF600  }
0xcb: {  	[tilespmem:s9], [sflag:$0x1] =	stream.indirect.gather [hbm4b:s4+s14], $0x20, s28, s14, $0xb8;
	[tilespmem:$0x17380] =	vst v63  }
0xcc: {  	_ = 	snop  }
0xcd: {  	[tilespmem:s12], [sflag:$0x2] =	stream.indirect.gather [hbm4b:s4+s14], $0x20, s30, s14, $0xb8;
	[tilespmem:$0x17380] =	vst v63  }
0xce: {  	_ =	swait.ge [sflag:s8], $0xA000  }
0xcf: {  	[sflag:s8] =	ssyncset.done $0x0  }
0xd0: {  	[sflag:s8] =	ssyncadd.s32 $0xFFFF6000  }
0xd1: {  	[hbm4b:s21+s1] =	stream.linear.scatter [tilespmem:s9], [sflag:$0x3], $0xA000, $0x38;
	[tilespmem:$0x17380] =	vst v63  }
0xd2: {  	_ =	swait.ge [sflag:s15], $0xA000  }
0xd3: {  	[sflag:s15] =	ssyncset.done $0x0  }
0xd4: {  	[sflag:s15] =	ssyncadd.s32 $0xFFFF6000  }
0xd5: {  	[tilespmem:s9], [sflag:$0x1] =	stream.indirect.gather [hbm4b:s4+s14], $0x20, s29, s14, $0xb8;
	[tilespmem:$0x17380] =	vst v63  }
0xd6: {  	_ =	swait.ge [sflag:s16], $0xA000  }
0xd7: {  	[sflag:s16] =	ssyncset.done $0x0  }
0xd8: {  	[sflag:s16] =	ssyncadd.s32 $0xFFFF6000  }
0xd9: {  	[hbm4b:s19+s1] =	stream.linear.scatter [tilespmem:s12], [sflag:$0x4], $0xA000, $0x38;
	[tilespmem:$0x17380] =	vst v63  }
0xda: {  	_ =	swait.ge [sflag:s11], $0xA000  }
0xdb: {  	[sflag:s11] =	ssyncset.done $0x0  }
0xdc: {  	[sflag:s11] =	ssyncadd.s32 $0xFFFF6000  }
0xdd: {  	[tilespmem:s12], [sflag:$0x2] =	stream.indirect.gather [hbm4b:s4+s14], $0x20, s26, s14, $0xb8;
	[tilespmem:$0x17380] =	vst v63  }
0xde: {  	_ =	swait.ge [sflag:s8], $0xA000  }
0xdf: {  	[sflag:s8] =	ssyncset.done $0x0  }
0xe0: {  	[sflag:s8] =	ssyncadd.s32 $0xFFFF6000  }
0xe1: {  	[hbm4b:s17+s1] =	stream.linear.scatter [tilespmem:s9], [sflag:$0x3], $0xA000, $0x38;
	[tilespmem:$0x17380] =	vst v63  }
0xe2: {  	_ =	swait.ge [sflag:s15], $0xA000  }
0xe3: {  	[sflag:s15] =	ssyncset.done $0x0  }
0xe4: {  	[sflag:s15] =	ssyncadd.s32 $0xFFFF6000  }
0xe5: {  	[tilespmem:s9], [sflag:$0x1] =	stream.indirect.gather [hbm4b:s4+s14], $0x20, s24, s14, $0xb8;
	[tilespmem:$0x17380] =	vst v63  }
0xe6: {  	_ =	swait.ge [sflag:s16], $0xA000  }
0xe7: {  	[sflag:s16] =	ssyncset.done $0x0  }
0xe8: {  	[sflag:s16] =	ssyncadd.s32 $0xFFFF6000  }
0xe9: {  	[hbm4b:s13+s1] =	stream.linear.scatter [tilespmem:s12], [sflag:$0x4], $0xA000, $0x38;
	[tilespmem:$0x17380] =	vst v63  }
0xea: {  	_ =	swait.ge [sflag:s11], $0xA000  }
0xeb: {  	[sflag:s11] =	ssyncset.done $0x0  }
0xec: {  	[sflag:s11] =	ssyncadd.s32 $0xFFFF6000  }
0xed: {  	[tilespmem:s12], [sflag:$0x2] =	stream.indirect.gather [hbm4b:s3+s14], $0x20, s18, s14, $0xb8;
	[tilespmem:$0x17380] =	vst v63  }
0xee: {  	_ =	swait.ge [sflag:s8], $0xA000  }
0xef: {  	[sflag:s8] =	ssyncset.done $0x0  }
0xf0: {  	[sflag:s8] =	ssyncadd.s32 $0xFFFF6000  }
0xf1: {  	[hbm4b:s10+s1] =	stream.linear.scatter [tilespmem:s9], [sflag:$0x3], $0xA000, $0x38;
	[tilespmem:$0x17380] =	vst v63  }
0xf2: {  	_ =	swait.ge [sflag:s15], $0xA000  }
0xf3: {  	[sflag:s15] =	ssyncset.done $0x0  }
0xf4: {  	[sflag:s15] =	ssyncadd.s32 $0xFFFF6000  }
0xf5: {  	[tilespmem:s9], [sflag:$0x1] =	stream.indirect.gather [hbm4b:s3+s14], $0x20, s20, s14, $0xb8;
	[tilespmem:$0x17380] =	vst v63  }
0xf6: {  	_ =	swait.ge [sflag:s16], $0xA000  }
0xf7: {  	[sflag:s16] =	ssyncset.done $0x0  }
0xf8: {  	[sflag:s16] =	ssyncadd.s32 $0xFFFF6000  }
0xf9: {  	[hbm4b:s7+s1] =	stream.linear.scatter [tilespmem:s12], [sflag:$0x4], $0xA000, $0x38;
	[tilespmem:$0x17380] =	vst v63  }
0xfa: {  	_ =	swait.ge [sflag:s8], $0xA000  }
0xfb: {  	[sflag:s8] =	ssyncset.done $0x0  }
0xfc: {  	p1 =	sne.s32 s0, $0x1;
	[sflag:s8] =	ssyncadd.s32 $0xFFFF6000  }
0xfd: {  	[hbm4b:s6+s1] =	stream.linear.scatter [tilespmem:s9], [sflag:$0x5], $0xA000, $0x38;
	[tilespmem:$0x17380] =	vst v63  }
.Ltmp2:
0xfe: {  	_ =	swait.ge [sflag:s5], $0xA000;
	(pc) =	sbr.rel @p1 .LBB2_3-.Ltmp2, $4  }
0xff: {  	[sflag:s5] =	ssyncset.done $0x0  }
0x100: {  	[sflag:s5] =	ssyncadd.s32 $0xFFFF6000  }
0x101: {  	_ =	swait.ge [sflag:s11], $0xA000  }
0x102: {  	s0 =	sadd.s32 $0xFFFFFFFF, s0;
	[sflag:s11] =	ssyncset.done $0x0  }
0x103: {  	s2 =	stileid.u32  }
.LBB2_5:
0x104: {  	s0 =	rddreg [dreg:$0xa];
	[sflag:s11] =	ssyncadd.s32 @p0 $0xFFFF6000  }
0x105: {  	[tilespmem:s1], [sflag:$0x5] =	stream.linear.gather [hbm4b:s0+s1], $0x80, $0x38;
	[tilespmem:$0x17380] =	vst v63  }
0x106: {  	_ =	swait.ge [sflag:s5], $0x80  }
0x107: {  	[sflag:s5] =	ssyncset.done $0x0  }
0x108: {  	s0 =	rddreg [dreg:$0x6];
	[sflag:s5] =	ssyncadd.s32 $0xFFFFFF80  }
0x109: {  	[tilespmem:s31], [sflag:$0x1] =	stream.indirect.gather [hbm4b:s0+s28], $0x20, s1, s28, $0xb8;
	[tilespmem:$0x17380] =	vst v63  }
0x10a: {  	_ =	swait.ge [sflag:s8], $0x1000  }
0x10b: {  	[sflag:s8] =	ssyncset.done $0x0  }
0x10c: {  	s0 =	rddreg [dreg:$0xb];
	[sflag:s8] =	ssyncadd.s32 $0xFFFFF000  }
0x10d: {  	[hbm4b:s0+s1] =	stream.linear.scatter [tilespmem:s31], [sflag:$0x5], $0x1000, $0x38;
	[tilespmem:$0x17380] =	vst v63  }
0x10e: {  	_ =	swait.ge [sflag:s5], $0x1000  }
0x10f: {  	[sflag:s5] =	ssyncset.done $0x0  }
0x110: {  	s0 =	rddreg [dreg:$0xc];
	[sflag:s5] =	ssyncadd.s32 $0xFFFFF000  }
0x111: {  	[tilespmem:s1], [sflag:$0x5] =	stream.linear.gather [hbm4b:s0+s1], $0x80, $0x38;
	[tilespmem:$0x17380] =	vst v63  }
0x112: {  	_ =	swait.ge [sflag:s5], $0x80  }
0x113: {  	[sflag:s5] =	ssyncset.done $0x0  }
0x114: {  	s0 =	rddreg [dreg:$0x7];
	[sflag:s5] =	ssyncadd.s32 $0xFFFFFF80  }
0x115: {  	[tilespmem:s31], [sflag:$0x1] =	stream.indirect.gather [hbm4b:s0+s28], $0x20, s1, s28, $0xb8;
	[tilespmem:$0x17380] =	vst v63  }
0x116: {  	_ =	swait.ge [sflag:s8], $0x1000  }
0x117: {  	[sflag:s8] =	ssyncset.done $0x0  }
0x118: {  	s0 =	rddreg [dreg:$0xd];
	[sflag:s8] =	ssyncadd.s32 $0xFFFFF000  }
0x119: {  	[hbm4b:s0+s1] =	stream.linear.scatter [tilespmem:s31], [sflag:$0x5], $0x1000, $0x38;
	[tilespmem:$0x17380] =	vst v63  }
0x11a: {  	_ =	swait.ge [sflag:s5], $0x1000  }
0x11b: {  	[sflag:s5] =	ssyncset.done $0x0  }
0x11c: {  	s0 =	rddreg [dreg:$0xe];
	[sflag:s5] =	ssyncadd.s32 $0xFFFFF000  }
0x11d: {  	[tilespmem:s1], [sflag:$0x5] =	stream.linear.gather [hbm4b:s0+s1], $0x80, $0x38;
	[tilespmem:$0x17380] =	vst v63  }
0x11e: {  	_ =	swait.ge [sflag:s5], $0x80  }
0x11f: {  	[sflag:s5] =	ssyncset.done $0x0  }
0x120: {  	s0 =	rddreg [dreg:$0x8];
	[sflag:s5] =	ssyncadd.s32 $0xFFFFFF80  }
0x121: {  	[tilespmem:s31], [sflag:$0x1] =	stream.indirect.gather [hbm4b:s0+s28], $0x20, s1, s28, $0xb8;
	[tilespmem:$0x17380] =	vst v63  }
0x122: {  	_ =	swait.ge [sflag:s8], $0x1000  }
0x123: {  	[sflag:s8] =	ssyncset.done $0x0  }
0x124: {  	s0 =	rddreg [dreg:$0xf];
	[sflag:s8] =	ssyncadd.s32 $0xFFFFF000  }
0x125: {  	[hbm4b:s0+s1] =	stream.linear.scatter [tilespmem:s31], [sflag:$0x5], $0x1000, $0x38;
	[tilespmem:$0x17380] =	vst v63  }
0x126: {  	_ =	swait.ge [sflag:s5], $0x1000  }
0x127: {  	[sflag:s5] =	ssyncset.done $0x0  }
0x128: {  	s0 =	rddreg [dreg:$0x10];
	[sflag:s5] =	ssyncadd.s32 $0xFFFFF000  }
0x129: {  	[tilespmem:s1], [sflag:$0x5] =	stream.linear.gather [hbm4b:s0+s1], $0x80, $0x38;
	[tilespmem:$0x17380] =	vst v63  }
0x12a: {  	_ =	swait.ge [sflag:s5], $0x80  }
0x12b: {  	[sflag:s5] =	ssyncset.done $0x0  }
0x12c: {  	s0 =	rddreg [dreg:$0x9];
	[sflag:s5] =	ssyncadd.s32 $0xFFFFFF80  }
0x12d: {  	[tilespmem:s31], [sflag:$0x1] =	stream.indirect.gather [hbm4b:s0+s28], $0x20, s1, s28, $0xb8;
	[tilespmem:$0x17380] =	vst v63  }
0x12e: {  	_ =	swait.ge [sflag:s8], $0x1000  }
0x12f: {  	[sflag:s8] =	ssyncset.done $0x0  }
0x130: {  	[sflag:s8] =	ssyncadd.s32 $0xFFFFF000  }
0x131: {  	[hbm4b:s25+s1] =	stream.linear.scatter [tilespmem:s31], [sflag:$0x5], $0x1000, $0x38;
	[tilespmem:$0x17380] =	vst v63  }
0x132: {  	_ =	swait.ge [sflag:s5], $0x1000  }
0x133: {  	[sflag:s5] =	ssyncset.done $0x0  }
0x134: {  	[sflag:s5] =	ssyncadd.s32 $0xFFFFF000  }
0x135: {  	[tilespmem:s28], [sflag:$0x5] =	stream.linear.gather [hbm4b:s23+s1], $0x1900, $0x38;
	[tilespmem:$0x17380] =	vst v63  }
0x136: {  	_ =	swait.ge [sflag:s5], $0x1900  }
0x137: {  	[sflag:s5] =	ssyncset.done $0x0  }
0x138: {  	[sflag:s5] =	ssyncadd.s32 $0xFFFFE700  }
0x139: {  	[tilespmem:s18], [sflag:$0x5] =	stream.linear.gather [hbm4b:s22+s1], $0xA00, $0x38;
	[tilespmem:$0x17380] =	vst v63  }
0x13a: {  	_ =	swait.ge [sflag:s5], $0xA00  }
0x13b: {  	[sflag:s5] =	ssyncset.done $0x0  }
0x13c: {  	[sflag:s5] =	ssyncadd.s32 $0xFFFFF600  }
0x13d: {  	[tilespmem:s9], [sflag:$0x1] =	stream.indirect.gather [hbm4b:s4+s14], $0x20, s28, s14, $0xb8;
	[tilespmem:$0x17380] =	vst v63  }
0x13e: {  	_ = 	snop  }
0x13f: {  	[tilespmem:s12], [sflag:$0x2] =	stream.indirect.gather [hbm4b:s4+s14], $0x20, s30, s14, $0xb8;
	[tilespmem:$0x17380] =	vst v63  }
0x140: {  	_ =	swait.ge [sflag:s8], $0xA000  }
0x141: {  	[sflag:s8] =	ssyncset.done $0x0  }
0x142: {  	[sflag:s8] =	ssyncadd.s32 $0xFFFF6000  }
0x143: {  	[hbm4b:s21+s1] =	stream.linear.scatter [tilespmem:s9], [sflag:$0x3], $0xA000, $0x38;
	[tilespmem:$0x17380] =	vst v63  }
0x144: {  	_ =	swait.ge [sflag:s15], $0xA000  }
0x145: {  	[sflag:s15] =	ssyncset.done $0x0  }
0x146: {  	[sflag:s15] =	ssyncadd.s32 $0xFFFF6000  }
0x147: {  	[tilespmem:s9], [sflag:$0x1] =	stream.indirect.gather [hbm4b:s4+s14], $0x20, s29, s14, $0xb8;
	[tilespmem:$0x17380] =	vst v63  }
0x148: {  	_ =	swait.ge [sflag:s16], $0xA000  }
0x149: {  	[sflag:s16] =	ssyncset.done $0x0  }
0x14a: {  	[sflag:s16] =	ssyncadd.s32 $0xFFFF6000  }
0x14b: {  	[hbm4b:s19+s1] =	stream.linear.scatter [tilespmem:s12], [sflag:$0x4], $0xA000, $0x38;
	[tilespmem:$0x17380] =	vst v63  }
0x14c: {  	_ =	swait.ge [sflag:s11], $0xA000  }
0x14d: {  	[sflag:s11] =	ssyncset.done $0x0  }
0x14e: {  	[sflag:s11] =	ssyncadd.s32 $0xFFFF6000  }
0x14f: {  	[tilespmem:s12], [sflag:$0x2] =	stream.indirect.gather [hbm4b:s4+s14], $0x20, s26, s14, $0xb8;
	[tilespmem:$0x17380] =	vst v63  }
0x150: {  	_ =	swait.ge [sflag:s8], $0xA000  }
0x151: {  	[sflag:s8] =	ssyncset.done $0x0  }
0x152: {  	[sflag:s8] =	ssyncadd.s32 $0xFFFF6000  }
0x153: {  	[hbm4b:s17+s1] =	stream.linear.scatter [tilespmem:s9], [sflag:$0x3], $0xA000, $0x38;
	[tilespmem:$0x17380] =	vst v63  }
0x154: {  	_ =	swait.ge [sflag:s15], $0xA000  }
0x155: {  	[sflag:s15] =	ssyncset.done $0x0  }
0x156: {  	[sflag:s15] =	ssyncadd.s32 $0xFFFF6000  }
0x157: {  	[tilespmem:s9], [sflag:$0x1] =	stream.indirect.gather [hbm4b:s4+s14], $0x20, s24, s14, $0xb8;
	[tilespmem:$0x17380] =	vst v63  }
0x158: {  	_ =	swait.ge [sflag:s16], $0xA000  }
0x159: {  	[sflag:s16] =	ssyncset.done $0x0  }
0x15a: {  	[sflag:s16] =	ssyncadd.s32 $0xFFFF6000  }
0x15b: {  	[hbm4b:s13+s1] =	stream.linear.scatter [tilespmem:s12], [sflag:$0x4], $0xA000, $0x38;
	[tilespmem:$0x17380] =	vst v63  }
0x15c: {  	_ =	swait.ge [sflag:s11], $0xA000  }
0x15d: {  	[sflag:s11] =	ssyncset.done $0x0  }
0x15e: {  	[sflag:s11] =	ssyncadd.s32 $0xFFFF6000  }
0x15f: {  	[tilespmem:s12], [sflag:$0x2] =	stream.indirect.gather [hbm4b:s3+s14], $0x20, s18, s14, $0xb8;
	[tilespmem:$0x17380] =	vst v63  }
0x160: {  	_ =	swait.ge [sflag:s8], $0xA000  }
0x161: {  	[sflag:s8] =	ssyncset.done $0x0  }
0x162: {  	[sflag:s8] =	ssyncadd.s32 $0xFFFF6000  }
0x163: {  	[hbm4b:s10+s1] =	stream.linear.scatter [tilespmem:s9], [sflag:$0x3], $0xA000, $0x38;
	[tilespmem:$0x17380] =	vst v63  }
0x164: {  	_ =	swait.ge [sflag:s15], $0xA000  }
0x165: {  	[sflag:s15] =	ssyncset.done $0x0  }
0x166: {  	[sflag:s15] =	ssyncadd.s32 $0xFFFF6000  }
0x167: {  	[tilespmem:s9], [sflag:$0x1] =	stream.indirect.gather [hbm4b:s3+s14], $0x20, s20, s14, $0xb8;
	[tilespmem:$0x17380] =	vst v63  }
0x168: {  	_ =	swait.ge [sflag:s16], $0xA000  }
0x169: {  	[sflag:s16] =	ssyncset.done $0x0  }
0x16a: {  	[sflag:s16] =	ssyncadd.s32 $0xFFFF6000  }
0x16b: {  	[hbm4b:s7+s1] =	stream.linear.scatter [tilespmem:s12], [sflag:$0x4], $0xA000, $0x38;
	[tilespmem:$0x17380] =	vst v63  }
0x16c: {  	_ =	swait.ge [sflag:s8], $0xA000  }
0x16d: {  	[sflag:s8] =	ssyncset.done $0x0  }
0x16e: {  	[sflag:s8] =	ssyncadd.s32 $0xFFFF6000  }
0x16f: {  	[hbm4b:s6+s1] =	stream.linear.scatter [tilespmem:s9], [sflag:$0x5], $0xA000, $0x38;
	[tilespmem:$0x17380] =	vst v63  }
0x170: {  	_ =	swait.ge [sflag:s5], $0xA000  }
0x171: {  	[sflag:s5] =	ssyncset.done $0x0  }
0x172: {  	[sflag:s5] =	ssyncadd.s32 $0xFFFF6000  }
0x173: {  	_ =	swait.ge [sflag:s11], $0xA000  }
0x174: {  	[sflag:s11] =	ssyncset.done $0x0  }
0x175: {  	[sflag:s11] =	ssyncadd.s32 $0xFFFF6000  }
0x176: {  	_ =	sfence.sel $0x180000  }
0x177: {  	[bflag:$0x0] =	sbarrier.arrive $0xFFFF  }
0x178: {  	_ =	strace $0x90000047  }
0x179: {  	[bflag:$0x2] =	sbarrier.arrive $0xFFFF  }
0x17a: {  	p0 =	sne.s32 s2, $0x0;
	s0 =	rddreg [dreg:$0x5]  }
0x17b: {  	s0 =	sadd.s32 @!p0 $0x100000, s0  }
0x17c: {  	[sflag:s0] =	ssyncadd.tile.s32 @!p0 $0x1;
	_ =	shalt  }
.LBB2_2:
.Ltmp3:
0x17d: {  	(pc) =	sbr.rel .LBB2_5-.Ltmp3, $2  }
0x17e: {  	_ =	sdelay $0x2  }
0x17f: {  	s2 =	stileid.u32  }
.Lfunc_end2:
_tile_overlayer_lowered:
.L_overlay_start_2:
0x180: {  	(tag) =	ssettag $0x2  }
0x181: {  	s0 =	rddreg [dreg:$0x0];
	s2 =	stileid.u32  }
0x182: {  	s1 =	rddreg [dreg:$0x1];
	p0 =	sne.s32 s2, $0x0  }
0x183: {  	s3 =	rddreg [dreg:$0x2];
	[bflag:$0x3] =	sbarrier.arrive $0xFFFF;
	s2 =	simm.s32 @!p0 $0x1C05  }
0x184: {  	[timem:s3], [sflag:s2] =	dma.local @!p0 [hbm:s0], s1  }
0x185: {  	s0 =	simm.s32 @!p0 $0x5  }
0x186: {  	_ =	swait.ge @!p0 [sflag:s0], s1  }
0x187: {  	s1 =	ssub.s32 @!p0 $0x0, s1;
	[sflag:s0] =	ssyncset.done @!p0 $0x0  }
0x188: {  	[sflag:s0] =	ssyncadd.s32 @!p0 s1  }
0x189: {  	[bflag:$0x3] =	sbarrier.arrive $0xFFFF  }
0x18a: {  	_ =	shalt  }

</sc_bundles>
